<compile_context>
chip_gen: v7x
topology: tpu7x:2x2x1
jax: 0.10.2.dev20260603
libtpu: 0.0.44.dev20260713+nightly
codegen_flags: <defaults>
</compile_context>

<pallas_src>
import functools

import jax
import jax.numpy as jnp
from jax import lax
from jax.experimental import pallas as pl
from jax.experimental.pallas import tpu as pltpu
from jax.experimental.pallas import tpu_sc as plsc

_NUM_CORES = 2
_NUM_SUBCORES = 16
_NUM_WORKERS = _NUM_CORES * _NUM_SUBCORES

_CH = 512


@functools.lru_cache(maxsize=None)
def _make_detile(num_emb, dim):
    w_lanes = 256
    n_units = num_emb // w_lanes
    tail = num_emb - n_units * w_lanes
    per_w = -(-n_units // _NUM_WORKERS)
    mesh = plsc.VectorSubcoreMesh(core_axis_name="c", subcore_axis_name="s")

    @functools.partial(
        pl.kernel,
        out_type=jax.ShapeDtypeStruct((num_emb * dim,), jnp.float32),
        mesh=mesh,
        scratch_types=[
            [pltpu.VMEM((dim, w_lanes + 1), jnp.float32) for _ in range(2)],
            [pltpu.VMEM((w_lanes * dim,), jnp.float32) for _ in range(2)],
            [pltpu.SemaphoreType.DMA for _ in range(2)],
            [pltpu.SemaphoreType.DMA for _ in range(2)],
        ],
        compiler_params=pltpu.CompilerParams(needs_layout_passes=False),
    )
    def detile(wt_hbm, tail_hbm, out_hbm, blocks, trows, in_sems, out_sems):
        wid = lax.axis_index("s") * _NUM_CORES + lax.axis_index("c")
        u0 = wid * per_w
        n_valid = jnp.clip(n_units - u0, 0, per_w)
        lane = lax.iota(jnp.int32, 16)
        c_pats = [lane + h * 16 for h in range(dim // 16)]

        def start_in(i, b):
            pltpu.async_copy(
                wt_hbm.at[:, pl.ds((u0 + i) * w_lanes, w_lanes)],
                blocks[b].at[:, pl.ds(0, w_lanes)], in_sems[b],
            )

        def start_out(i, b):
            pltpu.async_copy(
                trows[b],
                out_hbm.at[pl.ds((u0 + i) * (w_lanes * dim), w_lanes * dim)],
                out_sems[b],
            )

        def wait_out(b):
            pltpu.make_async_copy(
                trows[b], out_hbm.at[pl.ds(0, w_lanes * dim)], out_sems[b]
            ).wait()

        @pl.when(n_valid > 0)
        def _():
            start_in(0, 0)

        def unit_body(i, carry):
            @pl.when(i < n_valid)
            def _():
                for b in range(2):
                    @pl.when((i & 1) == b)
                    def _():
                        pltpu.make_async_copy(
                            wt_hbm.at[:, pl.ds(0, w_lanes)],
                            blocks[b].at[:, pl.ds(0, w_lanes)], in_sems[b],
                        ).wait()

                        @pl.when(i + 1 < n_valid)
                        def _():
                            start_in(i + 1, 1 - b)

                        @pl.when(i >= 2)
                        def _():
                            wait_out(b)

                        @plsc.parallel_loop(0, w_lanes, unroll=4)
                        def _(t):
                            t_vec = jnp.full((16,), t, jnp.int32)
                            for h in range(dim // 16):
                                vals = plsc.load_gather(
                                    blocks[b], [c_pats[h], t_vec])
                                trows[b][pl.ds(t * dim + h * 16, 16)] = vals

                        start_out(i, b)
            return carry

        lax.fori_loop(0, per_w, unit_body, 0)
        for k in range(2):
            @pl.when(n_valid > k)
            def _():
                for b in range(2):
                    @pl.when(((n_valid - 1 - k) & 1) == b)
                    def _():
                        wait_out(b)

        if tail:
            @pl.when(wid == _NUM_WORKERS - 1)
            def _():
                pltpu.sync_copy(
                    tail_hbm,
                    out_hbm.at[pl.ds(n_units * w_lanes * dim, tail * dim)],
                )

    return detile


@functools.lru_cache(maxsize=None)
def _make_lookup(num_emb, dim, n_i, n_j):
    batch = n_i * n_j
    b_per_w = batch // _NUM_WORKERS
    n_chunks = b_per_w // _CH
    units_per_chunk = _CH // 128
    n_db = dim // 8
    n_ib = n_i // 128
    out_rows = n_j * n_db * n_ib
    mesh = plsc.VectorSubcoreMesh(core_axis_name="c", subcore_axis_name="s")

    @functools.partial(
        pl.kernel,
        out_type=jax.ShapeDtypeStruct((out_rows, 8, 128), jnp.float32),
        mesh=mesh,
        scratch_types=[
            pltpu.VMEM((b_per_w,), jnp.int32),
            [pltpu.VMEM((_CH, dim), jnp.float32) for _ in range(2)],
            [pltpu.VMEM((n_db * units_per_chunk, 8, 129), jnp.float32)
             for _ in range(2)],
            [pltpu.SemaphoreType.DMA for _ in range(2)],
            [pltpu.SemaphoreType.DMA for _ in range(2)],
        ],
        compiler_params=pltpu.CompilerParams(
            use_tc_tiling_on_sc=False, needs_layout_passes=False
        ),
    )
    def lookup(ids_hbm, table_hbm, out_hbm, idx_v, rows, tbufs, g_sems, o_sems):
        wid = lax.axis_index("s") * _NUM_CORES + lax.axis_index("c")
        u_base = wid * (b_per_w // 128)
        pltpu.sync_copy(ids_hbm.at[pl.ds(wid * b_per_w, b_per_w)], idx_v)
        n_half = dim // 16
        lane = lax.iota(jnp.int32, 16)
        di_pat = lane & 7
        row_base = (lane >> 3) * units_per_chunk

        def start_gather(c, b):
            pltpu.async_copy(
                table_hbm.at[idx_v.at[pl.ds(c * _CH, _CH)]], rows[b],
                g_sems[b],
            )

        def wait_outs(b):
            for _ in range(n_db):
                pltpu.make_async_copy(
                    tbufs[b].at[pl.ds(0, units_per_chunk), :, pl.ds(0, 128)],
                    out_hbm.at[pl.ds(0, units_per_chunk), :, :],
                    o_sems[b],
                ).wait()

        start_gather(0, 0)

        def chunk_body(c, carry):
            for b in range(2):
                @pl.when((c & 1) == b)
                def _():
                    pltpu.make_async_copy(
                        table_hbm.at[idx_v.at[pl.ds(0, _CH)]], rows[b],
                        g_sems[b],
                    ).wait()

                    @pl.when(c + 1 < n_chunks)
                    def _():
                        start_gather(c + 1, 1 - b)

                    @pl.when(c >= 2)
                    def _():
                        wait_outs(b)

                    for ib_l in range(units_per_chunk):
                        row_pats = [
                            row_base + (2 * h * units_per_chunk + ib_l)
                            for h in range(n_half)
                        ]

                        @plsc.parallel_loop(0, 128, unroll=4)
                        def _(ii):
                            t = ib_l * 128 + ii
                            ii_vec = jnp.full((16,), ii, jnp.int32)
                            for h in range(n_half):
                                vals = rows[b][t, pl.ds(h * 16, 16)]
                                plsc.store_scatter(
                                    tbufs[b], [row_pats[h], di_pat, ii_vec],
                                    vals,
                                )

                    u0 = u_base + c * units_per_chunk
                    j = u0 // n_ib
                    ib0 = u0 % n_ib
                    for db in range(n_db):
                        r0 = j * (n_db * n_ib) + db * n_ib + ib0
                        pltpu.async_copy(
                            tbufs[b].at[
                                pl.ds(db * units_per_chunk, units_per_chunk),
                                :, pl.ds(0, 128)],
                            out_hbm.at[pl.ds(r0, units_per_chunk), :, :],
                            o_sems[b],
                        )
            return carry

        lax.fori_loop(0, n_chunks, chunk_body, 0)
        for k in range(2):
            if n_chunks > k:
                wait_outs((n_chunks - 1 - k) & 1)

    return lookup


def kernel(token_ids, weight):
    n_i, n_j = token_ids.shape
    num_emb, dim = weight.shape
    ids_t = token_ids.T.reshape(n_i * n_j).astype(jnp.int32)
    n_full = (num_emb // 128) * 128
    tail_rows = weight[n_full:, :].reshape(-1)
    table = _make_detile(num_emb, dim)(weight.T, tail_rows)
    table = table.reshape(num_emb, dim)
    out2d = _make_lookup(num_emb, dim, n_i, n_j)(ids_t, table)
    out5d = out2d.reshape(n_j, dim // 8, n_i // 128, 8, 128)
    return out5d.transpose(2, 4, 0, 1, 3).reshape(n_i, n_j, dim)

# --- scband reference (transcript-rebuilt; emitter-appended) ---
"""Pipeline reference for scband-embedding-37134287241764 (READ-ONLY COPY).

The authoritative reference and input builder live on the scoring server;
editing this copy changes nothing except your own understanding.
"""

import jax, jax.numpy as jnp
import numpy as np

NUM_EMBEDDINGS = 1000000
EMBEDDING_DIM = 32

def setup_inputs(seed: int = 0) -> dict:
    key = jax.random.key(seed)
    k1, k2 = jax.random.split(key)
    token_ids = jax.random.randint(k1, (16384, 20), 0, NUM_EMBEDDINGS, dtype=jnp.int64 if jax.config.jax_enable_x64 else jnp.int32)
    # truncated normal init, mean=0, std=1, a=-3, b=3
    weight = jax.random.truncated_normal(k2, -3.0, 3.0, (NUM_EMBEDDINGS, EMBEDDING_DIM), dtype=jnp.float32)
    return {"token_ids": token_ids, "weight": weight}

def reference(token_ids, weight):
    # Embedding lookup: weight[token_ids]
    return jnp.take(weight, token_ids, axis=0)

if __name__ == "__main__":
    import jax
    _d = setup_inputs()
    print(jax.jit(kernel)(*tuple(_d.values())))

</pallas_src>

<mosaic_0001>
#map = affine_map<(d0, d1) -> (0, 0)>
#map1 = affine_map<(d0, d1) -> (0)>
module attributes {stable_mosaic.version = 14 : i64} {
  func.func @detile(%arg0: i32, %arg1: i32, %arg2: memref<32x1000000xf32, #tpu.memory_space<hbm>>, %arg3: memref<2048xf32, #tpu.memory_space<hbm>>, %arg4: memref<32000000xf32, #tpu.memory_space<hbm>>, %arg5: memref<32x257xf32, #tpu.memory_space<vmem>>, %arg6: memref<32x257xf32, #tpu.memory_space<vmem>>, %arg7: memref<8192xf32, #tpu.memory_space<vmem>>, %arg8: memref<8192xf32, #tpu.memory_space<vmem>>, %arg9: memref<!tpu.dma_semaphore, #tpu.memory_space<semaphore_mem>>, %arg10: memref<!tpu.dma_semaphore, #tpu.memory_space<semaphore_mem>>, %arg11: memref<!tpu.dma_semaphore, #tpu.memory_space<semaphore_mem>>, %arg12: memref<!tpu.dma_semaphore, #tpu.memory_space<semaphore_mem>>) attributes {dimension_semantics = [#tpu.dimension_semantics<core_parallel>, #tpu.dimension_semantics<subcore_parallel>], iteration_bounds = array<i64: 2, 16>, scalar_prefetch = 0 : i64, scratch_operands = 8 : i64, tpu.core_type = #tpu.core_type<sc_vector_subcore>, window_params = [{transform_indices = #map}, {transform_indices = #map1}, {transform_indices = #map1}]} {
    %mul3A = arith.constant 2 : i32
    %mul3A_0 = arith.muli %arg1, %mul3A : i32
    %add3A = arith.addi %mul3A_0, %arg0 : i32
    %mul3A_1 = arith.constant 123 : i32
    %mul3A_2 = arith.muli %add3A, %mul3A_1 : i32
    %sub3A = arith.constant 3906 : i32
    %sub3A_3 = arith.subi %sub3A, %mul3A_2 : i32
    %jit3A = arith.constant 0 : i32
    %jit3A_4 = arith.constant 123 : i32
    %max3A = arith.maxsi %jit3A, %sub3A_3 : i32
    %min3A = arith.minsi %jit3A_4, %max3A : i32
    %iota3A = tpu.iota {dimensions = array<i32: 0>} : vector<16xi32>
    %add3A_5 = arith.constant 0 : i32
    %add3A_6 = vector.broadcast %add3A_5 : i32 to vector<16xi32>
    %add3A_7 = arith.addi %iota3A, %add3A_6 : vector<16xi32>
    %add3A_8 = arith.constant 16 : i32
    %add3A_9 = vector.broadcast %add3A_8 : i32 to vector<16xi32>
    %add3A_10 = arith.addi %iota3A, %add3A_9 : vector<16xi32>
    %gt3A = arith.constant 0 : i32
    %gt3A_11 = arith.cmpi sgt, %min3A, %gt3A : i32
    %convert_element_type3A = arith.extui %gt3A_11 : i1 to i32
    %cond3A = arith.constant 0 : i32
    %cond3A_12 = arith.cmpi ne, %convert_element_type3A, %cond3A : i32
    scf.if %cond3A_12 {
      %add3A_32 = arith.constant 0 : i32
      %add3A_33 = arith.addi %mul3A_2, %add3A_32 : i32
      %mul3A_34 = arith.constant 256 : i32
      %mul3A_35 = arith.muli %add3A_33, %mul3A_34 : i32
      %dma_start3A = arith.constant 0 : i32
      %dma_start3A_36 = arith.constant 0 : i32
      %dma_start3A_37 = tpu.memref_slice %arg5[%dma_start3A, %dma_start3A_36] : memref<32x257xf32, #tpu.memory_space<vmem>> -> memref<32x256xf32, #tpu.memory_space<vmem>>
      %dma_start3A_38 = arith.constant 0 : i32
      %dma_start3A_39 = tpu.memref_slice %arg2[%dma_start3A_38, %mul3A_35] : memref<32x1000000xf32, #tpu.memory_space<hbm>> -> memref<32x256xf32, #tpu.memory_space<hbm>>
      %dma_start3A_40 = arith.constant 0 : i32
      %dma_start3A_41 = arith.constant 0 : i32
      %dma_start3A_42 = tpu.memref_slice %arg5[%dma_start3A_40, %dma_start3A_41] : memref<32x257xf32, #tpu.memory_space<vmem>> -> memref<32x256xf32, #tpu.memory_space<vmem>>
      %dma_start3A_43 = arith.constant 0 : i32
      %dma_start3A_44 = tpu.memref_slice %arg2[%dma_start3A_43, %mul3A_35] : memref<32x1000000xf32, #tpu.memory_space<hbm>> -> memref<32x256xf32, #tpu.memory_space<hbm>>
      tpu.enqueue_dma source(%dma_start3A_44 : memref<32x256xf32, #tpu.memory_space<hbm>>) target(%dma_start3A_42 : memref<32x256xf32, #tpu.memory_space<vmem>>) target_semaphore(%arg9 : memref<!tpu.dma_semaphore, #tpu.memory_space<semaphore_mem>>)
    } else {
    }
    %scan3A = arith.constant 0 : i32
    %scan3A_13 = arith.constant 0 : i32
    %scan3A_14 = arith.constant 123 : i32
    %scan3A_15 = arith.addi %scan3A_13, %scan3A_14 : i32
    %scan3A_16 = arith.constant 1 : i32
    scf.for %scan3A_32 = %scan3A_13 to %scan3A_15 step %scan3A_16  : i32 {
      %lt3A = arith.cmpi slt, %scan3A_32, %min3A : i32
      %convert_element_type3A_33 = arith.extui %lt3A : i1 to i32
      %cond3A_34 = arith.constant 0 : i32
      %cond3A_35 = arith.cmpi ne, %convert_element_type3A_33, %cond3A_34 : i32
      scf.if %cond3A_35 {
        %and3A = arith.constant 1 : i32
        %and3A_36 = arith.andi %scan3A_32, %and3A : i32
        %eq3A_37 = arith.constant 0 : i32
        %eq3A_38 = arith.cmpi eq, %and3A_36, %eq3A_37 : i32
        %convert_element_type3A_39 = arith.extui %eq3A_38 : i1 to i32
        %cond3A_40 = arith.constant 0 : i32
        %cond3A_41 = arith.cmpi ne, %convert_element_type3A_39, %cond3A_40 : i32
        scf.if %cond3A_41 {
          %dma_wait3A = arith.constant 0 : i32
          %dma_wait3A_49 = arith.constant 0 : i32
          %dma_wait3A_50 = tpu.memref_slice %arg5[%dma_wait3A, %dma_wait3A_49] : memref<32x257xf32, #tpu.memory_space<vmem>> -> memref<32x256xf32, #tpu.memory_space<vmem>>
          %dma_wait3A_51 = arith.constant 0 : i32
          %dma_wait3A_52 = arith.constant 0 : i32
          %dma_wait3A_53 = tpu.memref_slice %arg2[%dma_wait3A_51, %dma_wait3A_52] : memref<32x1000000xf32, #tpu.memory_space<hbm>> -> memref<32x256xf32, #tpu.memory_space<hbm>>
          %dma_wait3A_54 = arith.constant 0 : i32
          %dma_wait3A_55 = arith.constant 0 : i32
          %dma_wait3A_56 = tpu.memref_slice %arg5[%dma_wait3A_54, %dma_wait3A_55] : memref<32x257xf32, #tpu.memory_space<vmem>> -> memref<32x256xf32, #tpu.memory_space<vmem>>
          %dma_wait3A_57 = arith.constant 0 : i32
          %dma_wait3A_58 = arith.constant 0 : i32
          %dma_wait3A_59 = tpu.memref_slice %arg2[%dma_wait3A_57, %dma_wait3A_58] : memref<32x1000000xf32, #tpu.memory_space<hbm>> -> memref<32x256xf32, #tpu.memory_space<hbm>>
          tpu.wait_dma2 semaphore(%arg9 : memref<!tpu.dma_semaphore, #tpu.memory_space<semaphore_mem>>) src(%dma_wait3A_59 : memref<32x256xf32, #tpu.memory_space<hbm>>) dst(%dma_wait3A_56 : memref<32x256xf32, #tpu.memory_space<vmem>>)
          %add3A_60 = arith.constant 1 : i32
          %add3A_61 = arith.addi %scan3A_32, %add3A_60 : i32
          %lt3A_62 = arith.cmpi slt, %add3A_61, %min3A : i32
          %convert_element_type3A_63 = arith.extui %lt3A_62 : i1 to i32
          %cond3A_64 = arith.constant 0 : i32
          %cond3A_65 = arith.cmpi ne, %convert_element_type3A_63, %cond3A_64 : i32
          scf.if %cond3A_65 {
            %add3A_76 = arith.constant 1 : i32
            %add3A_77 = arith.addi %scan3A_32, %add3A_76 : i32
            %add3A_78 = arith.addi %mul3A_2, %add3A_77 : i32
            %mul3A_79 = arith.constant 256 : i32
            %mul3A_80 = arith.muli %add3A_78, %mul3A_79 : i32
            %dma_start3A_81 = arith.constant 0 : i32
            %dma_start3A_82 = arith.constant 0 : i32
            %dma_start3A_83 = tpu.memref_slice %arg6[%dma_start3A_81, %dma_start3A_82] : memref<32x257xf32, #tpu.memory_space<vmem>> -> memref<32x256xf32, #tpu.memory_space<vmem>>
            %dma_start3A_84 = arith.constant 0 : i32
            %dma_start3A_85 = tpu.memref_slice %arg2[%dma_start3A_84, %mul3A_80] : memref<32x1000000xf32, #tpu.memory_space<hbm>> -> memref<32x256xf32, #tpu.memory_space<hbm>>
            %dma_start3A_86 = arith.constant 0 : i32
            %dma_start3A_87 = arith.constant 0 : i32
            %dma_start3A_88 = tpu.memref_slice %arg6[%dma_start3A_86, %dma_start3A_87] : memref<32x257xf32, #tpu.memory_space<vmem>> -> memref<32x256xf32, #tpu.memory_space<vmem>>
            %dma_start3A_89 = arith.constant 0 : i32
            %dma_start3A_90 = tpu.memref_slice %arg2[%dma_start3A_89, %mul3A_80] : memref<32x1000000xf32, #tpu.memory_space<hbm>> -> memref<32x256xf32, #tpu.memory_space<hbm>>
            tpu.enqueue_dma source(%dma_start3A_90 : memref<32x256xf32, #tpu.memory_space<hbm>>) target(%dma_start3A_88 : memref<32x256xf32, #tpu.memory_space<vmem>>) target_semaphore(%arg10 : memref<!tpu.dma_semaphore, #tpu.memory_space<semaphore_mem>>)
          } else {
          }
          %ge3A = arith.constant 2 : i32
          %ge3A_66 = arith.cmpi sge, %scan3A_32, %ge3A : i32
          %convert_element_type3A_67 = arith.extui %ge3A_66 : i1 to i32
          %cond3A_68 = arith.constant 0 : i32
          %cond3A_69 = arith.cmpi ne, %convert_element_type3A_67, %cond3A_68 : i32
          scf.if %cond3A_69 {
            %dma_wait3A_76 = arith.constant 0 : i32
            %dma_wait3A_77 = tpu.memref_slice %arg4[%dma_wait3A_76] : memref<32000000xf32, #tpu.memory_space<hbm>> -> memref<8192xf32, #tpu.memory_space<hbm>>
            %dma_wait3A_78 = arith.constant 0 : i32
            %dma_wait3A_79 = tpu.memref_slice %arg4[%dma_wait3A_78] : memref<32000000xf32, #tpu.memory_space<hbm>> -> memref<8192xf32, #tpu.memory_space<hbm>>
            tpu.wait_dma2 semaphore(%arg11 : memref<!tpu.dma_semaphore, #tpu.memory_space<semaphore_mem>>) src(%arg7 : memref<8192xf32, #tpu.memory_space<vmem>>) dst(%dma_wait3A_79 : memref<8192xf32, #tpu.memory_space<hbm>>)
          } else {
          }
          %parallel_loop3A = arith.constant 0 : i32
          %parallel_loop3A_70 = arith.constant 256 : i32
          %parallel_loop3A_71 = arith.constant 1 : i32
          scf.for %parallel_loop3A_76 = %parallel_loop3A to %parallel_loop3A_70 step %parallel_loop3A_71  : i32 {
            %parallel_loop3A_77 = vector.broadcast %parallel_loop3A_76 : i32 to vector<16xi32>
            %parallel_loop3A_78 = tpu.vector_load_idx %arg5[%add3A_7, %parallel_loop3A_77] : memref<32x257xf32, #tpu.memory_space<vmem>>[vector<16xi32>, vector<16xi32>], vector<16xf32>,
            %parallel_loop3A_79 = arith.constant 32 : i32
            %parallel_loop3A_80 = arith.muli %parallel_loop3A_76, %parallel_loop3A_79 : i32
            %parallel_loop3A_81 = arith.constant 0 : i32
            %parallel_loop3A_82 = arith.addi %parallel_loop3A_80, %parallel_loop3A_81 : i32
            %parallel_loop3A_83 = arith.index_cast %parallel_loop3A_82 : i32 to index
            %parallel_loop3A_84 = tpu.vector_load %arg7[%parallel_loop3A_83] {strides = array<i32>} : memref<8192xf32, #tpu.memory_space<vmem>>, vector<16xf32>,
            tpu.vector_store %arg7[%parallel_loop3A_83], %parallel_loop3A_78 {strides = array<i32>} : memref<8192xf32, #tpu.memory_space<vmem>>, vector<16xf32>,
            %parallel_loop3A_85 = tpu.vector_load_idx %arg5[%add3A_10, %parallel_loop3A_77] : memref<32x257xf32, #tpu.memory_space<vmem>>[vector<16xi32>, vector<16xi32>], vector<16xf32>,
            %parallel_loop3A_86 = arith.constant 32 : i32
            %parallel_loop3A_87 = arith.muli %parallel_loop3A_76, %parallel_loop3A_86 : i32
            %parallel_loop3A_88 = arith.constant 16 : i32
            %parallel_loop3A_89 = arith.addi %parallel_loop3A_87, %parallel_loop3A_88 : i32
            %parallel_loop3A_90 = arith.index_cast %parallel_loop3A_89 : i32 to index
            %parallel_loop3A_91 = tpu.vector_load %arg7[%parallel_loop3A_90] {strides = array<i32>} : memref<8192xf32, #tpu.memory_space<vmem>>, vector<16xf32>,
            tpu.vector_store %arg7[%parallel_loop3A_90], %parallel_loop3A_85 {strides = array<i32>} : memref<8192xf32, #tpu.memory_space<vmem>>, vector<16xf32>,
          } {sc.loop_unroll_factor = 4 : i64, sc.parallel_access}
          %add3A_72 = arith.addi %mul3A_2, %scan3A_32 : i32
          %mul3A_73 = arith.constant 8192 : i32
          %mul3A_74 = arith.muli %add3A_72, %mul3A_73 : i32
          %dma_start3A = tpu.memref_slice %arg4[%mul3A_74] : memref<32000000xf32, #tpu.memory_space<hbm>> -> memref<8192xf32, #tpu.memory_space<hbm>>
          %dma_start3A_75 = tpu.memref_slice %arg4[%mul3A_74] : memref<32000000xf32, #tpu.memory_space<hbm>> -> memref<8192xf32, #tpu.memory_space<hbm>>
          tpu.enqueue_dma source(%arg7 : memref<8192xf32, #tpu.memory_space<vmem>>) target(%dma_start3A_75 : memref<8192xf32, #tpu.memory_space<hbm>>) target_semaphore(%arg11 : memref<!tpu.dma_semaphore, #tpu.memory_space<semaphore_mem>>)
        } else {
        }
        %and3A_42 = arith.constant 1 : i32
        %and3A_43 = arith.andi %scan3A_32, %and3A_42 : i32
        %eq3A_44 = arith.constant 1 : i32
        %eq3A_45 = arith.cmpi eq, %and3A_43, %eq3A_44 : i32
        %convert_element_type3A_46 = arith.extui %eq3A_45 : i1 to i32
        %cond3A_47 = arith.constant 0 : i32
        %cond3A_48 = arith.cmpi ne, %convert_element_type3A_46, %cond3A_47 : i32
        scf.if %cond3A_48 {
          %dma_wait3A = arith.constant 0 : i32
          %dma_wait3A_49 = arith.constant 0 : i32
          %dma_wait3A_50 = tpu.memref_slice %arg6[%dma_wait3A, %dma_wait3A_49] : memref<32x257xf32, #tpu.memory_space<vmem>> -> memref<32x256xf32, #tpu.memory_space<vmem>>
          %dma_wait3A_51 = arith.constant 0 : i32
          %dma_wait3A_52 = arith.constant 0 : i32
          %dma_wait3A_53 = tpu.memref_slice %arg2[%dma_wait3A_51, %dma_wait3A_52] : memref<32x1000000xf32, #tpu.memory_space<hbm>> -> memref<32x256xf32, #tpu.memory_space<hbm>>
          %dma_wait3A_54 = arith.constant 0 : i32
          %dma_wait3A_55 = arith.constant 0 : i32
          %dma_wait3A_56 = tpu.memref_slice %arg6[%dma_wait3A_54, %dma_wait3A_55] : memref<32x257xf32, #tpu.memory_space<vmem>> -> memref<32x256xf32, #tpu.memory_space<vmem>>
          %dma_wait3A_57 = arith.constant 0 : i32
          %dma_wait3A_58 = arith.constant 0 : i32
          %dma_wait3A_59 = tpu.memref_slice %arg2[%dma_wait3A_57, %dma_wait3A_58] : memref<32x1000000xf32, #tpu.memory_space<hbm>> -> memref<32x256xf32, #tpu.memory_space<hbm>>
          tpu.wait_dma2 semaphore(%arg10 : memref<!tpu.dma_semaphore, #tpu.memory_space<semaphore_mem>>) src(%dma_wait3A_59 : memref<32x256xf32, #tpu.memory_space<hbm>>) dst(%dma_wait3A_56 : memref<32x256xf32, #tpu.memory_space<vmem>>)
          %add3A_60 = arith.constant 1 : i32
          %add3A_61 = arith.addi %scan3A_32, %add3A_60 : i32
          %lt3A_62 = arith.cmpi slt, %add3A_61, %min3A : i32
          %convert_element_type3A_63 = arith.extui %lt3A_62 : i1 to i32
          %cond3A_64 = arith.constant 0 : i32
          %cond3A_65 = arith.cmpi ne, %convert_element_type3A_63, %cond3A_64 : i32
          scf.if %cond3A_65 {
            %add3A_76 = arith.constant 1 : i32
            %add3A_77 = arith.addi %scan3A_32, %add3A_76 : i32
            %add3A_78 = arith.addi %mul3A_2, %add3A_77 : i32
            %mul3A_79 = arith.constant 256 : i32
            %mul3A_80 = arith.muli %add3A_78, %mul3A_79 : i32
            %dma_start3A_81 = arith.constant 0 : i32
            %dma_start3A_82 = arith.constant 0 : i32
            %dma_start3A_83 = tpu.memref_slice %arg5[%dma_start3A_81, %dma_start3A_82] : memref<32x257xf32, #tpu.memory_space<vmem>> -> memref<32x256xf32, #tpu.memory_space<vmem>>
            %dma_start3A_84 = arith.constant 0 : i32
            %dma_start3A_85 = tpu.memref_slice %arg2[%dma_start3A_84, %mul3A_80] : memref<32x1000000xf32, #tpu.memory_space<hbm>> -> memref<32x256xf32, #tpu.memory_space<hbm>>
            %dma_start3A_86 = arith.constant 0 : i32
            %dma_start3A_87 = arith.constant 0 : i32
            %dma_start3A_88 = tpu.memref_slice %arg5[%dma_start3A_86, %dma_start3A_87] : memref<32x257xf32, #tpu.memory_space<vmem>> -> memref<32x256xf32, #tpu.memory_space<vmem>>
            %dma_start3A_89 = arith.constant 0 : i32
            %dma_start3A_90 = tpu.memref_slice %arg2[%dma_start3A_89, %mul3A_80] : memref<32x1000000xf32, #tpu.memory_space<hbm>> -> memref<32x256xf32, #tpu.memory_space<hbm>>
            tpu.enqueue_dma source(%dma_start3A_90 : memref<32x256xf32, #tpu.memory_space<hbm>>) target(%dma_start3A_88 : memref<32x256xf32, #tpu.memory_space<vmem>>) target_semaphore(%arg9 : memref<!tpu.dma_semaphore, #tpu.memory_space<semaphore_mem>>)
          } else {
          }
          %ge3A = arith.constant 2 : i32
          %ge3A_66 = arith.cmpi sge, %scan3A_32, %ge3A : i32
          %convert_element_type3A_67 = arith.extui %ge3A_66 : i1 to i32
          %cond3A_68 = arith.constant 0 : i32
          %cond3A_69 = arith.cmpi ne, %convert_element_type3A_67, %cond3A_68 : i32
          scf.if %cond3A_69 {
            %dma_wait3A_76 = arith.constant 0 : i32
            %dma_wait3A_77 = tpu.memref_slice %arg4[%dma_wait3A_76] : memref<32000000xf32, #tpu.memory_space<hbm>> -> memref<8192xf32, #tpu.memory_space<hbm>>
            %dma_wait3A_78 = arith.constant 0 : i32
            %dma_wait3A_79 = tpu.memref_slice %arg4[%dma_wait3A_78] : memref<32000000xf32, #tpu.memory_space<hbm>> -> memref<8192xf32, #tpu.memory_space<hbm>>
            tpu.wait_dma2 semaphore(%arg12 : memref<!tpu.dma_semaphore, #tpu.memory_space<semaphore_mem>>) src(%arg8 : memref<8192xf32, #tpu.memory_space<vmem>>) dst(%dma_wait3A_79 : memref<8192xf32, #tpu.memory_space<hbm>>)
          } else {
          }
          %parallel_loop3A = arith.constant 0 : i32
          %parallel_loop3A_70 = arith.constant 256 : i32
          %parallel_loop3A_71 = arith.constant 1 : i32
          scf.for %parallel_loop3A_76 = %parallel_loop3A to %parallel_loop3A_70 step %parallel_loop3A_71  : i32 {
            %parallel_loop3A_77 = vector.broadcast %parallel_loop3A_76 : i32 to vector<16xi32>
            %parallel_loop3A_78 = tpu.vector_load_idx %arg6[%add3A_7, %parallel_loop3A_77] : memref<32x257xf32, #tpu.memory_space<vmem>>[vector<16xi32>, vector<16xi32>], vector<16xf32>,
            %parallel_loop3A_79 = arith.constant 32 : i32
            %parallel_loop3A_80 = arith.muli %parallel_loop3A_76, %parallel_loop3A_79 : i32
            %parallel_loop3A_81 = arith.constant 0 : i32
            %parallel_loop3A_82 = arith.addi %parallel_loop3A_80, %parallel_loop3A_81 : i32
            %parallel_loop3A_83 = arith.index_cast %parallel_loop3A_82 : i32 to index
            %parallel_loop3A_84 = tpu.vector_load %arg8[%parallel_loop3A_83] {strides = array<i32>} : memref<8192xf32, #tpu.memory_space<vmem>>, vector<16xf32>,
            tpu.vector_store %arg8[%parallel_loop3A_83], %parallel_loop3A_78 {strides = array<i32>} : memref<8192xf32, #tpu.memory_space<vmem>>, vector<16xf32>,
            %parallel_loop3A_85 = tpu.vector_load_idx %arg6[%add3A_10, %parallel_loop3A_77] : memref<32x257xf32, #tpu.memory_space<vmem>>[vector<16xi32>, vector<16xi32>], vector<16xf32>,
            %parallel_loop3A_86 = arith.constant 32 : i32
            %parallel_loop3A_87 = arith.muli %parallel_loop3A_76, %parallel_loop3A_86 : i32
            %parallel_loop3A_88 = arith.constant 16 : i32
            %parallel_loop3A_89 = arith.addi %parallel_loop3A_87, %parallel_loop3A_88 : i32
            %parallel_loop3A_90 = arith.index_cast %parallel_loop3A_89 : i32 to index
            %parallel_loop3A_91 = tpu.vector_load %arg8[%parallel_loop3A_90] {strides = array<i32>} : memref<8192xf32, #tpu.memory_space<vmem>>, vector<16xf32>,
            tpu.vector_store %arg8[%parallel_loop3A_90], %parallel_loop3A_85 {strides = array<i32>} : memref<8192xf32, #tpu.memory_space<vmem>>, vector<16xf32>,
          } {sc.loop_unroll_factor = 4 : i64, sc.parallel_access}
          %add3A_72 = arith.addi %mul3A_2, %scan3A_32 : i32
          %mul3A_73 = arith.constant 8192 : i32
          %mul3A_74 = arith.muli %add3A_72, %mul3A_73 : i32
          %dma_start3A = tpu.memref_slice %arg4[%mul3A_74] : memref<32000000xf32, #tpu.memory_space<hbm>> -> memref<8192xf32, #tpu.memory_space<hbm>>
          %dma_start3A_75 = tpu.memref_slice %arg4[%mul3A_74] : memref<32000000xf32, #tpu.memory_space<hbm>> -> memref<8192xf32, #tpu.memory_space<hbm>>
          tpu.enqueue_dma source(%arg8 : memref<8192xf32, #tpu.memory_space<vmem>>) target(%dma_start3A_75 : memref<8192xf32, #tpu.memory_space<hbm>>) target_semaphore(%arg12 : memref<!tpu.dma_semaphore, #tpu.memory_space<semaphore_mem>>)
        } else {
        }
      } else {
      }
    }
    %scan3A_17 = arith.constant 123 : i32
    %gt3A_18 = arith.constant 0 : i32
    %gt3A_19 = arith.cmpi sgt, %min3A, %gt3A_18 : i32
    %convert_element_type3A_20 = arith.extui %gt3A_19 : i1 to i32
    %cond3A_21 = arith.constant 0 : i32
    %cond3A_22 = arith.cmpi ne, %convert_element_type3A_20, %cond3A_21 : i32
    scf.if %cond3A_22 {
      %sub3A_32 = arith.constant 1 : i32
      %sub3A_33 = arith.subi %min3A, %sub3A_32 : i32
      %sub3A_34 = arith.constant 0 : i32
      %sub3A_35 = arith.subi %sub3A_33, %sub3A_34 : i32
      %and3A = arith.constant 1 : i32
      %and3A_36 = arith.andi %sub3A_35, %and3A : i32
      %eq3A_37 = arith.constant 0 : i32
      %eq3A_38 = arith.cmpi eq, %and3A_36, %eq3A_37 : i32
      %convert_element_type3A_39 = arith.extui %eq3A_38 : i1 to i32
      %cond3A_40 = arith.constant 0 : i32
      %cond3A_41 = arith.cmpi ne, %convert_element_type3A_39, %cond3A_40 : i32
      scf.if %cond3A_41 {
        %dma_wait3A = arith.constant 0 : i32
        %dma_wait3A_53 = tpu.memref_slice %arg4[%dma_wait3A] : memref<32000000xf32, #tpu.memory_space<hbm>> -> memref<8192xf32, #tpu.memory_space<hbm>>
        %dma_wait3A_54 = arith.constant 0 : i32
        %dma_wait3A_55 = tpu.memref_slice %arg4[%dma_wait3A_54] : memref<32000000xf32, #tpu.memory_space<hbm>> -> memref<8192xf32, #tpu.memory_space<hbm>>
        tpu.wait_dma2 semaphore(%arg11 : memref<!tpu.dma_semaphore, #tpu.memory_space<semaphore_mem>>) src(%arg7 : memref<8192xf32, #tpu.memory_space<vmem>>) dst(%dma_wait3A_55 : memref<8192xf32, #tpu.memory_space<hbm>>)
      } else {
      }
      %sub3A_42 = arith.constant 1 : i32
      %sub3A_43 = arith.subi %min3A, %sub3A_42 : i32
      %sub3A_44 = arith.constant 0 : i32
      %sub3A_45 = arith.subi %sub3A_43, %sub3A_44 : i32
      %and3A_46 = arith.constant 1 : i32
      %and3A_47 = arith.andi %sub3A_45, %and3A_46 : i32
      %eq3A_48 = arith.constant 1 : i32
      %eq3A_49 = arith.cmpi eq, %and3A_47, %eq3A_48 : i32
      %convert_element_type3A_50 = arith.extui %eq3A_49 : i1 to i32
      %cond3A_51 = arith.constant 0 : i32
      %cond3A_52 = arith.cmpi ne, %convert_element_type3A_50, %cond3A_51 : i32
      scf.if %cond3A_52 {
        %dma_wait3A = arith.constant 0 : i32
        %dma_wait3A_53 = tpu.memref_slice %arg4[%dma_wait3A] : memref<32000000xf32, #tpu.memory_space<hbm>> -> memref<8192xf32, #tpu.memory_space<hbm>>
        %dma_wait3A_54 = arith.constant 0 : i32
        %dma_wait3A_55 = tpu.memref_slice %arg4[%dma_wait3A_54] : memref<32000000xf32, #tpu.memory_space<hbm>> -> memref<8192xf32, #tpu.memory_space<hbm>>
        tpu.wait_dma2 semaphore(%arg12 : memref<!tpu.dma_semaphore, #tpu.memory_space<semaphore_mem>>) src(%arg8 : memref<8192xf32, #tpu.memory_space<vmem>>) dst(%dma_wait3A_55 : memref<8192xf32, #tpu.memory_space<hbm>>)
      } else {
      }
    } else {
    }
    %gt3A_23 = arith.constant 1 : i32
    %gt3A_24 = arith.cmpi sgt, %min3A, %gt3A_23 : i32
    %convert_element_type3A_25 = arith.extui %gt3A_24 : i1 to i32
    %cond3A_26 = arith.constant 0 : i32
    %cond3A_27 = arith.cmpi ne, %convert_element_type3A_25, %cond3A_26 : i32
    scf.if %cond3A_27 {
      %sub3A_32 = arith.constant 1 : i32
      %sub3A_33 = arith.subi %min3A, %sub3A_32 : i32
      %sub3A_34 = arith.constant 1 : i32
      %sub3A_35 = arith.subi %sub3A_33, %sub3A_34 : i32
      %and3A = arith.constant 1 : i32
      %and3A_36 = arith.andi %sub3A_35, %and3A : i32
      %eq3A_37 = arith.constant 0 : i32
      %eq3A_38 = arith.cmpi eq, %and3A_36, %eq3A_37 : i32
      %convert_element_type3A_39 = arith.extui %eq3A_38 : i1 to i32
      %cond3A_40 = arith.constant 0 : i32
      %cond3A_41 = arith.cmpi ne, %convert_element_type3A_39, %cond3A_40 : i32
      scf.if %cond3A_41 {
        %dma_wait3A = arith.constant 0 : i32
        %dma_wait3A_53 = tpu.memref_slice %arg4[%dma_wait3A] : memref<32000000xf32, #tpu.memory_space<hbm>> -> memref<8192xf32, #tpu.memory_space<hbm>>
        %dma_wait3A_54 = arith.constant 0 : i32
        %dma_wait3A_55 = tpu.memref_slice %arg4[%dma_wait3A_54] : memref<32000000xf32, #tpu.memory_space<hbm>> -> memref<8192xf32, #tpu.memory_space<hbm>>
        tpu.wait_dma2 semaphore(%arg11 : memref<!tpu.dma_semaphore, #tpu.memory_space<semaphore_mem>>) src(%arg7 : memref<8192xf32, #tpu.memory_space<vmem>>) dst(%dma_wait3A_55 : memref<8192xf32, #tpu.memory_space<hbm>>)
      } else {
      }
      %sub3A_42 = arith.constant 1 : i32
      %sub3A_43 = arith.subi %min3A, %sub3A_42 : i32
      %sub3A_44 = arith.constant 1 : i32
      %sub3A_45 = arith.subi %sub3A_43, %sub3A_44 : i32
      %and3A_46 = arith.constant 1 : i32
      %and3A_47 = arith.andi %sub3A_45, %and3A_46 : i32
      %eq3A_48 = arith.constant 1 : i32
      %eq3A_49 = arith.cmpi eq, %and3A_47, %eq3A_48 : i32
      %convert_element_type3A_50 = arith.extui %eq3A_49 : i1 to i32
      %cond3A_51 = arith.constant 0 : i32
      %cond3A_52 = arith.cmpi ne, %convert_element_type3A_50, %cond3A_51 : i32
      scf.if %cond3A_52 {
        %dma_wait3A = arith.constant 0 : i32
        %dma_wait3A_53 = tpu.memref_slice %arg4[%dma_wait3A] : memref<32000000xf32, #tpu.memory_space<hbm>> -> memref<8192xf32, #tpu.memory_space<hbm>>
        %dma_wait3A_54 = arith.constant 0 : i32
        %dma_wait3A_55 = tpu.memref_slice %arg4[%dma_wait3A_54] : memref<32000000xf32, #tpu.memory_space<hbm>> -> memref<8192xf32, #tpu.memory_space<hbm>>
        tpu.wait_dma2 semaphore(%arg12 : memref<!tpu.dma_semaphore, #tpu.memory_space<semaphore_mem>>) src(%arg8 : memref<8192xf32, #tpu.memory_space<vmem>>) dst(%dma_wait3A_55 : memref<8192xf32, #tpu.memory_space<hbm>>)
      } else {
      }
    } else {
    }
    %eq3A = arith.constant 31 : i32
    %eq3A_28 = arith.cmpi eq, %add3A, %eq3A : i32
    %convert_element_type3A_29 = arith.extui %eq3A_28 : i1 to i32
    %cond3A_30 = arith.constant 0 : i32
    %cond3A_31 = arith.cmpi ne, %convert_element_type3A_29, %cond3A_30 : i32
    scf.if %cond3A_31 {
      "tpu.region"() ({
        %run_scoped3A = tpu.sem_alloc : memref<!tpu.dma_semaphore, #tpu.memory_space<semaphore_mem>>
        %dma_start3A = arith.constant 31997952 : i32
        %dma_start3A_32 = tpu.memref_slice %arg4[%dma_start3A] : memref<32000000xf32, #tpu.memory_space<hbm>> -> memref<2048xf32, #tpu.memory_space<hbm>>
        tpu.enqueue_dma source(%arg3 : memref<2048xf32, #tpu.memory_space<hbm>>) target(%dma_start3A_32 : memref<2048xf32, #tpu.memory_space<hbm>>) target_semaphore(%run_scoped3A : memref<!tpu.dma_semaphore, #tpu.memory_space<semaphore_mem>>)
        %dma_wait3A = arith.constant 31997952 : i32
        %dma_wait3A_33 = tpu.memref_slice %arg4[%dma_wait3A] : memref<32000000xf32, #tpu.memory_space<hbm>> -> memref<2048xf32, #tpu.memory_space<hbm>>
        tpu.wait_dma2 semaphore(%run_scoped3A : memref<!tpu.dma_semaphore, #tpu.memory_space<semaphore_mem>>) src(%arg3 : memref<2048xf32, #tpu.memory_space<hbm>>) dst(%dma_wait3A_33 : memref<2048xf32, #tpu.memory_space<hbm>>)
        tpu.yield
      }) : () -> ()
    } else {
    }
    return
  }
}

#map = affine_map<(d0, d1) -> (0)>
#map1 = affine_map<(d0, d1) -> (0, 0)>
#map2 = affine_map<(d0, d1) -> (0, 0, 0)>
module attributes {stable_mosaic.version = 14 : i64} {
  func.func @lookup(%arg0: i32, %arg1: i32, %arg2: memref<327680xi32, #tpu.memory_space<hbm>>, %arg3: memref<1000000x32xf32, #tpu.memory_space<hbm>>, %arg4: memref<10240x8x128xf32, #tpu.memory_space<hbm>>, %arg5: memref<10240xi32, #tpu.memory_space<vmem>>, %arg6: memref<512x32xf32, #tpu.memory_space<vmem>>, %arg7: memref<512x32xf32, #tpu.memory_space<vmem>>, %arg8: memref<16x8x129xf32, #tpu.memory_space<vmem>>, %arg9: memref<16x8x129xf32, #tpu.memory_space<vmem>>, %arg10: memref<!tpu.dma_semaphore, #tpu.memory_space<semaphore_mem>>, %arg11: memref<!tpu.dma_semaphore, #tpu.memory_space<semaphore_mem>>, %arg12: memref<!tpu.dma_semaphore, #tpu.memory_space<semaphore_mem>>, %arg13: memref<!tpu.dma_semaphore, #tpu.memory_space<semaphore_mem>>) attributes {dimension_semantics = [#tpu.dimension_semantics<core_parallel>, #tpu.dimension_semantics<subcore_parallel>], iteration_bounds = array<i64: 2, 16>, scalar_prefetch = 0 : i64, scratch_operands = 9 : i64, tpu.core_type = #tpu.core_type<sc_vector_subcore>, window_params = [{transform_indices = #map}, {transform_indices = #map1}, {transform_indices = #map2}]} {
    %mul3A = arith.constant 2 : i32
    %mul3A_0 = arith.muli %arg1, %mul3A : i32
    %add3A = arith.addi %mul3A_0, %arg0 : i32
    %mul3A_1 = arith.constant 80 : i32
    %mul3A_2 = arith.muli %add3A, %mul3A_1 : i32
    %mul3A_3 = arith.constant 10240 : i32
    %mul3A_4 = arith.muli %add3A, %mul3A_3 : i32
    "tpu.region"() ({
      %run_scoped3A = tpu.sem_alloc : memref<!tpu.dma_semaphore, #tpu.memory_space<semaphore_mem>>
      %dma_start3A_148 = tpu.memref_slice %arg2[%mul3A_4] : memref<327680xi32, #tpu.memory_space<hbm>> -> memref<10240xi32, #tpu.memory_space<hbm>>
      %dma_start3A_149 = tpu.memref_slice %arg2[%mul3A_4] : memref<327680xi32, #tpu.memory_space<hbm>> -> memref<10240xi32, #tpu.memory_space<hbm>>
      tpu.enqueue_dma source(%dma_start3A_149 : memref<10240xi32, #tpu.memory_space<hbm>>) target(%arg5 : memref<10240xi32, #tpu.memory_space<vmem>>) target_semaphore(%run_scoped3A : memref<!tpu.dma_semaphore, #tpu.memory_space<semaphore_mem>>)
      %dma_wait3A_150 = tpu.memref_slice %arg2[%mul3A_4] : memref<327680xi32, #tpu.memory_space<hbm>> -> memref<10240xi32, #tpu.memory_space<hbm>>
      %dma_wait3A_151 = tpu.memref_slice %arg2[%mul3A_4] : memref<327680xi32, #tpu.memory_space<hbm>> -> memref<10240xi32, #tpu.memory_space<hbm>>
      tpu.wait_dma2 semaphore(%run_scoped3A : memref<!tpu.dma_semaphore, #tpu.memory_space<semaphore_mem>>) src(%dma_wait3A_151 : memref<10240xi32, #tpu.memory_space<hbm>>) dst(%arg5 : memref<10240xi32, #tpu.memory_space<vmem>>)
      tpu.yield
    }) : () -> ()
    %iota3A = tpu.iota {dimensions = array<i32: 0>} : vector<16xi32>
    %and3A = arith.constant 7 : i32
    %and3A_5 = vector.broadcast %and3A : i32 to vector<16xi32>
    %and3A_6 = arith.andi %iota3A, %and3A_5 : vector<16xi32>
    %shift_right_arithmetic3A = arith.constant 3 : i32
    %shift_right_arithmetic3A_7 = vector.broadcast %shift_right_arithmetic3A : i32 to vector<16xi32>
    %shift_right_arithmetic3A_8 = arith.shrsi %iota3A, %shift_right_arithmetic3A_7 : vector<16xi32>
    %mul3A_9 = arith.constant 4 : i32
    %mul3A_10 = vector.broadcast %mul3A_9 : i32 to vector<16xi32>
    %mul3A_11 = arith.muli %shift_right_arithmetic3A_8, %mul3A_10 : vector<16xi32>
    %dma_start3A = arith.constant 0 : i32
    %dma_start3A_12 = tpu.memref_slice %arg5[%dma_start3A] : memref<10240xi32, #tpu.memory_space<vmem>> -> memref<512xi32, #tpu.memory_space<vmem>>
    %dma_start3A_13 = arith.constant 0 : i32
    %dma_start3A_14 = arith.constant 0 : i32
    %dma_start3A_15 = tpu.memref_slice %arg3[%dma_start3A_13, %dma_start3A_14] : memref<1000000x32xf32, #tpu.memory_space<hbm>> -> memref<1000000x32xf32, #tpu.memory_space<hbm>>
    tpu.enqueue_indirect_dma source(%dma_start3A_15 : memref<1000000x32xf32, #tpu.memory_space<hbm>>) target(%arg6 : memref<512x32xf32, #tpu.memory_space<vmem>>) offsets(%dma_start3A_12 : memref<512xi32, #tpu.memory_space<vmem>>) semaphore(%arg10 : memref<!tpu.dma_semaphore, #tpu.memory_space<semaphore_mem>>)
    %scan3A = arith.constant 0 : i32
    %scan3A_16 = arith.constant 0 : i32
    %scan3A_17 = arith.constant 20 : i32
    %scan3A_18 = arith.addi %scan3A_16, %scan3A_17 : i32
    %scan3A_19 = arith.constant 1 : i32
    scf.for %scan3A_148 = %scan3A_16 to %scan3A_18 step %scan3A_19  : i32 {
      %and3A_149 = arith.constant 1 : i32
      %and3A_150 = arith.andi %scan3A_148, %and3A_149 : i32
      %eq3A = arith.constant 0 : i32
      %eq3A_151 = arith.cmpi eq, %and3A_150, %eq3A : i32
      %convert_element_type3A = arith.extui %eq3A_151 : i1 to i32
      %cond3A = arith.constant 0 : i32
      %cond3A_152 = arith.cmpi ne, %convert_element_type3A, %cond3A : i32
      scf.if %cond3A_152 {
        %dma_wait3A_160 = arith.constant 0 : i32
        %dma_wait3A_161 = tpu.memref_slice %arg5[%dma_wait3A_160] : memref<10240xi32, #tpu.memory_space<vmem>> -> memref<512xi32, #tpu.memory_space<vmem>>
        %dma_wait3A_162 = arith.constant 0 : i32
        %dma_wait3A_163 = arith.constant 0 : i32
        %dma_wait3A_164 = tpu.memref_slice %arg3[%dma_wait3A_162, %dma_wait3A_163] : memref<1000000x32xf32, #tpu.memory_space<hbm>> -> memref<1000000x32xf32, #tpu.memory_space<hbm>>
        tpu.wait_indirect_dma semaphore(%arg10 : memref<!tpu.dma_semaphore, #tpu.memory_space<semaphore_mem>>) src(%dma_wait3A_164 : memref<1000000x32xf32, #tpu.memory_space<hbm>>) dst(%arg6 : memref<512x32xf32, #tpu.memory_space<vmem>>)
        %add3A_165 = arith.constant 1 : i32
        %add3A_166 = arith.addi %scan3A_148, %add3A_165 : i32
        %lt3A = arith.constant 20 : i32
        %lt3A_167 = arith.cmpi slt, %add3A_166, %lt3A : i32
        %convert_element_type3A_168 = arith.extui %lt3A_167 : i1 to i32
        %cond3A_169 = arith.constant 0 : i32
        %cond3A_170 = arith.cmpi ne, %convert_element_type3A_168, %cond3A_169 : i32
        scf.if %cond3A_170 {
          %add3A_322 = arith.constant 1 : i32
          %add3A_323 = arith.addi %scan3A_148, %add3A_322 : i32
          %mul3A_324 = arith.constant 512 : i32
          %mul3A_325 = arith.muli %add3A_323, %mul3A_324 : i32
          %dma_start3A_326 = tpu.memref_slice %arg5[%mul3A_325] : memref<10240xi32, #tpu.memory_space<vmem>> -> memref<512xi32, #tpu.memory_space<vmem>>
          %dma_start3A_327 = arith.constant 0 : i32
          %dma_start3A_328 = arith.constant 0 : i32
          %dma_start3A_329 = tpu.memref_slice %arg3[%dma_start3A_327, %dma_start3A_328] : memref<1000000x32xf32, #tpu.memory_space<hbm>> -> memref<1000000x32xf32, #tpu.memory_space<hbm>>
          tpu.enqueue_indirect_dma source(%dma_start3A_329 : memref<1000000x32xf32, #tpu.memory_space<hbm>>) target(%arg7 : memref<512x32xf32, #tpu.memory_space<vmem>>) offsets(%dma_start3A_326 : memref<512xi32, #tpu.memory_space<vmem>>) semaphore(%arg11 : memref<!tpu.dma_semaphore, #tpu.memory_space<semaphore_mem>>)
        } else {
        }
        %ge3A = arith.constant 2 : i32
        %ge3A_171 = arith.cmpi sge, %scan3A_148, %ge3A : i32
        %convert_element_type3A_172 = arith.extui %ge3A_171 : i1 to i32
        %cond3A_173 = arith.constant 0 : i32
        %cond3A_174 = arith.cmpi ne, %convert_element_type3A_172, %cond3A_173 : i32
        scf.if %cond3A_174 {
          %dma_wait3A_322 = arith.constant 0 : i32
          %dma_wait3A_323 = arith.constant 0 : i32
          %dma_wait3A_324 = arith.constant 0 : i32
          %dma_wait3A_325 = tpu.memref_slice %arg8[%dma_wait3A_322, %dma_wait3A_323, %dma_wait3A_324] : memref<16x8x129xf32, #tpu.memory_space<vmem>> -> memref<4x8x128xf32, #tpu.memory_space<vmem>>
          %dma_wait3A_326 = arith.constant 0 : i32
          %dma_wait3A_327 = arith.constant 0 : i32
          %dma_wait3A_328 = arith.constant 0 : i32
          %dma_wait3A_329 = tpu.memref_slice %arg4[%dma_wait3A_326, %dma_wait3A_327, %dma_wait3A_328] : memref<10240x8x128xf32, #tpu.memory_space<hbm>> -> memref<4x8x128xf32, #tpu.memory_space<hbm>>
          %dma_wait3A_330 = arith.constant 0 : i32
          %dma_wait3A_331 = arith.constant 0 : i32
          %dma_wait3A_332 = arith.constant 0 : i32
          %dma_wait3A_333 = tpu.memref_slice %arg4[%dma_wait3A_330, %dma_wait3A_331, %dma_wait3A_332] : memref<10240x8x128xf32, #tpu.memory_space<hbm>> -> memref<4x8x128xf32, #tpu.memory_space<hbm>>
          %dma_wait3A_334 = arith.constant 0 : i32
          %dma_wait3A_335 = arith.constant 0 : i32
          %dma_wait3A_336 = arith.constant 0 : i32
          %dma_wait3A_337 = tpu.memref_slice %arg8[%dma_wait3A_334, %dma_wait3A_335, %dma_wait3A_336] : memref<16x8x129xf32, #tpu.memory_space<vmem>> -> memref<4x8x128xf32, #tpu.memory_space<vmem>>
          tpu.wait_dma2 semaphore(%arg12 : memref<!tpu.dma_semaphore, #tpu.memory_space<semaphore_mem>>) src(%dma_wait3A_337 : memref<4x8x128xf32, #tpu.memory_space<vmem>>) dst(%dma_wait3A_333 : memref<4x8x128xf32, #tpu.memory_space<hbm>>)
          %dma_wait3A_338 = arith.constant 0 : i32
          %dma_wait3A_339 = arith.constant 0 : i32
          %dma_wait3A_340 = arith.constant 0 : i32
          %dma_wait3A_341 = tpu.memref_slice %arg8[%dma_wait3A_338, %dma_wait3A_339, %dma_wait3A_340] : memref<16x8x129xf32, #tpu.memory_space<vmem>> -> memref<4x8x128xf32, #tpu.memory_space<vmem>>
          %dma_wait3A_342 = arith.constant 0 : i32
          %dma_wait3A_343 = arith.constant 0 : i32
          %dma_wait3A_344 = arith.constant 0 : i32
          %dma_wait3A_345 = tpu.memref_slice %arg4[%dma_wait3A_342, %dma_wait3A_343, %dma_wait3A_344] : memref<10240x8x128xf32, #tpu.memory_space<hbm>> -> memref<4x8x128xf32, #tpu.memory_space<hbm>>
          %dma_wait3A_346 = arith.constant 0 : i32
          %dma_wait3A_347 = arith.constant 0 : i32
          %dma_wait3A_348 = arith.constant 0 : i32
          %dma_wait3A_349 = tpu.memref_slice %arg4[%dma_wait3A_346, %dma_wait3A_347, %dma_wait3A_348] : memref<10240x8x128xf32, #tpu.memory_space<hbm>> -> memref<4x8x128xf32, #tpu.memory_space<hbm>>
          %dma_wait3A_350 = arith.constant 0 : i32
          %dma_wait3A_351 = arith.constant 0 : i32
          %dma_wait3A_352 = arith.constant 0 : i32
          %dma_wait3A_353 = tpu.memref_slice %arg8[%dma_wait3A_350, %dma_wait3A_351, %dma_wait3A_352] : memref<16x8x129xf32, #tpu.memory_space<vmem>> -> memref<4x8x128xf32, #tpu.memory_space<vmem>>
          tpu.wait_dma2 semaphore(%arg12 : memref<!tpu.dma_semaphore, #tpu.memory_space<semaphore_mem>>) src(%dma_wait3A_353 : memref<4x8x128xf32, #tpu.memory_space<vmem>>) dst(%dma_wait3A_349 : memref<4x8x128xf32, #tpu.memory_space<hbm>>)
          %dma_wait3A_354 = arith.constant 0 : i32
          %dma_wait3A_355 = arith.constant 0 : i32
          %dma_wait3A_356 = arith.constant 0 : i32
          %dma_wait3A_357 = tpu.memref_slice %arg8[%dma_wait3A_354, %dma_wait3A_355, %dma_wait3A_356] : memref<16x8x129xf32, #tpu.memory_space<vmem>> -> memref<4x8x128xf32, #tpu.memory_space<vmem>>
          %dma_wait3A_358 = arith.constant 0 : i32
          %dma_wait3A_359 = arith.constant 0 : i32
          %dma_wait3A_360 = arith.constant 0 : i32
          %dma_wait3A_361 = tpu.memref_slice %arg4[%dma_wait3A_358, %dma_wait3A_359, %dma_wait3A_360] : memref<10240x8x128xf32, #tpu.memory_space<hbm>> -> memref<4x8x128xf32, #tpu.memory_space<hbm>>
          %dma_wait3A_362 = arith.constant 0 : i32
          %dma_wait3A_363 = arith.constant 0 : i32
          %dma_wait3A_364 = arith.constant 0 : i32
          %dma_wait3A_365 = tpu.memref_slice %arg4[%dma_wait3A_362, %dma_wait3A_363, %dma_wait3A_364] : memref<10240x8x128xf32, #tpu.memory_space<hbm>> -> memref<4x8x128xf32, #tpu.memory_space<hbm>>
          %dma_wait3A_366 = arith.constant 0 : i32
          %dma_wait3A_367 = arith.constant 0 : i32
          %dma_wait3A_368 = arith.constant 0 : i32
          %dma_wait3A_369 = tpu.memref_slice %arg8[%dma_wait3A_366, %dma_wait3A_367, %dma_wait3A_368] : memref<16x8x129xf32, #tpu.memory_space<vmem>> -> memref<4x8x128xf32, #tpu.memory_space<vmem>>
          tpu.wait_dma2 semaphore(%arg12 : memref<!tpu.dma_semaphore, #tpu.memory_space<semaphore_mem>>) src(%dma_wait3A_369 : memref<4x8x128xf32, #tpu.memory_space<vmem>>) dst(%dma_wait3A_365 : memref<4x8x128xf32, #tpu.memory_space<hbm>>)
          %dma_wait3A_370 = arith.constant 0 : i32
          %dma_wait3A_371 = arith.constant 0 : i32
          %dma_wait3A_372 = arith.constant 0 : i32
          %dma_wait3A_373 = tpu.memref_slice %arg8[%dma_wait3A_370, %dma_wait3A_371, %dma_wait3A_372] : memref<16x8x129xf32, #tpu.memory_space<vmem>> -> memref<4x8x128xf32, #tpu.memory_space<vmem>>
          %dma_wait3A_374 = arith.constant 0 : i32
          %dma_wait3A_375 = arith.constant 0 : i32
          %dma_wait3A_376 = arith.constant 0 : i32
          %dma_wait3A_377 = tpu.memref_slice %arg4[%dma_wait3A_374, %dma_wait3A_375, %dma_wait3A_376] : memref<10240x8x128xf32, #tpu.memory_space<hbm>> -> memref<4x8x128xf32, #tpu.memory_space<hbm>>
          %dma_wait3A_378 = arith.constant 0 : i32
          %dma_wait3A_379 = arith.constant 0 : i32
          %dma_wait3A_380 = arith.constant 0 : i32
          %dma_wait3A_381 = tpu.memref_slice %arg4[%dma_wait3A_378, %dma_wait3A_379, %dma_wait3A_380] : memref<10240x8x128xf32, #tpu.memory_space<hbm>> -> memref<4x8x128xf32, #tpu.memory_space<hbm>>
          %dma_wait3A_382 = arith.constant 0 : i32
          %dma_wait3A_383 = arith.constant 0 : i32
          %dma_wait3A_384 = arith.constant 0 : i32
          %dma_wait3A_385 = tpu.memref_slice %arg8[%dma_wait3A_382, %dma_wait3A_383, %dma_wait3A_384] : memref<16x8x129xf32, #tpu.memory_space<vmem>> -> memref<4x8x128xf32, #tpu.memory_space<vmem>>
          tpu.wait_dma2 semaphore(%arg12 : memref<!tpu.dma_semaphore, #tpu.memory_space<semaphore_mem>>) src(%dma_wait3A_385 : memref<4x8x128xf32, #tpu.memory_space<vmem>>) dst(%dma_wait3A_381 : memref<4x8x128xf32, #tpu.memory_space<hbm>>)
        } else {
        }
        %add3A_175 = arith.constant 0 : i32
        %add3A_176 = vector.broadcast %add3A_175 : i32 to vector<16xi32>
        %add3A_177 = arith.addi %mul3A_11, %add3A_176 : vector<16xi32>
        %add3A_178 = arith.constant 8 : i32
        %add3A_179 = vector.broadcast %add3A_178 : i32 to vector<16xi32>
        %add3A_180 = arith.addi %mul3A_11, %add3A_179 : vector<16xi32>
        %parallel_loop3A = arith.constant 0 : i32
        %parallel_loop3A_181 = arith.constant 128 : i32
        %parallel_loop3A_182 = arith.constant 1 : i32
        scf.for %parallel_loop3A_322 = %parallel_loop3A to %parallel_loop3A_181 step %parallel_loop3A_182  : i32 {
          %parallel_loop3A_323 = arith.constant 0 : i32
          %parallel_loop3A_324 = arith.addi %parallel_loop3A_323, %parallel_loop3A_322 : i32
          %parallel_loop3A_325 = vector.broadcast %parallel_loop3A_322 : i32 to vector<16xi32>
          %parallel_loop3A_326 = arith.index_cast %parallel_loop3A_324 : i32 to index
          %parallel_loop3A_327 = arith.constant 0 : index
          %parallel_loop3A_328 = tpu.vector_load %arg6[%parallel_loop3A_326, %parallel_loop3A_327] {strides = array<i32>} : memref<512x32xf32, #tpu.memory_space<vmem>>, vector<16xf32>,
          tpu.vector_store_idx %arg8[%add3A_177, %and3A_6, %parallel_loop3A_325], %parallel_loop3A_328 : memref<16x8x129xf32, #tpu.memory_space<vmem>>[vector<16xi32>, vector<16xi32>, vector<16xi32>], vector<16xf32>,
          %parallel_loop3A_329 = arith.index_cast %parallel_loop3A_324 : i32 to index
          %parallel_loop3A_330 = arith.constant 16 : index
          %parallel_loop3A_331 = tpu.vector_load %arg6[%parallel_loop3A_329, %parallel_loop3A_330] {strides = array<i32>} : memref<512x32xf32, #tpu.memory_space<vmem>>, vector<16xf32>,
          tpu.vector_store_idx %arg8[%add3A_180, %and3A_6, %parallel_loop3A_325], %parallel_loop3A_331 : memref<16x8x129xf32, #tpu.memory_space<vmem>>[vector<16xi32>, vector<16xi32>, vector<16xi32>], vector<16xf32>,
        } {sc.loop_unroll_factor = 4 : i64, sc.parallel_access}
        %add3A_183 = arith.constant 1 : i32
        %add3A_184 = vector.broadcast %add3A_183 : i32 to vector<16xi32>
        %add3A_185 = arith.addi %mul3A_11, %add3A_184 : vector<16xi32>
        %add3A_186 = arith.constant 9 : i32
        %add3A_187 = vector.broadcast %add3A_186 : i32 to vector<16xi32>
        %add3A_188 = arith.addi %mul3A_11, %add3A_187 : vector<16xi32>
        %parallel_loop3A_189 = arith.constant 0 : i32
        %parallel_loop3A_190 = arith.constant 128 : i32
        %parallel_loop3A_191 = arith.constant 1 : i32
        scf.for %parallel_loop3A_322 = %parallel_loop3A_189 to %parallel_loop3A_190 step %parallel_loop3A_191  : i32 {
          %parallel_loop3A_323 = arith.constant 128 : i32
          %parallel_loop3A_324 = arith.addi %parallel_loop3A_323, %parallel_loop3A_322 : i32
          %parallel_loop3A_325 = vector.broadcast %parallel_loop3A_322 : i32 to vector<16xi32>
          %parallel_loop3A_326 = arith.index_cast %parallel_loop3A_324 : i32 to index
          %parallel_loop3A_327 = arith.constant 0 : index
          %parallel_loop3A_328 = tpu.vector_load %arg6[%parallel_loop3A_326, %parallel_loop3A_327] {strides = array<i32>} : memref<512x32xf32, #tpu.memory_space<vmem>>, vector<16xf32>,
          tpu.vector_store_idx %arg8[%add3A_185, %and3A_6, %parallel_loop3A_325], %parallel_loop3A_328 : memref<16x8x129xf32, #tpu.memory_space<vmem>>[vector<16xi32>, vector<16xi32>, vector<16xi32>], vector<16xf32>,
          %parallel_loop3A_329 = arith.index_cast %parallel_loop3A_324 : i32 to index
          %parallel_loop3A_330 = arith.constant 16 : index
          %parallel_loop3A_331 = tpu.vector_load %arg6[%parallel_loop3A_329, %parallel_loop3A_330] {strides = array<i32>} : memref<512x32xf32, #tpu.memory_space<vmem>>, vector<16xf32>,
          tpu.vector_store_idx %arg8[%add3A_188, %and3A_6, %parallel_loop3A_325], %parallel_loop3A_331 : memref<16x8x129xf32, #tpu.memory_space<vmem>>[vector<16xi32>, vector<16xi32>, vector<16xi32>], vector<16xf32>,
        } {sc.loop_unroll_factor = 4 : i64, sc.parallel_access}
        %add3A_192 = arith.constant 2 : i32
        %add3A_193 = vector.broadcast %add3A_192 : i32 to vector<16xi32>
        %add3A_194 = arith.addi %mul3A_11, %add3A_193 : vector<16xi32>
        %add3A_195 = arith.constant 10 : i32
        %add3A_196 = vector.broadcast %add3A_195 : i32 to vector<16xi32>
        %add3A_197 = arith.addi %mul3A_11, %add3A_196 : vector<16xi32>
        %parallel_loop3A_198 = arith.constant 0 : i32
        %parallel_loop3A_199 = arith.constant 128 : i32
        %parallel_loop3A_200 = arith.constant 1 : i32
        scf.for %parallel_loop3A_322 = %parallel_loop3A_198 to %parallel_loop3A_199 step %parallel_loop3A_200  : i32 {
          %parallel_loop3A_323 = arith.constant 256 : i32
          %parallel_loop3A_324 = arith.addi %parallel_loop3A_323, %parallel_loop3A_322 : i32
          %parallel_loop3A_325 = vector.broadcast %parallel_loop3A_322 : i32 to vector<16xi32>
          %parallel_loop3A_326 = arith.index_cast %parallel_loop3A_324 : i32 to index
          %parallel_loop3A_327 = arith.constant 0 : index
          %parallel_loop3A_328 = tpu.vector_load %arg6[%parallel_loop3A_326, %parallel_loop3A_327] {strides = array<i32>} : memref<512x32xf32, #tpu.memory_space<vmem>>, vector<16xf32>,
          tpu.vector_store_idx %arg8[%add3A_194, %and3A_6, %parallel_loop3A_325], %parallel_loop3A_328 : memref<16x8x129xf32, #tpu.memory_space<vmem>>[vector<16xi32>, vector<16xi32>, vector<16xi32>], vector<16xf32>,
          %parallel_loop3A_329 = arith.index_cast %parallel_loop3A_324 : i32 to index
          %parallel_loop3A_330 = arith.constant 16 : index
          %parallel_loop3A_331 = tpu.vector_load %arg6[%parallel_loop3A_329, %parallel_loop3A_330] {strides = array<i32>} : memref<512x32xf32, #tpu.memory_space<vmem>>, vector<16xf32>,
          tpu.vector_store_idx %arg8[%add3A_197, %and3A_6, %parallel_loop3A_325], %parallel_loop3A_331 : memref<16x8x129xf32, #tpu.memory_space<vmem>>[vector<16xi32>, vector<16xi32>, vector<16xi32>], vector<16xf32>,
        } {sc.loop_unroll_factor = 4 : i64, sc.parallel_access}
        %add3A_201 = arith.constant 3 : i32
        %add3A_202 = vector.broadcast %add3A_201 : i32 to vector<16xi32>
        %add3A_203 = arith.addi %mul3A_11, %add3A_202 : vector<16xi32>
        %add3A_204 = arith.constant 11 : i32
        %add3A_205 = vector.broadcast %add3A_204 : i32 to vector<16xi32>
        %add3A_206 = arith.addi %mul3A_11, %add3A_205 : vector<16xi32>
        %parallel_loop3A_207 = arith.constant 0 : i32
        %parallel_loop3A_208 = arith.constant 128 : i32
        %parallel_loop3A_209 = arith.constant 1 : i32
        scf.for %parallel_loop3A_322 = %parallel_loop3A_207 to %parallel_loop3A_208 step %parallel_loop3A_209  : i32 {
          %parallel_loop3A_323 = arith.constant 384 : i32
          %parallel_loop3A_324 = arith.addi %parallel_loop3A_323, %parallel_loop3A_322 : i32
          %parallel_loop3A_325 = vector.broadcast %parallel_loop3A_322 : i32 to vector<16xi32>
          %parallel_loop3A_326 = arith.index_cast %parallel_loop3A_324 : i32 to index
          %parallel_loop3A_327 = arith.constant 0 : index
          %parallel_loop3A_328 = tpu.vector_load %arg6[%parallel_loop3A_326, %parallel_loop3A_327] {strides = array<i32>} : memref<512x32xf32, #tpu.memory_space<vmem>>, vector<16xf32>,
          tpu.vector_store_idx %arg8[%add3A_203, %and3A_6, %parallel_loop3A_325], %parallel_loop3A_328 : memref<16x8x129xf32, #tpu.memory_space<vmem>>[vector<16xi32>, vector<16xi32>, vector<16xi32>], vector<16xf32>,
          %parallel_loop3A_329 = arith.index_cast %parallel_loop3A_324 : i32 to index
          %parallel_loop3A_330 = arith.constant 16 : index
          %parallel_loop3A_331 = tpu.vector_load %arg6[%parallel_loop3A_329, %parallel_loop3A_330] {strides = array<i32>} : memref<512x32xf32, #tpu.memory_space<vmem>>, vector<16xf32>,
          tpu.vector_store_idx %arg8[%add3A_206, %and3A_6, %parallel_loop3A_325], %parallel_loop3A_331 : memref<16x8x129xf32, #tpu.memory_space<vmem>>[vector<16xi32>, vector<16xi32>, vector<16xi32>], vector<16xf32>,
        } {sc.loop_unroll_factor = 4 : i64, sc.parallel_access}
        %mul3A_210 = arith.constant 4 : i32
        %mul3A_211 = arith.muli %scan3A_148, %mul3A_210 : i32
        %add3A_212 = arith.addi %mul3A_2, %mul3A_211 : i32
        %jit3A = arith.constant 128 : i32
        %div3A = arith.divsi %add3A_212, %jit3A : i32
        %sign3A = arith.constant 0 : i32
        %sign3A_213 = arith.cmpi sgt, %add3A_212, %sign3A : i32
        %sign3A_214 = arith.extui %sign3A_213 : i1 to i32
        %sign3A_215 = arith.constant 0 : i32
        %sign3A_216 = arith.cmpi slt, %add3A_212, %sign3A_215 : i32
        %sign3A_217 = arith.extui %sign3A_216 : i1 to i32
        %sign3A_218 = arith.subi %sign3A_214, %sign3A_217 : i32
        %sign3A_219 = arith.constant 0 : i32
        %sign3A_220 = arith.cmpi sgt, %jit3A, %sign3A_219 : i32
        %sign3A_221 = arith.extui %sign3A_220 : i1 to i32
        %sign3A_222 = arith.constant 0 : i32
        %sign3A_223 = arith.cmpi slt, %jit3A, %sign3A_222 : i32
        %sign3A_224 = arith.extui %sign3A_223 : i1 to i32
        %sign3A_225 = arith.subi %sign3A_221, %sign3A_224 : i32
        %ne3A = arith.cmpi ne, %sign3A_218, %sign3A_225 : i32
        %rem3A = arith.remsi %add3A_212, %jit3A : i32
        %ne3A_226 = arith.constant 0 : i32
        %ne3A_227 = arith.cmpi ne, %rem3A, %ne3A_226 : i32
        %and3A_228 = arith.andi %ne3A, %ne3A_227 : i1
        %sub3A = arith.constant 1 : i32
        %sub3A_229 = arith.subi %div3A, %sub3A : i32
        %select_n3A = arith.select %and3A_228, %sub3A_229, %div3A : i32
        %jit3A_230 = arith.constant 128 : i32
        %eq3A_231 = arith.constant 0 : i32
        %eq3A_232 = arith.cmpi eq, %jit3A_230, %eq3A_231 : i32
        %jit3A_233 = arith.constant 1 : i32
        %select_n3A_234 = arith.select %eq3A_232, %jit3A_233, %jit3A_230 : i32
        %rem3A_235 = arith.remsi %add3A_212, %select_n3A_234 : i32
        %ne3A_236 = arith.constant 0 : i32
        %ne3A_237 = arith.cmpi ne, %rem3A_235, %ne3A_236 : i32
        %lt3A_238 = arith.constant 0 : i32
        %lt3A_239 = arith.cmpi slt, %rem3A_235, %lt3A_238 : i32
        %lt3A_240 = arith.constant 0 : i32
        %lt3A_241 = arith.cmpi slt, %select_n3A_234, %lt3A_240 : i32
        %ne3A_242 = arith.xori %lt3A_239, %lt3A_241 : i1
        %and3A_243 = arith.andi %ne3A_242, %ne3A_237 : i1
        %add3A_244 = arith.addi %rem3A_235, %select_n3A_234 : i32
        %select_n3A_245 = arith.select %and3A_243, %add3A_244, %rem3A_235 : i32
        %mul3A_246 = arith.constant 512 : i32
        %mul3A_247 = arith.muli %select_n3A, %mul3A_246 : i32
        %add3A_248 = arith.constant 0 : i32
        %add3A_249 = arith.addi %mul3A_247, %add3A_248 : i32
        %add3A_250 = arith.addi %add3A_249, %select_n3A_245 : i32
        %dma_start3A_251 = arith.constant 0 : i32
        %dma_start3A_252 = arith.constant 0 : i32
        %dma_start3A_253 = arith.constant 0 : i32
        %dma_start3A_254 = tpu.memref_slice %arg8[%dma_start3A_251, %dma_start3A_252, %dma_start3A_253] : memref<16x8x129xf32, #tpu.memory_space<vmem>> -> memref<4x8x128xf32, #tpu.memory_space<vmem>>
        %dma_start3A_255 = arith.constant 0 : i32
        %dma_start3A_256 = arith.constant 0 : i32
        %dma_start3A_257 = tpu.memref_slice %arg4[%add3A_250, %dma_start3A_255, %dma_start3A_256] : memref<10240x8x128xf32, #tpu.memory_space<hbm>> -> memref<4x8x128xf32, #tpu.memory_space<hbm>>
        %dma_start3A_258 = arith.constant 0 : i32
        %dma_start3A_259 = arith.constant 0 : i32
        %dma_start3A_260 = tpu.memref_slice %arg4[%add3A_250, %dma_start3A_258, %dma_start3A_259] : memref<10240x8x128xf32, #tpu.memory_space<hbm>> -> memref<4x8x128xf32, #tpu.memory_space<hbm>>
        %dma_start3A_261 = arith.constant 0 : i32
        %dma_start3A_262 = arith.constant 0 : i32
        %dma_start3A_263 = arith.constant 0 : i32
        %dma_start3A_264 = tpu.memref_slice %arg8[%dma_start3A_261, %dma_start3A_262, %dma_start3A_263] : memref<16x8x129xf32, #tpu.memory_space<vmem>> -> memref<4x8x128xf32, #tpu.memory_space<vmem>>
        tpu.enqueue_dma source(%dma_start3A_264 : memref<4x8x128xf32, #tpu.memory_space<vmem>>) target(%dma_start3A_260 : memref<4x8x128xf32, #tpu.memory_space<hbm>>) target_semaphore(%arg12 : memref<!tpu.dma_semaphore, #tpu.memory_space<semaphore_mem>>)
        %mul3A_265 = arith.constant 512 : i32
        %mul3A_266 = arith.muli %select_n3A, %mul3A_265 : i32
        %add3A_267 = arith.constant 128 : i32
        %add3A_268 = arith.addi %mul3A_266, %add3A_267 : i32
        %add3A_269 = arith.addi %add3A_268, %select_n3A_245 : i32
        %dma_start3A_270 = arith.constant 4 : i32
        %dma_start3A_271 = arith.constant 0 : i32
        %dma_start3A_272 = arith.constant 0 : i32
        %dma_start3A_273 = tpu.memref_slice %arg8[%dma_start3A_270, %dma_start3A_271, %dma_start3A_272] : memref<16x8x129xf32, #tpu.memory_space<vmem>> -> memref<4x8x128xf32, #tpu.memory_space<vmem>>
        %dma_start3A_274 = arith.constant 0 : i32
        %dma_start3A_275 = arith.constant 0 : i32
        %dma_start3A_276 = tpu.memref_slice %arg4[%add3A_269, %dma_start3A_274, %dma_start3A_275] : memref<10240x8x128xf32, #tpu.memory_space<hbm>> -> memref<4x8x128xf32, #tpu.memory_space<hbm>>
        %dma_start3A_277 = arith.constant 0 : i32
        %dma_start3A_278 = arith.constant 0 : i32
        %dma_start3A_279 = tpu.memref_slice %arg4[%add3A_269, %dma_start3A_277, %dma_start3A_278] : memref<10240x8x128xf32, #tpu.memory_space<hbm>> -> memref<4x8x128xf32, #tpu.memory_space<hbm>>
        %dma_start3A_280 = arith.constant 4 : i32
        %dma_start3A_281 = arith.constant 0 : i32
        %dma_start3A_282 = arith.constant 0 : i32
        %dma_start3A_283 = tpu.memref_slice %arg8[%dma_start3A_280, %dma_start3A_281, %dma_start3A_282] : memref<16x8x129xf32, #tpu.memory_space<vmem>> -> memref<4x8x128xf32, #tpu.memory_space<vmem>>
        tpu.enqueue_dma source(%dma_start3A_283 : memref<4x8x128xf32, #tpu.memory_space<vmem>>) target(%dma_start3A_279 : memref<4x8x128xf32, #tpu.memory_space<hbm>>) target_semaphore(%arg12 : memref<!tpu.dma_semaphore, #tpu.memory_space<semaphore_mem>>)
        %mul3A_284 = arith.constant 512 : i32
        %mul3A_285 = arith.muli %select_n3A, %mul3A_284 : i32
        %add3A_286 = arith.constant 256 : i32
        %add3A_287 = arith.addi %mul3A_285, %add3A_286 : i32
        %add3A_288 = arith.addi %add3A_287, %select_n3A_245 : i32
        %dma_start3A_289 = arith.constant 8 : i32
        %dma_start3A_290 = arith.constant 0 : i32
        %dma_start3A_291 = arith.constant 0 : i32
        %dma_start3A_292 = tpu.memref_slice %arg8[%dma_start3A_289, %dma_start3A_290, %dma_start3A_291] : memref<16x8x129xf32, #tpu.memory_space<vmem>> -> memref<4x8x128xf32, #tpu.memory_space<vmem>>
        %dma_start3A_293 = arith.constant 0 : i32
        %dma_start3A_294 = arith.constant 0 : i32
        %dma_start3A_295 = tpu.memref_slice %arg4[%add3A_288, %dma_start3A_293, %dma_start3A_294] : memref<10240x8x128xf32, #tpu.memory_space<hbm>> -> memref<4x8x128xf32, #tpu.memory_space<hbm>>
        %dma_start3A_296 = arith.constant 0 : i32
        %dma_start3A_297 = arith.constant 0 : i32
        %dma_start3A_298 = tpu.memref_slice %arg4[%add3A_288, %dma_start3A_296, %dma_start3A_297] : memref<10240x8x128xf32, #tpu.memory_space<hbm>> -> memref<4x8x128xf32, #tpu.memory_space<hbm>>
        %dma_start3A_299 = arith.constant 8 : i32
        %dma_start3A_300 = arith.constant 0 : i32
        %dma_start3A_301 = arith.constant 0 : i32
        %dma_start3A_302 = tpu.memref_slice %arg8[%dma_start3A_299, %dma_start3A_300, %dma_start3A_301] : memref<16x8x129xf32, #tpu.memory_space<vmem>> -> memref<4x8x128xf32, #tpu.memory_space<vmem>>
        tpu.enqueue_dma source(%dma_start3A_302 : memref<4x8x128xf32, #tpu.memory_space<vmem>>) target(%dma_start3A_298 : memref<4x8x128xf32, #tpu.memory_space<hbm>>) target_semaphore(%arg12 : memref<!tpu.dma_semaphore, #tpu.memory_space<semaphore_mem>>)
        %mul3A_303 = arith.constant 512 : i32
        %mul3A_304 = arith.muli %select_n3A, %mul3A_303 : i32
        %add3A_305 = arith.constant 384 : i32
        %add3A_306 = arith.addi %mul3A_304, %add3A_305 : i32
        %add3A_307 = arith.addi %add3A_306, %select_n3A_245 : i32
        %dma_start3A_308 = arith.constant 12 : i32
        %dma_start3A_309 = arith.constant 0 : i32
        %dma_start3A_310 = arith.constant 0 : i32
        %dma_start3A_311 = tpu.memref_slice %arg8[%dma_start3A_308, %dma_start3A_309, %dma_start3A_310] : memref<16x8x129xf32, #tpu.memory_space<vmem>> -> memref<4x8x128xf32, #tpu.memory_space<vmem>>
        %dma_start3A_312 = arith.constant 0 : i32
        %dma_start3A_313 = arith.constant 0 : i32
        %dma_start3A_314 = tpu.memref_slice %arg4[%add3A_307, %dma_start3A_312, %dma_start3A_313] : memref<10240x8x128xf32, #tpu.memory_space<hbm>> -> memref<4x8x128xf32, #tpu.memory_space<hbm>>
        %dma_start3A_315 = arith.constant 0 : i32
        %dma_start3A_316 = arith.constant 0 : i32
        %dma_start3A_317 = tpu.memref_slice %arg4[%add3A_307, %dma_start3A_315, %dma_start3A_316] : memref<10240x8x128xf32, #tpu.memory_space<hbm>> -> memref<4x8x128xf32, #tpu.memory_space<hbm>>
        %dma_start3A_318 = arith.constant 12 : i32
        %dma_start3A_319 = arith.constant 0 : i32
        %dma_start3A_320 = arith.constant 0 : i32
        %dma_start3A_321 = tpu.memref_slice %arg8[%dma_start3A_318, %dma_start3A_319, %dma_start3A_320] : memref<16x8x129xf32, #tpu.memory_space<vmem>> -> memref<4x8x128xf32, #tpu.memory_space<vmem>>
        tpu.enqueue_dma source(%dma_start3A_321 : memref<4x8x128xf32, #tpu.memory_space<vmem>>) target(%dma_start3A_317 : memref<4x8x128xf32, #tpu.memory_space<hbm>>) target_semaphore(%arg12 : memref<!tpu.dma_semaphore, #tpu.memory_space<semaphore_mem>>)
      } else {
      }
      %and3A_153 = arith.constant 1 : i32
      %and3A_154 = arith.andi %scan3A_148, %and3A_153 : i32
      %eq3A_155 = arith.constant 1 : i32
      %eq3A_156 = arith.cmpi eq, %and3A_154, %eq3A_155 : i32
      %convert_element_type3A_157 = arith.extui %eq3A_156 : i1 to i32
      %cond3A_158 = arith.constant 0 : i32
      %cond3A_159 = arith.cmpi ne, %convert_element_type3A_157, %cond3A_158 : i32
      scf.if %cond3A_159 {
        %dma_wait3A_160 = arith.constant 0 : i32
        %dma_wait3A_161 = tpu.memref_slice %arg5[%dma_wait3A_160] : memref<10240xi32, #tpu.memory_space<vmem>> -> memref<512xi32, #tpu.memory_space<vmem>>
        %dma_wait3A_162 = arith.constant 0 : i32
        %dma_wait3A_163 = arith.constant 0 : i32
        %dma_wait3A_164 = tpu.memref_slice %arg3[%dma_wait3A_162, %dma_wait3A_163] : memref<1000000x32xf32, #tpu.memory_space<hbm>> -> memref<1000000x32xf32, #tpu.memory_space<hbm>>
        tpu.wait_indirect_dma semaphore(%arg11 : memref<!tpu.dma_semaphore, #tpu.memory_space<semaphore_mem>>) src(%dma_wait3A_164 : memref<1000000x32xf32, #tpu.memory_space<hbm>>) dst(%arg7 : memref<512x32xf32, #tpu.memory_space<vmem>>)
        %add3A_165 = arith.constant 1 : i32
        %add3A_166 = arith.addi %scan3A_148, %add3A_165 : i32
        %lt3A = arith.constant 20 : i32
        %lt3A_167 = arith.cmpi slt, %add3A_166, %lt3A : i32
        %convert_element_type3A_168 = arith.extui %lt3A_167 : i1 to i32
        %cond3A_169 = arith.constant 0 : i32
        %cond3A_170 = arith.cmpi ne, %convert_element_type3A_168, %cond3A_169 : i32
        scf.if %cond3A_170 {
          %add3A_322 = arith.constant 1 : i32
          %add3A_323 = arith.addi %scan3A_148, %add3A_322 : i32
          %mul3A_324 = arith.constant 512 : i32
          %mul3A_325 = arith.muli %add3A_323, %mul3A_324 : i32
          %dma_start3A_326 = tpu.memref_slice %arg5[%mul3A_325] : memref<10240xi32, #tpu.memory_space<vmem>> -> memref<512xi32, #tpu.memory_space<vmem>>
          %dma_start3A_327 = arith.constant 0 : i32
          %dma_start3A_328 = arith.constant 0 : i32
          %dma_start3A_329 = tpu.memref_slice %arg3[%dma_start3A_327, %dma_start3A_328] : memref<1000000x32xf32, #tpu.memory_space<hbm>> -> memref<1000000x32xf32, #tpu.memory_space<hbm>>
          tpu.enqueue_indirect_dma source(%dma_start3A_329 : memref<1000000x32xf32, #tpu.memory_space<hbm>>) target(%arg6 : memref<512x32xf32, #tpu.memory_space<vmem>>) offsets(%dma_start3A_326 : memref<512xi32, #tpu.memory_space<vmem>>) semaphore(%arg10 : memref<!tpu.dma_semaphore, #tpu.memory_space<semaphore_mem>>)
        } else {
        }
        %ge3A = arith.constant 2 : i32
        %ge3A_171 = arith.cmpi sge, %scan3A_148, %ge3A : i32
        %convert_element_type3A_172 = arith.extui %ge3A_171 : i1 to i32
        %cond3A_173 = arith.constant 0 : i32
        %cond3A_174 = arith.cmpi ne, %convert_element_type3A_172, %cond3A_173 : i32
        scf.if %cond3A_174 {
          %dma_wait3A_322 = arith.constant 0 : i32
          %dma_wait3A_323 = arith.constant 0 : i32
          %dma_wait3A_324 = arith.constant 0 : i32
          %dma_wait3A_325 = tpu.memref_slice %arg9[%dma_wait3A_322, %dma_wait3A_323, %dma_wait3A_324] : memref<16x8x129xf32, #tpu.memory_space<vmem>> -> memref<4x8x128xf32, #tpu.memory_space<vmem>>
          %dma_wait3A_326 = arith.constant 0 : i32
          %dma_wait3A_327 = arith.constant 0 : i32
          %dma_wait3A_328 = arith.constant 0 : i32
          %dma_wait3A_329 = tpu.memref_slice %arg4[%dma_wait3A_326, %dma_wait3A_327, %dma_wait3A_328] : memref<10240x8x128xf32, #tpu.memory_space<hbm>> -> memref<4x8x128xf32, #tpu.memory_space<hbm>>
          %dma_wait3A_330 = arith.constant 0 : i32
          %dma_wait3A_331 = arith.constant 0 : i32
          %dma_wait3A_332 = arith.constant 0 : i32
          %dma_wait3A_333 = tpu.memref_slice %arg4[%dma_wait3A_330, %dma_wait3A_331, %dma_wait3A_332] : memref<10240x8x128xf32, #tpu.memory_space<hbm>> -> memref<4x8x128xf32, #tpu.memory_space<hbm>>
          %dma_wait3A_334 = arith.constant 0 : i32
          %dma_wait3A_335 = arith.constant 0 : i32
          %dma_wait3A_336 = arith.constant 0 : i32
          %dma_wait3A_337 = tpu.memref_slice %arg9[%dma_wait3A_334, %dma_wait3A_335, %dma_wait3A_336] : memref<16x8x129xf32, #tpu.memory_space<vmem>> -> memref<4x8x128xf32, #tpu.memory_space<vmem>>
          tpu.wait_dma2 semaphore(%arg13 : memref<!tpu.dma_semaphore, #tpu.memory_space<semaphore_mem>>) src(%dma_wait3A_337 : memref<4x8x128xf32, #tpu.memory_space<vmem>>) dst(%dma_wait3A_333 : memref<4x8x128xf32, #tpu.memory_space<hbm>>)
          %dma_wait3A_338 = arith.constant 0 : i32
          %dma_wait3A_339 = arith.constant 0 : i32
          %dma_wait3A_340 = arith.constant 0 : i32
          %dma_wait3A_341 = tpu.memref_slice %arg9[%dma_wait3A_338, %dma_wait3A_339, %dma_wait3A_340] : memref<16x8x129xf32, #tpu.memory_space<vmem>> -> memref<4x8x128xf32, #tpu.memory_space<vmem>>
          %dma_wait3A_342 = arith.constant 0 : i32
          %dma_wait3A_343 = arith.constant 0 : i32
          %dma_wait3A_344 = arith.constant 0 : i32
          %dma_wait3A_345 = tpu.memref_slice %arg4[%dma_wait3A_342, %dma_wait3A_343, %dma_wait3A_344] : memref<10240x8x128xf32, #tpu.memory_space<hbm>> -> memref<4x8x128xf32, #tpu.memory_space<hbm>>
          %dma_wait3A_346 = arith.constant 0 : i32
          %dma_wait3A_347 = arith.constant 0 : i32
          %dma_wait3A_348 = arith.constant 0 : i32
          %dma_wait3A_349 = tpu.memref_slice %arg4[%dma_wait3A_346, %dma_wait3A_347, %dma_wait3A_348] : memref<10240x8x128xf32, #tpu.memory_space<hbm>> -> memref<4x8x128xf32, #tpu.memory_space<hbm>>
          %dma_wait3A_350 = arith.constant 0 : i32
          %dma_wait3A_351 = arith.constant 0 : i32
          %dma_wait3A_352 = arith.constant 0 : i32
          %dma_wait3A_353 = tpu.memref_slice %arg9[%dma_wait3A_350, %dma_wait3A_351, %dma_wait3A_352] : memref<16x8x129xf32, #tpu.memory_space<vmem>> -> memref<4x8x128xf32, #tpu.memory_space<vmem>>
          tpu.wait_dma2 semaphore(%arg13 : memref<!tpu.dma_semaphore, #tpu.memory_space<semaphore_mem>>) src(%dma_wait3A_353 : memref<4x8x128xf32, #tpu.memory_space<vmem>>) dst(%dma_wait3A_349 : memref<4x8x128xf32, #tpu.memory_space<hbm>>)
          %dma_wait3A_354 = arith.constant 0 : i32
          %dma_wait3A_355 = arith.constant 0 : i32
          %dma_wait3A_356 = arith.constant 0 : i32
          %dma_wait3A_357 = tpu.memref_slice %arg9[%dma_wait3A_354, %dma_wait3A_355, %dma_wait3A_356] : memref<16x8x129xf32, #tpu.memory_space<vmem>> -> memref<4x8x128xf32, #tpu.memory_space<vmem>>
          %dma_wait3A_358 = arith.constant 0 : i32
          %dma_wait3A_359 = arith.constant 0 : i32
          %dma_wait3A_360 = arith.constant 0 : i32
          %dma_wait3A_361 = tpu.memref_slice %arg4[%dma_wait3A_358, %dma_wait3A_359, %dma_wait3A_360] : memref<10240x8x128xf32, #tpu.memory_space<hbm>> -> memref<4x8x128xf32, #tpu.memory_space<hbm>>
          %dma_wait3A_362 = arith.constant 0 : i32
          %dma_wait3A_363 = arith.constant 0 : i32
          %dma_wait3A_364 = arith.constant 0 : i32
          %dma_wait3A_365 = tpu.memref_slice %arg4[%dma_wait3A_362, %dma_wait3A_363, %dma_wait3A_364] : memref<10240x8x128xf32, #tpu.memory_space<hbm>> -> memref<4x8x128xf32, #tpu.memory_space<hbm>>
          %dma_wait3A_366 = arith.constant 0 : i32
          %dma_wait3A_367 = arith.constant 0 : i32
          %dma_wait3A_368 = arith.constant 0 : i32
          %dma_wait3A_369 = tpu.memref_slice %arg9[%dma_wait3A_366, %dma_wait3A_367, %dma_wait3A_368] : memref<16x8x129xf32, #tpu.memory_space<vmem>> -> memref<4x8x128xf32, #tpu.memory_space<vmem>>
          tpu.wait_dma2 semaphore(%arg13 : memref<!tpu.dma_semaphore, #tpu.memory_space<semaphore_mem>>) src(%dma_wait3A_369 : memref<4x8x128xf32, #tpu.memory_space<vmem>>) dst(%dma_wait3A_365 : memref<4x8x128xf32, #tpu.memory_space<hbm>>)
          %dma_wait3A_370 = arith.constant 0 : i32
          %dma_wait3A_371 = arith.constant 0 : i32
          %dma_wait3A_372 = arith.constant 0 : i32
          %dma_wait3A_373 = tpu.memref_slice %arg9[%dma_wait3A_370, %dma_wait3A_371, %dma_wait3A_372] : memref<16x8x129xf32, #tpu.memory_space<vmem>> -> memref<4x8x128xf32, #tpu.memory_space<vmem>>
          %dma_wait3A_374 = arith.constant 0 : i32
          %dma_wait3A_375 = arith.constant 0 : i32
          %dma_wait3A_376 = arith.constant 0 : i32
          %dma_wait3A_377 = tpu.memref_slice %arg4[%dma_wait3A_374, %dma_wait3A_375, %dma_wait3A_376] : memref<10240x8x128xf32, #tpu.memory_space<hbm>> -> memref<4x8x128xf32, #tpu.memory_space<hbm>>
          %dma_wait3A_378 = arith.constant 0 : i32
          %dma_wait3A_379 = arith.constant 0 : i32
          %dma_wait3A_380 = arith.constant 0 : i32
          %dma_wait3A_381 = tpu.memref_slice %arg4[%dma_wait3A_378, %dma_wait3A_379, %dma_wait3A_380] : memref<10240x8x128xf32, #tpu.memory_space<hbm>> -> memref<4x8x128xf32, #tpu.memory_space<hbm>>
          %dma_wait3A_382 = arith.constant 0 : i32
          %dma_wait3A_383 = arith.constant 0 : i32
          %dma_wait3A_384 = arith.constant 0 : i32
          %dma_wait3A_385 = tpu.memref_slice %arg9[%dma_wait3A_382, %dma_wait3A_383, %dma_wait3A_384] : memref<16x8x129xf32, #tpu.memory_space<vmem>> -> memref<4x8x128xf32, #tpu.memory_space<vmem>>
          tpu.wait_dma2 semaphore(%arg13 : memref<!tpu.dma_semaphore, #tpu.memory_space<semaphore_mem>>) src(%dma_wait3A_385 : memref<4x8x128xf32, #tpu.memory_space<vmem>>) dst(%dma_wait3A_381 : memref<4x8x128xf32, #tpu.memory_space<hbm>>)
        } else {
        }
        %add3A_175 = arith.constant 0 : i32
        %add3A_176 = vector.broadcast %add3A_175 : i32 to vector<16xi32>
        %add3A_177 = arith.addi %mul3A_11, %add3A_176 : vector<16xi32>
        %add3A_178 = arith.constant 8 : i32
        %add3A_179 = vector.broadcast %add3A_178 : i32 to vector<16xi32>
        %add3A_180 = arith.addi %mul3A_11, %add3A_179 : vector<16xi32>
        %parallel_loop3A = arith.constant 0 : i32
        %parallel_loop3A_181 = arith.constant 128 : i32
        %parallel_loop3A_182 = arith.constant 1 : i32
        scf.for %parallel_loop3A_322 = %parallel_loop3A to %parallel_loop3A_181 step %parallel_loop3A_182  : i32 {
          %parallel_loop3A_323 = arith.constant 0 : i32
          %parallel_loop3A_324 = arith.addi %parallel_loop3A_323, %parallel_loop3A_322 : i32
          %parallel_loop3A_325 = vector.broadcast %parallel_loop3A_322 : i32 to vector<16xi32>
          %parallel_loop3A_326 = arith.index_cast %parallel_loop3A_324 : i32 to index
          %parallel_loop3A_327 = arith.constant 0 : index
          %parallel_loop3A_328 = tpu.vector_load %arg7[%parallel_loop3A_326, %parallel_loop3A_327] {strides = array<i32>} : memref<512x32xf32, #tpu.memory_space<vmem>>, vector<16xf32>,
          tpu.vector_store_idx %arg9[%add3A_177, %and3A_6, %parallel_loop3A_325], %parallel_loop3A_328 : memref<16x8x129xf32, #tpu.memory_space<vmem>>[vector<16xi32>, vector<16xi32>, vector<16xi32>], vector<16xf32>,
          %parallel_loop3A_329 = arith.index_cast %parallel_loop3A_324 : i32 to index
          %parallel_loop3A_330 = arith.constant 16 : index
          %parallel_loop3A_331 = tpu.vector_load %arg7[%parallel_loop3A_329, %parallel_loop3A_330] {strides = array<i32>} : memref<512x32xf32, #tpu.memory_space<vmem>>, vector<16xf32>,
          tpu.vector_store_idx %arg9[%add3A_180, %and3A_6, %parallel_loop3A_325], %parallel_loop3A_331 : memref<16x8x129xf32, #tpu.memory_space<vmem>>[vector<16xi32>, vector<16xi32>, vector<16xi32>], vector<16xf32>,
        } {sc.loop_unroll_factor = 4 : i64, sc.parallel_access}
        %add3A_183 = arith.constant 1 : i32
        %add3A_184 = vector.broadcast %add3A_183 : i32 to vector<16xi32>
        %add3A_185 = arith.addi %mul3A_11, %add3A_184 : vector<16xi32>
        %add3A_186 = arith.constant 9 : i32
        %add3A_187 = vector.broadcast %add3A_186 : i32 to vector<16xi32>
        %add3A_188 = arith.addi %mul3A_11, %add3A_187 : vector<16xi32>
        %parallel_loop3A_189 = arith.constant 0 : i32
        %parallel_loop3A_190 = arith.constant 128 : i32
        %parallel_loop3A_191 = arith.constant 1 : i32
        scf.for %parallel_loop3A_322 = %parallel_loop3A_189 to %parallel_loop3A_190 step %parallel_loop3A_191  : i32 {
          %parallel_loop3A_323 = arith.constant 128 : i32
          %parallel_loop3A_324 = arith.addi %parallel_loop3A_323, %parallel_loop3A_322 : i32
          %parallel_loop3A_325 = vector.broadcast %parallel_loop3A_322 : i32 to vector<16xi32>
          %parallel_loop3A_326 = arith.index_cast %parallel_loop3A_324 : i32 to index
          %parallel_loop3A_327 = arith.constant 0 : index
          %parallel_loop3A_328 = tpu.vector_load %arg7[%parallel_loop3A_326, %parallel_loop3A_327] {strides = array<i32>} : memref<512x32xf32, #tpu.memory_space<vmem>>, vector<16xf32>,
          tpu.vector_store_idx %arg9[%add3A_185, %and3A_6, %parallel_loop3A_325], %parallel_loop3A_328 : memref<16x8x129xf32, #tpu.memory_space<vmem>>[vector<16xi32>, vector<16xi32>, vector<16xi32>], vector<16xf32>,
          %parallel_loop3A_329 = arith.index_cast %parallel_loop3A_324 : i32 to index
          %parallel_loop3A_330 = arith.constant 16 : index
          %parallel_loop3A_331 = tpu.vector_load %arg7[%parallel_loop3A_329, %parallel_loop3A_330] {strides = array<i32>} : memref<512x32xf32, #tpu.memory_space<vmem>>, vector<16xf32>,
          tpu.vector_store_idx %arg9[%add3A_188, %and3A_6, %parallel_loop3A_325], %parallel_loop3A_331 : memref<16x8x129xf32, #tpu.memory_space<vmem>>[vector<16xi32>, vector<16xi32>, vector<16xi32>], vector<16xf32>,
        } {sc.loop_unroll_factor = 4 : i64, sc.parallel_access}
        %add3A_192 = arith.constant 2 : i32
        %add3A_193 = vector.broadcast %add3A_192 : i32 to vector<16xi32>
        %add3A_194 = arith.addi %mul3A_11, %add3A_193 : vector<16xi32>
        %add3A_195 = arith.constant 10 : i32
        %add3A_196 = vector.broadcast %add3A_195 : i32 to vector<16xi32>
        %add3A_197 = arith.addi %mul3A_11, %add3A_196 : vector<16xi32>
        %parallel_loop3A_198 = arith.constant 0 : i32
        %parallel_loop3A_199 = arith.constant 128 : i32
        %parallel_loop3A_200 = arith.constant 1 : i32
        scf.for %parallel_loop3A_322 = %parallel_loop3A_198 to %parallel_loop3A_199 step %parallel_loop3A_200  : i32 {
          %parallel_loop3A_323 = arith.constant 256 : i32
          %parallel_loop3A_324 = arith.addi %parallel_loop3A_323, %parallel_loop3A_322 : i32
          %parallel_loop3A_325 = vector.broadcast %parallel_loop3A_322 : i32 to vector<16xi32>
          %parallel_loop3A_326 = arith.index_cast %parallel_loop3A_324 : i32 to index
          %parallel_loop3A_327 = arith.constant 0 : index
          %parallel_loop3A_328 = tpu.vector_load %arg7[%parallel_loop3A_326, %parallel_loop3A_327] {strides = array<i32>} : memref<512x32xf32, #tpu.memory_space<vmem>>, vector<16xf32>,
          tpu.vector_store_idx %arg9[%add3A_194, %and3A_6, %parallel_loop3A_325], %parallel_loop3A_328 : memref<16x8x129xf32, #tpu.memory_space<vmem>>[vector<16xi32>, vector<16xi32>, vector<16xi32>], vector<16xf32>,
          %parallel_loop3A_329 = arith.index_cast %parallel_loop3A_324 : i32 to index
          %parallel_loop3A_330 = arith.constant 16 : index
          %parallel_loop3A_331 = tpu.vector_load %arg7[%parallel_loop3A_329, %parallel_loop3A_330] {strides = array<i32>} : memref<512x32xf32, #tpu.memory_space<vmem>>, vector<16xf32>,
          tpu.vector_store_idx %arg9[%add3A_197, %and3A_6, %parallel_loop3A_325], %parallel_loop3A_331 : memref<16x8x129xf32, #tpu.memory_space<vmem>>[vector<16xi32>, vector<16xi32>, vector<16xi32>], vector<16xf32>,
        } {sc.loop_unroll_factor = 4 : i64, sc.parallel_access}
        %add3A_201 = arith.constant 3 : i32
        %add3A_202 = vector.broadcast %add3A_201 : i32 to vector<16xi32>
        %add3A_203 = arith.addi %mul3A_11, %add3A_202 : vector<16xi32>
        %add3A_204 = arith.constant 11 : i32
        %add3A_205 = vector.broadcast %add3A_204 : i32 to vector<16xi32>
        %add3A_206 = arith.addi %mul3A_11, %add3A_205 : vector<16xi32>
        %parallel_loop3A_207 = arith.constant 0 : i32
        %parallel_loop3A_208 = arith.constant 128 : i32
        %parallel_loop3A_209 = arith.constant 1 : i32
        scf.for %parallel_loop3A_322 = %parallel_loop3A_207 to %parallel_loop3A_208 step %parallel_loop3A_209  : i32 {
          %parallel_loop3A_323 = arith.constant 384 : i32
          %parallel_loop3A_324 = arith.addi %parallel_loop3A_323, %parallel_loop3A_322 : i32
          %parallel_loop3A_325 = vector.broadcast %parallel_loop3A_322 : i32 to vector<16xi32>
          %parallel_loop3A_326 = arith.index_cast %parallel_loop3A_324 : i32 to index
          %parallel_loop3A_327 = arith.constant 0 : index
          %parallel_loop3A_328 = tpu.vector_load %arg7[%parallel_loop3A_326, %parallel_loop3A_327] {strides = array<i32>} : memref<512x32xf32, #tpu.memory_space<vmem>>, vector<16xf32>,
          tpu.vector_store_idx %arg9[%add3A_203, %and3A_6, %parallel_loop3A_325], %parallel_loop3A_328 : memref<16x8x129xf32, #tpu.memory_space<vmem>>[vector<16xi32>, vector<16xi32>, vector<16xi32>], vector<16xf32>,
          %parallel_loop3A_329 = arith.index_cast %parallel_loop3A_324 : i32 to index
          %parallel_loop3A_330 = arith.constant 16 : index
          %parallel_loop3A_331 = tpu.vector_load %arg7[%parallel_loop3A_329, %parallel_loop3A_330] {strides = array<i32>} : memref<512x32xf32, #tpu.memory_space<vmem>>, vector<16xf32>,
          tpu.vector_store_idx %arg9[%add3A_206, %and3A_6, %parallel_loop3A_325], %parallel_loop3A_331 : memref<16x8x129xf32, #tpu.memory_space<vmem>>[vector<16xi32>, vector<16xi32>, vector<16xi32>], vector<16xf32>,
        } {sc.loop_unroll_factor = 4 : i64, sc.parallel_access}
        %mul3A_210 = arith.constant 4 : i32
        %mul3A_211 = arith.muli %scan3A_148, %mul3A_210 : i32
        %add3A_212 = arith.addi %mul3A_2, %mul3A_211 : i32
        %jit3A = arith.constant 128 : i32
        %div3A = arith.divsi %add3A_212, %jit3A : i32
        %sign3A = arith.constant 0 : i32
        %sign3A_213 = arith.cmpi sgt, %add3A_212, %sign3A : i32
        %sign3A_214 = arith.extui %sign3A_213 : i1 to i32
        %sign3A_215 = arith.constant 0 : i32
        %sign3A_216 = arith.cmpi slt, %add3A_212, %sign3A_215 : i32
        %sign3A_217 = arith.extui %sign3A_216 : i1 to i32
        %sign3A_218 = arith.subi %sign3A_214, %sign3A_217 : i32
        %sign3A_219 = arith.constant 0 : i32
        %sign3A_220 = arith.cmpi sgt, %jit3A, %sign3A_219 : i32
        %sign3A_221 = arith.extui %sign3A_220 : i1 to i32
        %sign3A_222 = arith.constant 0 : i32
        %sign3A_223 = arith.cmpi slt, %jit3A, %sign3A_222 : i32
        %sign3A_224 = arith.extui %sign3A_223 : i1 to i32
        %sign3A_225 = arith.subi %sign3A_221, %sign3A_224 : i32
        %ne3A = arith.cmpi ne, %sign3A_218, %sign3A_225 : i32
        %rem3A = arith.remsi %add3A_212, %jit3A : i32
        %ne3A_226 = arith.constant 0 : i32
        %ne3A_227 = arith.cmpi ne, %rem3A, %ne3A_226 : i32
        %and3A_228 = arith.andi %ne3A, %ne3A_227 : i1
        %sub3A = arith.constant 1 : i32
        %sub3A_229 = arith.subi %div3A, %sub3A : i32
        %select_n3A = arith.select %and3A_228, %sub3A_229, %div3A : i32
        %jit3A_230 = arith.constant 128 : i32
        %eq3A_231 = arith.constant 0 : i32
        %eq3A_232 = arith.cmpi eq, %jit3A_230, %eq3A_231 : i32
        %jit3A_233 = arith.constant 1 : i32
        %select_n3A_234 = arith.select %eq3A_232, %jit3A_233, %jit3A_230 : i32
        %rem3A_235 = arith.remsi %add3A_212, %select_n3A_234 : i32
        %ne3A_236 = arith.constant 0 : i32
        %ne3A_237 = arith.cmpi ne, %rem3A_235, %ne3A_236 : i32
        %lt3A_238 = arith.constant 0 : i32
        %lt3A_239 = arith.cmpi slt, %rem3A_235, %lt3A_238 : i32
        %lt3A_240 = arith.constant 0 : i32
        %lt3A_241 = arith.cmpi slt, %select_n3A_234, %lt3A_240 : i32
        %ne3A_242 = arith.xori %lt3A_239, %lt3A_241 : i1
        %and3A_243 = arith.andi %ne3A_242, %ne3A_237 : i1
        %add3A_244 = arith.addi %rem3A_235, %select_n3A_234 : i32
        %select_n3A_245 = arith.select %and3A_243, %add3A_244, %rem3A_235 : i32
        %mul3A_246 = arith.constant 512 : i32
        %mul3A_247 = arith.muli %select_n3A, %mul3A_246 : i32
        %add3A_248 = arith.constant 0 : i32
        %add3A_249 = arith.addi %mul3A_247, %add3A_248 : i32
        %add3A_250 = arith.addi %add3A_249, %select_n3A_245 : i32
        %dma_start3A_251 = arith.constant 0 : i32
        %dma_start3A_252 = arith.constant 0 : i32
        %dma_start3A_253 = arith.constant 0 : i32
        %dma_start3A_254 = tpu.memref_slice %arg9[%dma_start3A_251, %dma_start3A_252, %dma_start3A_253] : memref<16x8x129xf32, #tpu.memory_space<vmem>> -> memref<4x8x128xf32, #tpu.memory_space<vmem>>
        %dma_start3A_255 = arith.constant 0 : i32
        %dma_start3A_256 = arith.constant 0 : i32
        %dma_start3A_257 = tpu.memref_slice %arg4[%add3A_250, %dma_start3A_255, %dma_start3A_256] : memref<10240x8x128xf32, #tpu.memory_space<hbm>> -> memref<4x8x128xf32, #tpu.memory_space<hbm>>
        %dma_start3A_258 = arith.constant 0 : i32
        %dma_start3A_259 = arith.constant 0 : i32
        %dma_start3A_260 = tpu.memref_slice %arg4[%add3A_250, %dma_start3A_258, %dma_start3A_259] : memref<10240x8x128xf32, #tpu.memory_space<hbm>> -> memref<4x8x128xf32, #tpu.memory_space<hbm>>
        %dma_start3A_261 = arith.constant 0 : i32
        %dma_start3A_262 = arith.constant 0 : i32
        %dma_start3A_263 = arith.constant 0 : i32
        %dma_start3A_264 = tpu.memref_slice %arg9[%dma_start3A_261, %dma_start3A_262, %dma_start3A_263] : memref<16x8x129xf32, #tpu.memory_space<vmem>> -> memref<4x8x128xf32, #tpu.memory_space<vmem>>
        tpu.enqueue_dma source(%dma_start3A_264 : memref<4x8x128xf32, #tpu.memory_space<vmem>>) target(%dma_start3A_260 : memref<4x8x128xf32, #tpu.memory_space<hbm>>) target_semaphore(%arg13 : memref<!tpu.dma_semaphore, #tpu.memory_space<semaphore_mem>>)
        %mul3A_265 = arith.constant 512 : i32
        %mul3A_266 = arith.muli %select_n3A, %mul3A_265 : i32
        %add3A_267 = arith.constant 128 : i32
        %add3A_268 = arith.addi %mul3A_266, %add3A_267 : i32
        %add3A_269 = arith.addi %add3A_268, %select_n3A_245 : i32
        %dma_start3A_270 = arith.constant 4 : i32
        %dma_start3A_271 = arith.constant 0 : i32
        %dma_start3A_272 = arith.constant 0 : i32
        %dma_start3A_273 = tpu.memref_slice %arg9[%dma_start3A_270, %dma_start3A_271, %dma_start3A_272] : memref<16x8x129xf32, #tpu.memory_space<vmem>> -> memref<4x8x128xf32, #tpu.memory_space<vmem>>
        %dma_start3A_274 = arith.constant 0 : i32
        %dma_start3A_275 = arith.constant 0 : i32
        %dma_start3A_276 = tpu.memref_slice %arg4[%add3A_269, %dma_start3A_274, %dma_start3A_275] : memref<10240x8x128xf32, #tpu.memory_space<hbm>> -> memref<4x8x128xf32, #tpu.memory_space<hbm>>
        %dma_start3A_277 = arith.constant 0 : i32
        %dma_start3A_278 = arith.constant 0 : i32
        %dma_start3A_279 = tpu.memref_slice %arg4[%add3A_269, %dma_start3A_277, %dma_start3A_278] : memref<10240x8x128xf32, #tpu.memory_space<hbm>> -> memref<4x8x128xf32, #tpu.memory_space<hbm>>
        %dma_start3A_280 = arith.constant 4 : i32
        %dma_start3A_281 = arith.constant 0 : i32
        %dma_start3A_282 = arith.constant 0 : i32
        %dma_start3A_283 = tpu.memref_slice %arg9[%dma_start3A_280, %dma_start3A_281, %dma_start3A_282] : memref<16x8x129xf32, #tpu.memory_space<vmem>> -> memref<4x8x128xf32, #tpu.memory_space<vmem>>
        tpu.enqueue_dma source(%dma_start3A_283 : memref<4x8x128xf32, #tpu.memory_space<vmem>>) target(%dma_start3A_279 : memref<4x8x128xf32, #tpu.memory_space<hbm>>) target_semaphore(%arg13 : memref<!tpu.dma_semaphore, #tpu.memory_space<semaphore_mem>>)
        %mul3A_284 = arith.constant 512 : i32
        %mul3A_285 = arith.muli %select_n3A, %mul3A_284 : i32
        %add3A_286 = arith.constant 256 : i32
        %add3A_287 = arith.addi %mul3A_285, %add3A_286 : i32
        %add3A_288 = arith.addi %add3A_287, %select_n3A_245 : i32
        %dma_start3A_289 = arith.constant 8 : i32
        %dma_start3A_290 = arith.constant 0 : i32
        %dma_start3A_291 = arith.constant 0 : i32
        %dma_start3A_292 = tpu.memref_slice %arg9[%dma_start3A_289, %dma_start3A_290, %dma_start3A_291] : memref<16x8x129xf32, #tpu.memory_space<vmem>> -> memref<4x8x128xf32, #tpu.memory_space<vmem>>
        %dma_start3A_293 = arith.constant 0 : i32
        %dma_start3A_294 = arith.constant 0 : i32
        %dma_start3A_295 = tpu.memref_slice %arg4[%add3A_288, %dma_start3A_293, %dma_start3A_294] : memref<10240x8x128xf32, #tpu.memory_space<hbm>> -> memref<4x8x128xf32, #tpu.memory_space<hbm>>
        %dma_start3A_296 = arith.constant 0 : i32
        %dma_start3A_297 = arith.constant 0 : i32
        %dma_start3A_298 = tpu.memref_slice %arg4[%add3A_288, %dma_start3A_296, %dma_start3A_297] : memref<10240x8x128xf32, #tpu.memory_space<hbm>> -> memref<4x8x128xf32, #tpu.memory_space<hbm>>
        %dma_start3A_299 = arith.constant 8 : i32
        %dma_start3A_300 = arith.constant 0 : i32
        %dma_start3A_301 = arith.constant 0 : i32
        %dma_start3A_302 = tpu.memref_slice %arg9[%dma_start3A_299, %dma_start3A_300, %dma_start3A_301] : memref<16x8x129xf32, #tpu.memory_space<vmem>> -> memref<4x8x128xf32, #tpu.memory_space<vmem>>
        tpu.enqueue_dma source(%dma_start3A_302 : memref<4x8x128xf32, #tpu.memory_space<vmem>>) target(%dma_start3A_298 : memref<4x8x128xf32, #tpu.memory_space<hbm>>) target_semaphore(%arg13 : memref<!tpu.dma_semaphore, #tpu.memory_space<semaphore_mem>>)
        %mul3A_303 = arith.constant 512 : i32
        %mul3A_304 = arith.muli %select_n3A, %mul3A_303 : i32
        %add3A_305 = arith.constant 384 : i32
        %add3A_306 = arith.addi %mul3A_304, %add3A_305 : i32
        %add3A_307 = arith.addi %add3A_306, %select_n3A_245 : i32
        %dma_start3A_308 = arith.constant 12 : i32
        %dma_start3A_309 = arith.constant 0 : i32
        %dma_start3A_310 = arith.constant 0 : i32
        %dma_start3A_311 = tpu.memref_slice %arg9[%dma_start3A_308, %dma_start3A_309, %dma_start3A_310] : memref<16x8x129xf32, #tpu.memory_space<vmem>> -> memref<4x8x128xf32, #tpu.memory_space<vmem>>
        %dma_start3A_312 = arith.constant 0 : i32
        %dma_start3A_313 = arith.constant 0 : i32
        %dma_start3A_314 = tpu.memref_slice %arg4[%add3A_307, %dma_start3A_312, %dma_start3A_313] : memref<10240x8x128xf32, #tpu.memory_space<hbm>> -> memref<4x8x128xf32, #tpu.memory_space<hbm>>
        %dma_start3A_315 = arith.constant 0 : i32
        %dma_start3A_316 = arith.constant 0 : i32
        %dma_start3A_317 = tpu.memref_slice %arg4[%add3A_307, %dma_start3A_315, %dma_start3A_316] : memref<10240x8x128xf32, #tpu.memory_space<hbm>> -> memref<4x8x128xf32, #tpu.memory_space<hbm>>
        %dma_start3A_318 = arith.constant 12 : i32
        %dma_start3A_319 = arith.constant 0 : i32
        %dma_start3A_320 = arith.constant 0 : i32
        %dma_start3A_321 = tpu.memref_slice %arg9[%dma_start3A_318, %dma_start3A_319, %dma_start3A_320] : memref<16x8x129xf32, #tpu.memory_space<vmem>> -> memref<4x8x128xf32, #tpu.memory_space<vmem>>
        tpu.enqueue_dma source(%dma_start3A_321 : memref<4x8x128xf32, #tpu.memory_space<vmem>>) target(%dma_start3A_317 : memref<4x8x128xf32, #tpu.memory_space<hbm>>) target_semaphore(%arg13 : memref<!tpu.dma_semaphore, #tpu.memory_space<semaphore_mem>>)
      } else {
      }
    }
    %scan3A_20 = arith.constant 20 : i32
    %dma_wait3A = arith.constant 0 : i32
    %dma_wait3A_21 = arith.constant 0 : i32
    %dma_wait3A_22 = arith.constant 0 : i32
    %dma_wait3A_23 = tpu.memref_slice %arg9[%dma_wait3A, %dma_wait3A_21, %dma_wait3A_22] : memref<16x8x129xf32, #tpu.memory_space<vmem>> -> memref<4x8x128xf32, #tpu.memory_space<vmem>>
    %dma_wait3A_24 = arith.constant 0 : i32
    %dma_wait3A_25 = arith.constant 0 : i32
    %dma_wait3A_26 = arith.constant 0 : i32
    %dma_wait3A_27 = tpu.memref_slice %arg4[%dma_wait3A_24, %dma_wait3A_25, %dma_wait3A_26] : memref<10240x8x128xf32, #tpu.memory_space<hbm>> -> memref<4x8x128xf32, #tpu.memory_space<hbm>>
    %dma_wait3A_28 = arith.constant 0 : i32
    %dma_wait3A_29 = arith.constant 0 : i32
    %dma_wait3A_30 = arith.constant 0 : i32
    %dma_wait3A_31 = tpu.memref_slice %arg4[%dma_wait3A_28, %dma_wait3A_29, %dma_wait3A_30] : memref<10240x8x128xf32, #tpu.memory_space<hbm>> -> memref<4x8x128xf32, #tpu.memory_space<hbm>>
    %dma_wait3A_32 = arith.constant 0 : i32
    %dma_wait3A_33 = arith.constant 0 : i32
    %dma_wait3A_34 = arith.constant 0 : i32
    %dma_wait3A_35 = tpu.memref_slice %arg9[%dma_wait3A_32, %dma_wait3A_33, %dma_wait3A_34] : memref<16x8x129xf32, #tpu.memory_space<vmem>> -> memref<4x8x128xf32, #tpu.memory_space<vmem>>
    tpu.wait_dma2 semaphore(%arg13 : memref<!tpu.dma_semaphore, #tpu.memory_space<semaphore_mem>>) src(%dma_wait3A_35 : memref<4x8x128xf32, #tpu.memory_space<vmem>>) dst(%dma_wait3A_31 : memref<4x8x128xf32, #tpu.memory_space<hbm>>)
    %dma_wait3A_36 = arith.constant 0 : i32
    %dma_wait3A_37 = arith.constant 0 : i32
    %dma_wait3A_38 = arith.constant 0 : i32
    %dma_wait3A_39 = tpu.memref_slice %arg9[%dma_wait3A_36, %dma_wait3A_37, %dma_wait3A_38] : memref<16x8x129xf32, #tpu.memory_space<vmem>> -> memref<4x8x128xf32, #tpu.memory_space<vmem>>
    %dma_wait3A_40 = arith.constant 0 : i32
    %dma_wait3A_41 = arith.constant 0 : i32
    %dma_wait3A_42 = arith.constant 0 : i32
    %dma_wait3A_43 = tpu.memref_slice %arg4[%dma_wait3A_40, %dma_wait3A_41, %dma_wait3A_42] : memref<10240x8x128xf32, #tpu.memory_space<hbm>> -> memref<4x8x128xf32, #tpu.memory_space<hbm>>
    %dma_wait3A_44 = arith.constant 0 : i32
    %dma_wait3A_45 = arith.constant 0 : i32
    %dma_wait3A_46 = arith.constant 0 : i32
    %dma_wait3A_47 = tpu.memref_slice %arg4[%dma_wait3A_44, %dma_wait3A_45, %dma_wait3A_46] : memref<10240x8x128xf32, #tpu.memory_space<hbm>> -> memref<4x8x128xf32, #tpu.memory_space<hbm>>
    %dma_wait3A_48 = arith.constant 0 : i32
    %dma_wait3A_49 = arith.constant 0 : i32
    %dma_wait3A_50 = arith.constant 0 : i32
    %dma_wait3A_51 = tpu.memref_slice %arg9[%dma_wait3A_48, %dma_wait3A_49, %dma_wait3A_50] : memref<16x8x129xf32, #tpu.memory_space<vmem>> -> memref<4x8x128xf32, #tpu.memory_space<vmem>>
    tpu.wait_dma2 semaphore(%arg13 : memref<!tpu.dma_semaphore, #tpu.memory_space<semaphore_mem>>) src(%dma_wait3A_51 : memref<4x8x128xf32, #tpu.memory_space<vmem>>) dst(%dma_wait3A_47 : memref<4x8x128xf32, #tpu.memory_space<hbm>>)
    %dma_wait3A_52 = arith.constant 0 : i32
    %dma_wait3A_53 = arith.constant 0 : i32
    %dma_wait3A_54 = arith.constant 0 : i32
    %dma_wait3A_55 = tpu.memref_slice %arg9[%dma_wait3A_52, %dma_wait3A_53, %dma_wait3A_54] : memref<16x8x129xf32, #tpu.memory_space<vmem>> -> memref<4x8x128xf32, #tpu.memory_space<vmem>>
    %dma_wait3A_56 = arith.constant 0 : i32
    %dma_wait3A_57 = arith.constant 0 : i32
    %dma_wait3A_58 = arith.constant 0 : i32
    %dma_wait3A_59 = tpu.memref_slice %arg4[%dma_wait3A_56, %dma_wait3A_57, %dma_wait3A_58] : memref<10240x8x128xf32, #tpu.memory_space<hbm>> -> memref<4x8x128xf32, #tpu.memory_space<hbm>>
    %dma_wait3A_60 = arith.constant 0 : i32
    %dma_wait3A_61 = arith.constant 0 : i32
    %dma_wait3A_62 = arith.constant 0 : i32
    %dma_wait3A_63 = tpu.memref_slice %arg4[%dma_wait3A_60, %dma_wait3A_61, %dma_wait3A_62] : memref<10240x8x128xf32, #tpu.memory_space<hbm>> -> memref<4x8x128xf32, #tpu.memory_space<hbm>>
    %dma_wait3A_64 = arith.constant 0 : i32
    %dma_wait3A_65 = arith.constant 0 : i32
    %dma_wait3A_66 = arith.constant 0 : i32
    %dma_wait3A_67 = tpu.memref_slice %arg9[%dma_wait3A_64, %dma_wait3A_65, %dma_wait3A_66] : memref<16x8x129xf32, #tpu.memory_space<vmem>> -> memref<4x8x128xf32, #tpu.memory_space<vmem>>
    tpu.wait_dma2 semaphore(%arg13 : memref<!tpu.dma_semaphore, #tpu.memory_space<semaphore_mem>>) src(%dma_wait3A_67 : memref<4x8x128xf32, #tpu.memory_space<vmem>>) dst(%dma_wait3A_63 : memref<4x8x128xf32, #tpu.memory_space<hbm>>)
    %dma_wait3A_68 = arith.constant 0 : i32
    %dma_wait3A_69 = arith.constant 0 : i32
    %dma_wait3A_70 = arith.constant 0 : i32
    %dma_wait3A_71 = tpu.memref_slice %arg9[%dma_wait3A_68, %dma_wait3A_69, %dma_wait3A_70] : memref<16x8x129xf32, #tpu.memory_space<vmem>> -> memref<4x8x128xf32, #tpu.memory_space<vmem>>
    %dma_wait3A_72 = arith.constant 0 : i32
    %dma_wait3A_73 = arith.constant 0 : i32
    %dma_wait3A_74 = arith.constant 0 : i32
    %dma_wait3A_75 = tpu.memref_slice %arg4[%dma_wait3A_72, %dma_wait3A_73, %dma_wait3A_74] : memref<10240x8x128xf32, #tpu.memory_space<hbm>> -> memref<4x8x128xf32, #tpu.memory_space<hbm>>
    %dma_wait3A_76 = arith.constant 0 : i32
    %dma_wait3A_77 = arith.constant 0 : i32
    %dma_wait3A_78 = arith.constant 0 : i32
    %dma_wait3A_79 = tpu.memref_slice %arg4[%dma_wait3A_76, %dma_wait3A_77, %dma_wait3A_78] : memref<10240x8x128xf32, #tpu.memory_space<hbm>> -> memref<4x8x128xf32, #tpu.memory_space<hbm>>
    %dma_wait3A_80 = arith.constant 0 : i32
    %dma_wait3A_81 = arith.constant 0 : i32
    %dma_wait3A_82 = arith.constant 0 : i32
    %dma_wait3A_83 = tpu.memref_slice %arg9[%dma_wait3A_80, %dma_wait3A_81, %dma_wait3A_82] : memref<16x8x129xf32, #tpu.memory_space<vmem>> -> memref<4x8x128xf32, #tpu.memory_space<vmem>>
    tpu.wait_dma2 semaphore(%arg13 : memref<!tpu.dma_semaphore, #tpu.memory_space<semaphore_mem>>) src(%dma_wait3A_83 : memref<4x8x128xf32, #tpu.memory_space<vmem>>) dst(%dma_wait3A_79 : memref<4x8x128xf32, #tpu.memory_space<hbm>>)
    %dma_wait3A_84 = arith.constant 0 : i32
    %dma_wait3A_85 = arith.constant 0 : i32
    %dma_wait3A_86 = arith.constant 0 : i32
    %dma_wait3A_87 = tpu.memref_slice %arg8[%dma_wait3A_84, %dma_wait3A_85, %dma_wait3A_86] : memref<16x8x129xf32, #tpu.memory_space<vmem>> -> memref<4x8x128xf32, #tpu.memory_space<vmem>>
    %dma_wait3A_88 = arith.constant 0 : i32
    %dma_wait3A_89 = arith.constant 0 : i32
    %dma_wait3A_90 = arith.constant 0 : i32
    %dma_wait3A_91 = tpu.memref_slice %arg4[%dma_wait3A_88, %dma_wait3A_89, %dma_wait3A_90] : memref<10240x8x128xf32, #tpu.memory_space<hbm>> -> memref<4x8x128xf32, #tpu.memory_space<hbm>>
    %dma_wait3A_92 = arith.constant 0 : i32
    %dma_wait3A_93 = arith.constant 0 : i32
    %dma_wait3A_94 = arith.constant 0 : i32
    %dma_wait3A_95 = tpu.memref_slice %arg4[%dma_wait3A_92, %dma_wait3A_93, %dma_wait3A_94] : memref<10240x8x128xf32, #tpu.memory_space<hbm>> -> memref<4x8x128xf32, #tpu.memory_space<hbm>>
    %dma_wait3A_96 = arith.constant 0 : i32
    %dma_wait3A_97 = arith.constant 0 : i32
    %dma_wait3A_98 = arith.constant 0 : i32
    %dma_wait3A_99 = tpu.memref_slice %arg8[%dma_wait3A_96, %dma_wait3A_97, %dma_wait3A_98] : memref<16x8x129xf32, #tpu.memory_space<vmem>> -> memref<4x8x128xf32, #tpu.memory_space<vmem>>
    tpu.wait_dma2 semaphore(%arg12 : memref<!tpu.dma_semaphore, #tpu.memory_space<semaphore_mem>>) src(%dma_wait3A_99 : memref<4x8x128xf32, #tpu.memory_space<vmem>>) dst(%dma_wait3A_95 : memref<4x8x128xf32, #tpu.memory_space<hbm>>)
    %dma_wait3A_100 = arith.constant 0 : i32
    %dma_wait3A_101 = arith.constant 0 : i32
    %dma_wait3A_102 = arith.constant 0 : i32
    %dma_wait3A_103 = tpu.memref_slice %arg8[%dma_wait3A_100, %dma_wait3A_101, %dma_wait3A_102] : memref<16x8x129xf32, #tpu.memory_space<vmem>> -> memref<4x8x128xf32, #tpu.memory_space<vmem>>
    %dma_wait3A_104 = arith.constant 0 : i32
    %dma_wait3A_105 = arith.constant 0 : i32
    %dma_wait3A_106 = arith.constant 0 : i32
    %dma_wait3A_107 = tpu.memref_slice %arg4[%dma_wait3A_104, %dma_wait3A_105, %dma_wait3A_106] : memref<10240x8x128xf32, #tpu.memory_space<hbm>> -> memref<4x8x128xf32, #tpu.memory_space<hbm>>
    %dma_wait3A_108 = arith.constant 0 : i32
    %dma_wait3A_109 = arith.constant 0 : i32
    %dma_wait3A_110 = arith.constant 0 : i32
    %dma_wait3A_111 = tpu.memref_slice %arg4[%dma_wait3A_108, %dma_wait3A_109, %dma_wait3A_110] : memref<10240x8x128xf32, #tpu.memory_space<hbm>> -> memref<4x8x128xf32, #tpu.memory_space<hbm>>
    %dma_wait3A_112 = arith.constant 0 : i32
    %dma_wait3A_113 = arith.constant 0 : i32
    %dma_wait3A_114 = arith.constant 0 : i32
    %dma_wait3A_115 = tpu.memref_slice %arg8[%dma_wait3A_112, %dma_wait3A_113, %dma_wait3A_114] : memref<16x8x129xf32, #tpu.memory_space<vmem>> -> memref<4x8x128xf32, #tpu.memory_space<vmem>>
    tpu.wait_dma2 semaphore(%arg12 : memref<!tpu.dma_semaphore, #tpu.memory_space<semaphore_mem>>) src(%dma_wait3A_115 : memref<4x8x128xf32, #tpu.memory_space<vmem>>) dst(%dma_wait3A_111 : memref<4x8x128xf32, #tpu.memory_space<hbm>>)
    %dma_wait3A_116 = arith.constant 0 : i32
    %dma_wait3A_117 = arith.constant 0 : i32
    %dma_wait3A_118 = arith.constant 0 : i32
    %dma_wait3A_119 = tpu.memref_slice %arg8[%dma_wait3A_116, %dma_wait3A_117, %dma_wait3A_118] : memref<16x8x129xf32, #tpu.memory_space<vmem>> -> memref<4x8x128xf32, #tpu.memory_space<vmem>>
    %dma_wait3A_120 = arith.constant 0 : i32
    %dma_wait3A_121 = arith.constant 0 : i32
    %dma_wait3A_122 = arith.constant 0 : i32
    %dma_wait3A_123 = tpu.memref_slice %arg4[%dma_wait3A_120, %dma_wait3A_121, %dma_wait3A_122] : memref<10240x8x128xf32, #tpu.memory_space<hbm>> -> memref<4x8x128xf32, #tpu.memory_space<hbm>>
    %dma_wait3A_124 = arith.constant 0 : i32
    %dma_wait3A_125 = arith.constant 0 : i32
    %dma_wait3A_126 = arith.constant 0 : i32
    %dma_wait3A_127 = tpu.memref_slice %arg4[%dma_wait3A_124, %dma_wait3A_125, %dma_wait3A_126] : memref<10240x8x128xf32, #tpu.memory_space<hbm>> -> memref<4x8x128xf32, #tpu.memory_space<hbm>>
    %dma_wait3A_128 = arith.constant 0 : i32
    %dma_wait3A_129 = arith.constant 0 : i32
    %dma_wait3A_130 = arith.constant 0 : i32
    %dma_wait3A_131 = tpu.memref_slice %arg8[%dma_wait3A_128, %dma_wait3A_129, %dma_wait3A_130] : memref<16x8x129xf32, #tpu.memory_space<vmem>> -> memref<4x8x128xf32, #tpu.memory_space<vmem>>
    tpu.wait_dma2 semaphore(%arg12 : memref<!tpu.dma_semaphore, #tpu.memory_space<semaphore_mem>>) src(%dma_wait3A_131 : memref<4x8x128xf32, #tpu.memory_space<vmem>>) dst(%dma_wait3A_127 : memref<4x8x128xf32, #tpu.memory_space<hbm>>)
    %dma_wait3A_132 = arith.constant 0 : i32
    %dma_wait3A_133 = arith.constant 0 : i32
    %dma_wait3A_134 = arith.constant 0 : i32
    %dma_wait3A_135 = tpu.memref_slice %arg8[%dma_wait3A_132, %dma_wait3A_133, %dma_wait3A_134] : memref<16x8x129xf32, #tpu.memory_space<vmem>> -> memref<4x8x128xf32, #tpu.memory_space<vmem>>
    %dma_wait3A_136 = arith.constant 0 : i32
    %dma_wait3A_137 = arith.constant 0 : i32
    %dma_wait3A_138 = arith.constant 0 : i32
    %dma_wait3A_139 = tpu.memref_slice %arg4[%dma_wait3A_136, %dma_wait3A_137, %dma_wait3A_138] : memref<10240x8x128xf32, #tpu.memory_space<hbm>> -> memref<4x8x128xf32, #tpu.memory_space<hbm>>
    %dma_wait3A_140 = arith.constant 0 : i32
    %dma_wait3A_141 = arith.constant 0 : i32
    %dma_wait3A_142 = arith.constant 0 : i32
    %dma_wait3A_143 = tpu.memref_slice %arg4[%dma_wait3A_140, %dma_wait3A_141, %dma_wait3A_142] : memref<10240x8x128xf32, #tpu.memory_space<hbm>> -> memref<4x8x128xf32, #tpu.memory_space<hbm>>
    %dma_wait3A_144 = arith.constant 0 : i32
    %dma_wait3A_145 = arith.constant 0 : i32
    %dma_wait3A_146 = arith.constant 0 : i32
    %dma_wait3A_147 = tpu.memref_slice %arg8[%dma_wait3A_144, %dma_wait3A_145, %dma_wait3A_146] : memref<16x8x129xf32, #tpu.memory_space<vmem>> -> memref<4x8x128xf32, #tpu.memory_space<vmem>>
    tpu.wait_dma2 semaphore(%arg12 : memref<!tpu.dma_semaphore, #tpu.memory_space<semaphore_mem>>) src(%dma_wait3A_147 : memref<4x8x128xf32, #tpu.memory_space<vmem>>) dst(%dma_wait3A_143 : memref<4x8x128xf32, #tpu.memory_space<hbm>>)
    return
  }
}

</mosaic_0001>

<sc_bundles>
// kernel: kernel.4.cloned.1.call-start
scs
__scs_entry_jumppad:
0x0: {  	(pc) =	sbr.rel $0x88, $3  }
0x1: {  	(tag) =	ssettag $0x0;
	lr =	simm.s32 $0x1  }
0x2: {  	[smem:$0x3F9F] =	sst lr;
	_ =	strace $0xD0000000  }
0x3: {  	_ = 	snop  }
0x4: {  	_ = 	snop  }
0x5: {  	_ = 	snop  }
0x6: {  	_ = 	snop  }
0x7: {  	_ = 	snop  }
__scs_overlays_trampoline_lowered:
0x8: {  	[smem:$0x3FAE] =	sst s0  }
0x9: {  	[smem:$0x3FAF] =	sst s1  }
0xa: {  	[smem:$0x3FB0] =	sst s2  }
0xb: {  	[smem:$0x3FB1] =	sst s3  }
0xc: {  	[smem:$0x3FB2] =	sst s4  }
0xd: {  	[smem:$0x3FB3] =	sst s5  }
0xe: {  	[smem:$0x3FB4] =	sst s6  }
0xf: {  	[smem:$0x3FB5] =	sst s7  }
0x10: {  	[smem:$0x3FB6] =	sst s8  }
0x11: {  	[smem:$0x3FB7] =	sst s9;
	s0 =	simm.s32 @!p0 $0x0  }
0x12: {  	s1 =	sld [smem:$0x3F9D];
	s0 =	simm.s32 @p0 $0x1  }
0x13: {  	[smem:$0x3FB8] =	sst s0;
	s0 =	simm.s32 @!p1 $0x0  }
0x14: {  	s2 =	sld [smem:$0x3F9C];
	s0 =	simm.s32 @p1 $0x1  }
0x15: {  	[smem:$0x3FB9] =	sst s0;
	s0 =	simm.s32 @!p2 $0x0  }
0x16: {  	s3 =	sld [smem:$0x3FDB];
	s0 =	simm.s32 @p2 $0x1  }
0x17: {  	s4 =	simm.s32 $0x1BF5;
	[smem:$0x3FBB] =	sst s0  }
0x18: {  	s0 =	sld [smem:$0x3F9E];
	_ =	swait.ge [sflag:s4], $0x0  }
0x19: {  	s7 =	sld [smem:$0x3F9F]  }
0x1a: {  	s8 =	sadd.s32 $0xFFFFE003, lr  }
0x1b: {  	s9 =	sadd.s32 $0xFFFFFEF7, lr;
	s5 =	simm.s32 $0xFFFFFFFF;
	p2 =	slt.u32 s8, $0xFFFFF086  }
0x1c: {  	p1 =	slt.u32 s9, $0xF7A;
	s5 =	simm.s32 @!p2 $0x0  }
0x1d: {  	s5 =	simm.s32 @p1 $0x1;
	p0 =	seq.s32 s7, s2  }
0x1e: {  	s7 =	smul.u32 @!p0 $0xF7A, s2;
	p2 =	seq.s32 @!p0 s5, $0x0  }
0x1f: {  	s9 =	smul.u32 $0xF7A, s1;
	s8 =	simm.s32 @!p0 $0x1BF5;
	p2 =	por !p2, p0  }
0x20: {  	[sflag:s8] =	ssyncset.s32 @!p0 $0xFFFFF086;
	s6 =	sadd.s32 @!p0 s3, s7;
	s7 =	simm.s32 @!p0 $0x108  }
0x21: {  	s3 =	sadd.s32 s3, s9;
	s6 =	sadd.s32 @!p0 $0x88, s6;
	s7 =	simm.s32 @p2 $0x1082  }
0x22: {  	[simem:s7], [sflag:s8] =	dma.local @!p0 [hbm:s6], $0xF7A  }
0x23: {  	s9 =	sor.u32 $0xD0000000, s2;
	s6 =	simm.s32 $0x108;
	_ =	swait.ge @!p0 [sflag:s8], $0x0  }
0x24: {  	s3 =	sadd.s32 $0x88, s3;
	s6 =	simm.s32 @!p1 $0x1082;
	[sflag:s4] =	ssyncset.s32 $0xFFFFF086  }
0x25: {  	[simem:s6], [sflag:s4] =	dma.local [hbm:s3], $0xF7A  }
0x26: {  	[smem:$0x3F9F] =	sst s1;
	(tag) =	ssettag s2;
	_ =	strace s9  }
0x27: {  	s1 =	sld [smem:$0x3FAF]  }
0x28: {  	s2 =	sld [smem:$0x3FB0]  }
0x29: {  	s4 =	sld [smem:$0x3FB2]  }
0x2a: {  	p0 =	seq.s32 s5, $0x0;
	s5 =	sld [smem:$0x3FB3]  }
0x2b: {  	s6 =	sld [smem:$0x3FB4]  }
0x2c: {  	s7 =	sld [smem:$0x3FB5]  }
0x2d: {  	s3 =	simm.s32 $0x108;
	s8 =	sld [smem:$0x3FB6]  }
0x2e: {  	s3 =	simm.s32 @!p0 $0x1082;
	s9 =	sld [smem:$0x3FB7]  }
0x2f: {  	lr =	sadd.s32 s0, s3;
	s0 =	sld [smem:$0x3FAE]  }
0x30: {  	s3 =	sld [smem:$0x3FB1]  }
0x31: {  	[smem:$0x3FBA] =	sst s10  }
0x32: {  	s10 =	sld [smem:$0x3FB8];
	_ =	sdelay $0x3  }
0x33: {  	p0 =	seq.s32 s10, $0x1;
	s10 =	sld [smem:$0x3FBA];
	_ =	sdelay $0x3  }
0x34: {  	[smem:$0x3FBA] =	sst s10  }
0x35: {  	s10 =	sld [smem:$0x3FB9];
	_ =	sdelay $0x3  }
0x36: {  	p1 =	seq.s32 s10, $0x1;
	s10 =	sld [smem:$0x3FBA];
	_ =	sdelay $0x3  }
0x37: {  	[smem:$0x3FBA] =	sst s10  }
0x38: {  	s10 =	sld [smem:$0x3FBB]  }
0x39: {  	_ = 	snop;
	(pc) =	sbr.ind lr, $3  }
0x3a: {  	_ = 	snop  }
0x3b: {  	_ = 	snop  }
0x3c: {  	p2 =	seq.s32 s10, $0x1;
	s10 =	sld [smem:$0x3FBA]  }
0x3d: {  	_ =	shalt  }
0x3e: {  	_ =	shalt  }
0x3f: {  	_ =	shalt  }
0x40: {  	_ =	shalt  }
0x41: {  	_ =	shalt  }
0x42: {  	_ =	shalt  }
0x43: {  	_ =	shalt  }
0x44: {  	_ =	shalt  }
0x45: {  	_ =	shalt  }
0x46: {  	_ =	shalt  }
0x47: {  	_ =	shalt  }
0x48: {  	_ =	shalt  }
0x49: {  	_ =	shalt  }
0x4a: {  	_ =	shalt  }
0x4b: {  	_ =	shalt  }
0x4c: {  	_ =	shalt  }
0x4d: {  	_ =	shalt  }
0x4e: {  	_ =	shalt  }
0x4f: {  	_ =	shalt  }
0x50: {  	_ =	shalt  }
0x51: {  	_ =	shalt  }
0x52: {  	_ =	shalt  }
0x53: {  	_ =	shalt  }
0x54: {  	_ =	shalt  }
0x55: {  	_ =	shalt  }
0x56: {  	_ =	shalt  }
0x57: {  	_ =	shalt  }
0x58: {  	_ =	shalt  }
0x59: {  	_ =	shalt  }
0x5a: {  	_ =	shalt  }
0x5b: {  	_ =	shalt  }
0x5c: {  	_ =	shalt  }
0x5d: {  	_ =	shalt  }
0x5e: {  	_ =	shalt  }
0x5f: {  	_ =	shalt  }
0x60: {  	_ =	shalt  }
0x61: {  	_ =	shalt  }
0x62: {  	_ =	shalt  }
0x63: {  	_ =	shalt  }
0x64: {  	_ =	shalt  }
0x65: {  	_ =	shalt  }
0x66: {  	_ =	shalt  }
0x67: {  	_ =	shalt  }
0x68: {  	_ =	shalt  }
0x69: {  	_ =	shalt  }
0x6a: {  	_ =	shalt  }
0x6b: {  	_ =	shalt  }
0x6c: {  	_ =	shalt  }
0x6d: {  	_ =	shalt  }
0x6e: {  	_ =	shalt  }
0x6f: {  	_ =	shalt  }
0x70: {  	_ =	shalt  }
0x71: {  	_ =	shalt  }
0x72: {  	_ =	shalt  }
0x73: {  	_ =	shalt  }
0x74: {  	_ =	shalt  }
0x75: {  	_ =	shalt  }
0x76: {  	_ =	shalt  }
0x77: {  	_ =	shalt  }
0x78: {  	_ =	shalt  }
0x79: {  	_ =	shalt  }
0x7a: {  	_ =	shalt  }
0x7b: {  	_ =	shalt  }
0x7c: {  	_ =	shalt  }
0x7d: {  	_ =	shalt  }
0x7e: {  	_ =	shalt  }
0x7f: {  	_ =	shalt  }
0x80: {  	_ =	shalt  }
0x81: {  	_ =	shalt  }
0x82: {  	_ =	shalt  }
0x83: {  	_ =	shalt  }
0x84: {  	_ =	shalt  }
0x85: {  	_ =	shalt  }
0x86: {  	_ =	shalt  }
0x87: {  	_ =	shalt  }
.Lfunc_end0:
.L_simem_size_0:
called_computation_lowered:
.L_overlay_start_0:
0x88: {  	s2 =	sld [smem:$0x3FD9]  }
0x89: {  	s3 =	sld [smem:$0x3FFE];
	_ =	sdelay $0x1  }
0x8a: {  	s1 =	srdreg.scid  }
0x8b: {  	s0 =	sand.u32 $0x1, s1  }
0x8c: {  	s17 =	sshll.u32 s0, $0xA;
	s2 =	sadd.s32 s3, s2  }
0x8d: {  	s2 =	sadd.s32 s2, s17  }
0x8e: {  	[smem:$0x3FC6] =	sst s2  }
0x8f: {  	_ = 	snop  }
0x90: {  	s2 =	sld [smem:$0x3FC8]  }
0x91: {  	s18 =	sld [smem:$0x3FD0];
	(tm) =	ssettm $0x1  }
0x92: {  	s4 =	sld [smem:$0x3FFB];
	_ =	sdelay $0x3  }
0x93: {  	_ =	strace s4  }
0x94: {  	s4 =	sld [smem:$0x3FFC];
	_ =	sdelay $0x3  }
0x95: {  	_ =	strace s4  }
0x96: {  	s4 =	sld [smem:$0x3FFD];
	_ =	sdelay $0x3  }
0x97: {  	_ =	strace s4  }
0x98: {  	_ =	strace $0x8FFFFFFF  }
0x99: {  	s19 =	sld [smem:$0x3FDB];
	_ =	sdelay $0x1  }
0x9a: {  	s5 =	simm.s32 $_scs_section_size  }
0x9b: {  	s6 =	simm.s32 $_size__tile_overlayer_lowered;
	s7 =	simm.s32 $_tile_overlayer_lowered  }
0x9c: {  	s22 =	simm.s32 $0x1BFF;
	s21 =	sshll.u32 s7, $0x1;
	s4 =	sadd.s32 s5, s19  }
0x9d: {  	s8 =	simm.s32 $0x0;
	s20 =	sshll.u32 s6, $0x1;
	s6 =	sadd.s32 s21, s4  }
0x9e: {  	[timem:s8], [sflag:s22] =	dma.local [hbm:s6], s20  }
0x9f: {  	_ =	swait.ge [sflag:s22], s20  }
0xa0: {  	s5 =	ssub.s32 $0x0, s20;
	[sflag:s22] =	ssyncset.done $0x0  }
0xa1: {  	[sflag:s22] =	ssyncadd.s32 s5;
	_ =	sdelay $0x1  }
0xa2: {  	s23 =	simm.s32 $0x1B8B  }
0xa3: {  	_ =	swait.ge [sflag:s23], $0x1  }
0xa4: {  	[sflag:s23] =	ssyncset.done $0x0  }
0xa5: {  	s25 =	simm.s32 $0x1B8E;
	s24 =	sld [smem:$0x3FFE];
	[sflag:s23] =	ssyncadd.s32 $0xFFFFFFFF  }
0xa6: {  	s26 =	simm.s32 $execute0_lowered;
	[smem:$0x3FD2] =	sst s25  }
0xa7: {  	s6 =	sshll.u32 s26, $0x1;
	_ =	strace $0x80000046;
	[dreg:$0x1] =	wrdreg $0xFFFFFFFF  }
0xa8: {  	s28 =	simm.s32 $_size_execute0_lowered;
	s4 =	sadd.s32 s4, s6;
	[dreg:$0x0] =	wrdreg $0x0  }
0xa9: {  	s6 =	sshll.u32 s28, $0x1;
	[dreg:$0x2] =	wrdreg s4  }
0xaa: {  	[dreg:$0x3] =	wrdreg s6  }
0xab: {  	[dreg:$0x4] =	wrdreg $0xC0  }
0xac: {  	_ =	task [dreg:s8], $0x5FFFF  }
0xad: {  	[dreg:$0x1] =	wrdreg $0xFFFFFFFF  }
0xae: {  	[dreg:$0x0] =	wrdreg $0x60  }
0xaf: {  	[dreg:$0x2] =	wrdreg s2  }
0xb0: {  	[dreg:$0x3] =	wrdreg s18  }
0xb1: {  	[dreg:$0x4] =	wrdreg s24  }
0xb2: {  	[dreg:$0x5] =	wrdreg $0x9  }
0xb3: {  	_ =	task.clear_ibuf [dreg:s8], $0x6FFFF;
	_ =	strace $0x90000046  }
0xb4: {  	s29 =	simm.s32 $0x9;
	_ =	strace $0x80000048  }
0xb5: {  	_ =	swait.ge [sflag:s29], $0x1  }
0xb6: {  	[sflag:s29] =	ssyncadd.s32 $0xFFFFFFFF  }
0xb7: {  	_ =	strace $0x90000048  }
0xb8: {  	_ =	sfence  }
0xb9: {  	s30 =	sld [smem:$0x0];
	_ =	sdelay $0x2  }
0xba: {  	s31 =	sshll.u32 s1, $0xD;
	s1 =	sshrl.u32 s1, $0x2  }
0xbb: {  	s3 =	sand.u32 $0x4000, s31;
	s1 =	sadd.s32 s1, s30  }
0xbc: {  	s0 =	sor.u32 s3, s0;
	s1 =	sshll.u32 s1, $0x11  }
0xbd: {  	s0 =	sor.u32 s1, s0  }
0xbe: {  	s0 =	sadd.s32 $0x8F2B, s0  }
0xbf: {  	[sflag:s0] =	ssyncadd.remote.s32 $0x1  }
0xc0: {  	_ =	sfence.sel $0xFFFF  }
0xc1: {  	[dreg:$0x0] =	wrdreg $0xFFFFFFFF;
	(pc) =	sbr.abs _section_cstart, $3  }
0xc2: {  	[dreg:$0x1] =	wrdreg $0xFFFFFFFF  }
0xc3: {  	_ =	task.clear_ibuf [dreg:s8], $0x2FFFF;
	_ =	strace $0x9FFFFFFF  }
0xc4: {  	(tm) =	ssettm $0x7FFFFFFF  }
0xc5: {  	_ =	shalt  }
tec
execute0_lowered:
.L_overlay_start_1:
0x0: {  	(tag) =	ssettag $0x1  }
0x1: {  	v0 =	vimm.s32 $0xF80;
	vm0 =	vcmask $0x300;
	v1 =	vimm.s32 $0x2780  }
0x2: {  	vm1 =	vcmask $0x704;
	v0 =	vsel vm0, $0x0, v0;
	v1 =	vsel vm0, $0x1800, v1  }
0x3: {  	s0 =	rddreg [dreg:$0x0];
	vm15 =	vcmask $0xB08;
	v0 =	vsel vm1, $0x80, v0;
	v1 =	vsel vm1, $0x1880, v1  }
0x4: {  	s1 =	srdreg.scid;
	s2 =	stileid.u32;
	vm4 =	vcmask $0xF0C;
	v0 =	vsel vm15, $0x100, v0;
	v1 =	vsel vm15, $0x1900, v1  }
0x5: {  	s3 =	rddreg [dreg:$0x2];
	s4 =	simm.s32 $0x0;
	vm5 =	vcmask $0x1310;
	s15 =	simm.s32 $0x3;
	v0 =	vsel vm4, $0x180, v0;
	v1 =	vsel vm4, $0x1980, v1  }
0x6: {  	vm6 =	vcmask $0x1714;
	s16 =	simm.s32 $0x4;
	s19 =	simm.s32 $0x2400;
	s20 =	simm.s32 $0x2;
	v0 =	vsel vm5, $0x200, v0;
	v1 =	vsel vm5, $0x1A00, v1  }
0x7: {  	vm7 =	vcmask $0x1B18;
	s21 =	simm.s32 $0x3000;
	s22 =	simm.s32 $0x8000;
	s23 =	simm.s32 $0x1;
	v0 =	vsel vm6, $0x280, v0;
	v1 =	vsel vm6, $0x1A80, v1  }
0x8: {  	vm8 =	vcmask $0x1F1C;
	s24 =	simm.s32 $0x6000;
	s1 =	sand.u32 $0x1, s1;
	s2 =	sshll.u32 s2, $0x1;
	v0 =	vsel vm7, $0x300, v0;
	v1 =	vsel vm7, $0x1B00, v1  }
0x9: {  	vm9 =	vcmask $0x2320;
	s25 =	simm.s32 $0x0;
	[smem:$0x7FF] =	sst s4;
	s2 =	sor.u32 s1, s2;
	v0 =	vsel vm8, $0x380, v0;
	v1 =	vsel vm8, $0x1B80, v1  }
0xa: {  	vm10 =	vcmask $0x2724;
	s8 =	sadd.s32 $0xA00, s3;
	s1 =	ssub.s32 $0x2, s1;
	s5 =	smul.u32 $0x7B, s2;
	v0 =	vsel vm9, $0xC00, v0;
	v1 =	vsel vm9, $0x2400, v1  }
0xb: {  	vm11 =	vcmask $0x2B28;
	_ =	strace $0x80000047;
	s9 =	sshrl.u32 s1, $0x1;
	s10 =	smul.u32 $0x7B00, s2;
	v0 =	vsel vm10, $0xC80, v0;
	v1 =	vsel vm10, $0x2480, v1  }
.Ltmp0:
0xc: {  	vm12 =	vcmask $0x2F2C;
	s1 =	ssub.s32 s1, s9;
	s6 =	ssub.s32 $0xF42, s5;
	v0 =	vsel vm11, $0xD00, v0;
	v1 =	vsel vm11, $0x2500, v1;
	(pc) =	sbr.rel .LBB2_1-.Ltmp0, $4  }
0xd: {  	vm13 =	vcmask $0x3330;
	s9 =	sadd.s32 s0, s10;
	s10 =	sadd.s32 $0x3D1200, s3;
	s7 =	smin.u32 s6, $0x7B;
	v0 =	vsel vm12, $0xD80, v0;
	v1 =	vsel vm12, $0x2580, v1  }
0xe: {  	vm14 =	vcmask $0x3734;
	s12 =	sadd.s32 $0xF4280, s9;
	s13 =	sadd.s32 $0x1E8500, s9;
	s11 =	sand.u32 $0x1, s7;
	v0 =	vsel vm13, $0xE00, v0;
	v1 =	vsel vm13, $0x2600, v1  }
0xf: {  	vm15 =	vcmask $0x3B38;
	s14 =	sadd.s32 $0x2DC780, s9;
	p0 =	seq.s32 s11, $0x1;
	s11 =	smax.u32 s1, $0x1;
	v0 =	vsel vm14, $0xE80, v0;
	v1 =	vsel vm14, $0x2680, v1  }
0x10: {  	s15 =	simm.s32 @!p0 $0x4;
	s16 =	simm.s32 @!p0 $0x3;
	p0 =	sne.s32 s2, $0x1F;
	v0 =	vsel vm15, $0xF00, v0;
	v1 =	vsel vm15, $0x2700, v1  }
.LBB2_11:
0x11: {  	_ =	swait.ge [sflag:s15], $0x2000  }
0x12: {  	[sflag:s15] =	ssyncset.done $0x0  }
0x13: {  	[sflag:s15] =	ssyncadd.s32 $0xFFFFE000  }
0x14: {  	_ =	swait.ge [sflag:s16], $0x2000  }
0x15: {  	s1 =	stileid.u32;
	[sflag:s16] =	ssyncset.done $0x0  }
0x16: {  	s25 =	sadd.s32 $0x1, s25;
	s1 =	sshll.u32 @!p0 s1, $0x6;
	[sflag:s16] =	ssyncadd.s32 $0xFFFFE000  }
0x17: {  	p1 =	sne.s32 s25, s11;
	s1 =	sor.u32 @!p0 $0x1C05, s1;
	s2 =	rddreg [dreg:$0x1]  }
0x18: {  	[hbm:s10], [sflag:s1] =	dma.local @!p0 [hbm:s2], $0x100  }
.Ltmp1:
0x19: {  	_ = 	snop;
	(pc) =	sbr.rel @!p1 .LBB2_12-.Ltmp1, $4  }
0x1a: {  	s1 =	simm.s32 @!p0 $0x5  }
0x1b: {  	_ =	swait.ge @!p0 [sflag:s1], $0x100  }
0x1c: {  	[sflag:s1] =	ssyncset.done @!p0 $0x0  }
0x1d: {  	[sflag:s1] =	ssyncadd.s32 @!p0 $0xFFFFFF00  }
.LBB2_1:
0x1e: {  	[tilespmem:s4], [sflag:$0x1] =	stream.linear.gather [hbm4b:s9+s4], $0x800, $0x38;
	[tilespmem:$0xA000] =	vst v63  }
0x1f: {  	s1 =	simm.s32 $0xC00  }
0x20: {  	[tilespmem:s1], [sflag:$0x1] =	stream.linear.gather [hbm4b:s12+s4], $0x800, $0x38;
	[tilespmem:$0xA000] =	vst v63  }
.Ltmp2:
0x21: {  	_ = 	snop;
	(pc) =	sbr.rel .LBB2_2-.Ltmp2, $4  }
0x22: {  	s31 =	simm.s32 $0x1800  }
0x23: {  	[tilespmem:s31], [sflag:$0x1] =	stream.linear.gather [hbm4b:s13+s4], $0x800, $0x38;
	[tilespmem:$0xA000] =	vst v63  }
0x24: {  	s26 =	simm.s32 $0x0  }
0x25: {  	[tilespmem:s19], [sflag:$0x1] =	stream.linear.gather [hbm4b:s14+s4], $0x800, $0x38;
	[tilespmem:$0xA000] =	vst v63  }
.LBB2_10:
0x26: {  	s26 =	sadd.s32 $0x1, s26  }
0x27: {  	p1 =	sne.s32 s26, $0x7B  }
.Ltmp3:
0x28: {  	_ = 	snop;
	(pc) =	sbr.rel @!p1 .LBB2_11-.Ltmp3, $1  }
0x29: {  	_ =	sdelay $0x3  }
.LBB2_2:
0x2a: {  	p1 =	sle.u32 s6, s26  }
.Ltmp4:
0x2b: {  	_ = 	snop;
	(pc) =	sbr.rel @p1 .LBB2_10-.Ltmp4, $1  }
0x2c: {  	_ =	sdelay $0x3  }
0x2d: {  	s28 =	sand.u32 $0x1, s26  }
0x2e: {  	p1 =	seq.s32 s28, $0x1  }
.Ltmp5:
0x2f: {  	_ = 	snop;
	(pc) =	sbr.rel @p1 .LBB2_7-.Ltmp5, $1  }
0x30: {  	_ =	sdelay $0x3  }
0x31: {  	s1 =	sor.u32 $0x1, s26  }
0x32: {  	p1 =	sge.u32 s1, s7  }
0x33: {  	_ =	swait.ge [sflag:s23], $0x2000;
	s1 =	sadd.s32 @!p1 s5, s1  }
0x34: {  	[sflag:s23] =	ssyncset.done $0x0;
	s1 =	sshll.u32 @!p1 s1, $0x8  }
0x35: {  	s18 =	simm.s32 $0x1;
	[sflag:s23] =	ssyncadd.s32 $0xFFFFE000;
	s1 =	sand.u32 @!p1 $0x1FFFFF00, s1  }
0x36: {  	s2 =	simm.s32 @!p1 $0x0;
	s3 =	simm.s32 @!p1 $0x3000;
	s1 =	sadd.s32 @!p1 s0, s1  }
0x37: {  	[tilespmem:s3], [sflag:$0x2] =	stream.linear.gather @!p1 [hbm4b:s1+s2], $0x800, $0x38;
	[tilespmem:$0xA000] =	vst v63  }
0x38: {  	s17 =	simm.s32 $0x2;
	s29 =	simm.s32 @!p1 $0x3C00;
	s3 =	sadd.s32 @!p1 $0xF4280, s1  }
0x39: {  	v2 =	vmov s18;
	[tilespmem:s29], [sflag:$0x2] =	stream.linear.gather @!p1 [hbm4b:s3+s2], $0x800, $0x38;
	[tilespmem:$0xA000] =	vst v63  }
0x3a: {  	v7 =	vmov s17;
	s17 =	simm.s32 $0x7;
	v3 =	vshll.u32 v2, $0x3;
	v2 =	vand.u32 $0x7D, v2;
	s29 =	simm.s32 $0x0  }
0x3b: {  	s30 =	simm.s32 @!p1 $0x4800;
	v9 =	vshll.u32 v7, $0x3;
	v3 =	vand.u32 $0x400, v3;
	s3 =	sadd.s32 @!p1 $0x1E8500, s1;
	v4 =	vmov s29;
	s29 =	simm.s32 $0x3  }
0x3c: {  	v14 =	vmov s17;
	v2 =	vor.u32 v2, v3;
	[tilespmem:s30], [sflag:$0x2] =	stream.linear.gather @!p1 [hbm4b:s3+s2], $0x800, $0x38;
	v6 =	vmov s29;
	[tilespmem:$0xA000] =	vst v63  }
0x3d: {  	s1 =	sadd.s32 @!p1 $0x2DC780, s1;
	v5 =	vand.u32 $0x7C, v4;
	v3 =	vshll.u32 v4, $0x3;
	s29 =	simm.s32 @!p1 $0x5400;
	v4 =	vshll.u32 v6, $0x3  }
0x3e: {  	v8 =	vadd.s32 v0, v2;
	v6 =	vand.u32 $0x7F, v6;
	v4 =	vand.u32 $0x400, v4;
	[tilespmem:s29], [sflag:$0x2] =	stream.linear.gather @!p1 [hbm4b:s1+s2], $0x800, $0x38;
	[tilespmem:$0xA000] =	vst v63  }
0x3f: {  	p1 =	slt.u32 s26, $0x2;
	v4 =	vor.u32 v6, v4;
	v6 =	vand.u32 $0x7E, v7;
	v7 =	vand.u32 $0x400, v9  }
0x40: {  	v3 =	vand.u32 $0x400, v3;
	s2 =	simm.s32 @!p1 $0x3;
	v9 =	vadd.s32 v0, v4;
	v6 =	vor.u32 v6, v7  }
0x41: {  	v16 =	vshll.u32 v14, $0x3;
	v3 =	vor.u32 v5, v3;
	_ =	swait.ge @!p1 [sflag:s2], $0x2000;
	v5 =	vadd.s32 v0, v6  }
0x42: {  	v14 =	vand.u32 $0x7F, v14;
	v16 =	vand.u32 $0x400, v16;
	s3 =	simm.s32 $0x4;
	[sflag:s2] =	ssyncset.done @!p1 $0x0  }
0x43: {  	s18 =	simm.s32 $0x5;
	v2 =	vadd.s32 v1, v2;
	v11 =	vmov s3;
	v12 =	vadd.s32 v0, v3;
	[sflag:s2] =	ssyncadd.s32 @!p1 $0xFFFFE000  }
0x44: {  	v14 =	vor.u32 v14, v16;
	v13 =	vand.u32 $0x7C, v11;
	v7 =	vmov s18;
	v8 =	vld.idx.msk [tilespmem:v8+s4+$0x0], $0xffff  }
0x45: {  	s18 =	simm.s32 $0x6;
	v4 =	vadd.s32 v1, v4;
	v10 =	vshll.u32 v7, $0x3;
	v7 =	vand.u32 $0x7D, v7;
	v9 =	vld.idx.msk [tilespmem:v9+s4+$0x0], $0xffff  }
0x46: {  	v15 =	vmov s18;
	v6 =	vadd.s32 v1, v6;
	v10 =	vand.u32 $0x400, v10;
	v5 =	vld.idx.msk [tilespmem:v5+s4+$0x0], $0xffff  }
0x47: {  	v17 =	vshll.u32 v15, $0x3;
	v15 =	vand.u32 $0x7E, v15;
	v7 =	vor.u32 v7, v10  }
0x48: {  	s31 =	simm.s32 $0x6040;
	v10 =	vshll.u32 v11, $0x3;
	v16 =	vand.u32 $0x400, v17;
	v17 =	vadd.s32 v0, v14;
	v12 =	vld.idx.msk [tilespmem:v12+s4+$0x0], $0xffff  }
0x49: {  	s3 =	simm.s32 $0x9;
	v11 =	vadd.s32 v0, v7;
	v10 =	vand.u32 $0x400, v10;
	v15 =	vor.u32 v15, v16;
	[tilespmem:s31+$0xFFFFFFE0] =	vst v8  }
0x4a: {  	v10 =	vor.u32 v13, v10;
	v13 =	vadd.s32 v0, v15;
	v18 =	vld.idx.msk [tilespmem:v2+s4+$0x0], $0xffff;
	[tilespmem:s31+$0x20] =	vst v9;
	v9 =	vmov s3  }
0x4b: {  	v16 =	vadd.s32 v0, v10;
	v4 =	vld.idx.msk [tilespmem:v4+s4+$0x0], $0xffff;
	v8 =	vshll.u32 v9, $0x3;
	[tilespmem:s31+$0x0] =	vst v5  }
0x4c: {  	v3 =	vadd.s32 v1, v3;
	v7 =	vadd.s32 v1, v7;
	v5 =	vand.u32 $0x400, v8;
	v8 =	vld.idx.msk [tilespmem:v6+s4+$0x0], $0xffff  }
0x4d: {  	s17 =	simm.s32 $0x8;
	s18 =	simm.s32 $0xB;
	v21 =	vadd.s32 v1, v15;
	[tilespmem:s31+$0xFFFFFFC0] =	vst v12;
	v12 =	vadd.s32 v1, v14;
	s3 =	simm.s32 $0x20;
	v2 =	vand.u32 $0x7D, v9;
	v9 =	vld.idx.msk [tilespmem:v17+s4+$0x0], $0xffff  }
0x4e: {  	s29 =	simm.s32 $0x60;
	v19 =	vld.idx.msk [tilespmem:v11+s4+$0x0], $0xffff;
	s1 =	sor.u32 $0x30, s3;
	v6 =	vmov s18;
	v2 =	vor.u32 v2, v5;
	v5 =	vmov s17  }
0x4f: {  	s30 =	simm.s32 $0x40;
	v13 =	vld.idx.msk [tilespmem:v13+s4+$0x0], $0xffff;
	s18 =	simm.s32 $0xA;
	v11 =	vshll.u32 v6, $0x3;
	s17 =	sor.u32 $0x70, s29;
	v6 =	vand.u32 $0x7F, v6;
	v17 =	vadd.s32 v0, v2;
	[tilespmem:s1+$0x6000] =	vst v18  }
0x50: {  	v14 =	vld.idx.msk [tilespmem:v16+s4+$0x0], $0xffff;
	v20 =	vand.u32 $0x7C, v5;
	v11 =	vand.u32 $0x400, v11;
	[tilespmem:s17+$0x6000] =	vst v4;
	v4 =	vmov s18;
	s17 =	sor.u32 $0x50, s30  }
0x51: {  	v5 =	vshll.u32 v5, $0x3;
	v18 =	vld.idx.msk [tilespmem:v3+s4+$0x0], $0xffff;
	v6 =	vor.u32 v6, v11;
	s30 =	simm.s32 $0x60C0;
	v3 =	vshll.u32 v4, $0x3;
	[tilespmem:s17+$0x6000] =	vst v8  }
0x52: {  	v22 =	vadd.s32 v0, v6;
	v4 =	vand.u32 $0x7E, v4;
	[tilespmem:s30+$0x20] =	vst v9;
	v3 =	vand.u32 $0x400, v3  }
0x53: {  	v11 =	vadd.s32 v1, v10;
	s18 =	simm.s32 $0xD;
	v8 =	vand.u32 $0x400, v5;
	[tilespmem:s30+$0xFFFFFFE0] =	vst v19;
	v12 =	vld.idx.msk [tilespmem:v12+s4+$0x0], $0xffff;
	v4 =	vor.u32 v4, v3  }
0x54: {  	v9 =	vmov s18;
	[tilespmem:s30+$0x0] =	vst v13;
	v5 =	vld.idx.msk [tilespmem:v17+s4+$0x0], $0xffff;
	v3 =	vor.u32 v20, v8;
	v15 =	vadd.s32 v0, v4  }
0x55: {  	s2 =	simm.s32 $0xC;
	[tilespmem:s30+$0xFFFFFFC0] =	vst v14;
	v10 =	vld.idx.msk [tilespmem:v7+s4+$0x0], $0xffff;
	v8 =	vshll.u32 v9, $0x3;
	v14 =	vadd.s32 v0, v3  }
0x56: {  	v16 =	vmov s2;
	v7 =	vld.idx.msk [tilespmem:v21+s4+$0x0], $0xffff;
	v9 =	vand.u32 $0x7D, v9;
	v13 =	vand.u32 $0x400, v8  }
0x57: {  	s3 =	simm.s32 $0x10;
	s1 =	simm.s32 $0xF;
	[tilespmem:s31+$0xFFFFFFD0] =	vst v18;
	s31 =	simm.s32 $0x60C0;
	v8 =	vand.u32 $0x7C, v16;
	v9 =	vor.u32 v9, v13;
	v13 =	vld.idx.msk [tilespmem:v22+s4+$0x0], $0xffff  }
.LBB2_5:
0x58: {  	p1 =	slt.u32 s3, $0xFC;
	v16 =	vshll.u32 v16, $0x3;
	v17 =	vadd.s32 v0, v9;
	s2 =	sadd.s32 $0x2, s2;
	v18 =	vmov s1;
	v19 =	vld.idx.msk [tilespmem:v11+s4+$0x0], $0xffff;
	s29 =	sadd.s32 $0x80, s29  }
0x59: {  	v22 =	vadd.s32 v1, v6;
	v23 =	vmovc v5;
	v11 =	vmov s2;
	v20 =	vshll.u32 v18, $0x3;
	v21 =	vld.idx.msk [tilespmem:v15+s4+$0x0], $0xffff;
	s1 =	sadd.s32 $0xFFFFFFC0, s29;
	s2 =	sadd.s32 $0xFFFFFFE0, s29;
	s17 =	sor.u32 $0x70, s29  }
0x5a: {  	v5 =	vand.u32 $0x7F, v18;
	v6 =	vand.u32 $0x400, v20;
	v18 =	vld.idx.msk [tilespmem:v14+s4+$0x0], $0xffff;
	v20 =	vadd.s32 v1, v2;
	s1 =	sor.u32 $0x30, s1;
	s18 =	sor.u32 $0x50, s2;
	[tilespmem:s17+$0x6000] =	vst v12;
	v2 =	vmovc v9;
	s2 =	smov.u32 s3  }
0x5b: {  	v24 =	vadd.s32 v1, v4;
	v9 =	vshll.u32 v11, $0x3;
	v6 =	vor.u32 v5, v6;
	[tilespmem:s1+$0x6000] =	vst v10  }
0x5c: {  	s30 =	sadd.s32 $0x80, s30;
	v4 =	vand.u32 $0x7E, v11;
	v9 =	vand.u32 $0x400, v9;
	v25 =	vadd.s32 v0, v6;
	[tilespmem:s18+$0x6000] =	vst v7  }
.Ltmp6:
0x5d: {  	v11 =	vadd.s32 v1, v3;
	s1 =	sadd.s32 $0x1, s3;
	v7 =	vand.u32 $0x400, v16;
	v4 =	vor.u32 v4, v9;
	v5 =	vld.idx.msk [tilespmem:v17+s4+$0x0], $0xffff;
	[tilespmem:s30+$0x20] =	vst v13;
	(pc) =	sbr.rel @p1 .LBB2_5-.Ltmp6, $4  }
0x5e: {  	v9 =	vmov s1;
	v3 =	vor.u32 v8, v7;
	v15 =	vadd.s32 v0, v4;
	[tilespmem:s30+$0xFFFFFFE0] =	vst v23;
	v12 =	vld.idx.msk [tilespmem:v22+s4+$0x0], $0xffff  }
0x5f: {  	v7 =	vshll.u32 v9, $0x3;
	v14 =	vadd.s32 v0, v3;
	v10 =	vld.idx.msk [tilespmem:v20+s4+$0x0], $0xffff;
	[tilespmem:s30+$0x0] =	vst v21  }
0x60: {  	v16 =	vmov s3;
	v9 =	vand.u32 $0x7D, v9;
	v13 =	vand.u32 $0x400, v7;
	[tilespmem:s30+$0xFFFFFFC0] =	vst v18;
	v7 =	vld.idx.msk [tilespmem:v24+s4+$0x0], $0xffff  }
0x61: {  	s1 =	sadd.s32 $0x3, s2;
	s3 =	sadd.s32 $0x4, s3;
	v8 =	vand.u32 $0x7C, v16;
	v9 =	vor.u32 v9, v13;
	v13 =	vld.idx.msk [tilespmem:v25+s4+$0x0], $0xffff;
	[tilespmem:s31+$0xFFFFFFD0] =	vst v19;
	s31 =	smov.u32 s30  }
0x62: {  	v17 =	vmov s1  }
0x63: {  	s2 =	sadd.s32 $0x2, s2;
	v16 =	vshll.u32 v16, $0x3;
	v6 =	vadd.s32 v1, v6;
	v2 =	vadd.s32 v1, v2  }
0x64: {  	v53 =	vadd.s32 v0, v9;
	v18 =	vmov s2;
	v19 =	vshll.u32 v17, $0x3  }
0x65: {  	s1 =	sadd.s32 $0x80, s29;
	s18 =	sadd.s32 $0x80, s30;
	v17 =	vand.u32 $0x7F, v17;
	v54 =	vand.u32 $0x400, v16;
	v19 =	vand.u32 $0x400, v19  }
0x66: {  	v15 =	vld.idx.msk [tilespmem:v15+s4+$0x0], $0xffff;
	s17 =	sadd.s32 $0xFFFFFFC0, s1;
	s3 =	sor.u32 $0x70, s1;
	[tilespmem:s18+$0xFFFFFFE0] =	vst v5;
	v20 =	vshll.u32 v18, $0x3;
	v51 =	vand.u32 $0x7E, v18;
	v17 =	vor.u32 v17, v19  }
0x67: {  	v14 =	vld.idx.msk [tilespmem:v14+s4+$0x0], $0xffff;
	s2 =	sor.u32 $0x30, s17;
	[tilespmem:s3+$0x6000] =	vst v12;
	v8 =	vor.u32 v8, v54;
	v52 =	vand.u32 $0x400, v20;
	v19 =	vadd.s32 v0, v17  }
0x68: {  	v11 =	vld.idx.msk [tilespmem:v11+s4+$0x0], $0xffff;
	s29 =	sadd.s32 $0xFFFFFFE0, s1;
	[tilespmem:s2+$0x6000] =	vst v10;
	v57 =	vadd.s32 v0, v8;
	v12 =	vor.u32 v51, v52  }
0x69: {  	s3 =	sor.u32 $0x50, s29;
	[tilespmem:s18+$0x20] =	vst v13;
	v55 =	vadd.s32 v0, v12;
	v2 =	vld.idx.msk [tilespmem:v2+s4+$0x0], $0xffff  }
0x6a: {  	v3 =	vadd.s32 v1, v3;
	[tilespmem:s3+$0x6000] =	vst v7;
	v56 =	vld.idx.msk [tilespmem:v6+s4+$0x0], $0xffff  }
0x6b: {  	v4 =	vadd.s32 v1, v4;
	s1 =	sadd.s32 $0x80, s1;
	[tilespmem:s18+$0x0] =	vst v15;
	v59 =	vld.idx.msk [tilespmem:v53+s4+$0x0], $0xffff  }
0x6c: {  	v61 =	vadd.s32 v1, v9;
	s30 =	sadd.s32 $0xFFFFFFC0, s1;
	[tilespmem:s18+$0xFFFFFFC0] =	vst v14;
	v58 =	vld.idx.msk [tilespmem:v19+s4+$0x0], $0xffff  }
0x6d: {  	s3 =	sor.u32 $0x30, s30;
	v60 =	vadd.s32 v1, v17;
	[tilespmem:s31+$0xFFFFFFD0] =	vst v11;
	v6 =	vld.idx.msk [tilespmem:v57+s4+$0x0], $0xffff  }
0x6e: {  	s17 =	sor.u32 $0x70, s1;
	v10 =	vld.idx.msk [tilespmem:v55+s4+$0x0], $0xffff;
	[tilespmem:s3+$0x6000] =	vst v2;
	v2 =	vadd.s32 v1, v8  }
0x6f: {  	v62 =	vadd.s32 v1, v12;
	v3 =	vld.idx.msk [tilespmem:v3+s4+$0x0], $0xffff;
	[tilespmem:s17+$0x6000] =	vst v56;
	s3 =	sadd.s32 $0x80, s18  }
0x70: {  	v4 =	vld.idx.msk [tilespmem:v4+s4+$0x0], $0xffff;
	[tilespmem:s3+$0xFFFFFFE0] =	vst v59  }
0x71: {  	v63 =	vld.idx.msk [tilespmem:v61+s4+$0x0], $0xffff;
	[tilespmem:s3+$0x20] =	vst v58  }
0x72: {  	[tilespmem:s3+$0xFFFFFFC0] =	vst v6;
	v7 =	vld.idx.msk [tilespmem:v60+s4+$0x0], $0xffff  }
0x73: {  	s31 =	sadd.s32 $0xFFFFFFE0, s1;
	s1 =	sadd.s32 $0x80, s1;
	[tilespmem:s3+$0x0] =	vst v10;
	v2 =	vld.idx.msk [tilespmem:v2+s4+$0x0], $0xffff  }
0x74: {  	s17 =	sor.u32 $0x50, s31;
	[tilespmem:s18+$0xFFFFFFD0] =	vst v3;
	s18 =	sadd.s32 $0xFFFFFFC0, s1;
	v5 =	vld.idx.msk [tilespmem:v62+s4+$0x0], $0xffff  }
0x75: {  	p1 =	seq.s32 s28, $0x0;
	[tilespmem:s17+$0x6000] =	vst v4;
	s2 =	sor.u32 $0x30, s18  }
.Ltmp7:
0x76: {  	s29 =	sor.u32 $0x70, s1;
	[tilespmem:s2+$0x6000] =	vst v63;
	(pc) =	sbr.rel @p1 .LBB2_10-.Ltmp7, $4  }
0x77: {  	s30 =	sadd.s32 s5, s26;
	s1 =	sadd.s32 $0xFFFFFFE0, s1;
	[tilespmem:s29+$0x6000] =	vst v7  }
0x78: {  	s31 =	sshll.u32 s30, $0xA;
	s1 =	sor.u32 $0x50, s1;
	[tilespmem:s3+$0xFFFFFFD0] =	vst v2  }
0x79: {  	[tilespmem:s1+$0x6000] =	vst v5;
	s1 =	sadd.s32 s8, s31  }
0x7a: {  	[hbm4b:s1+s4] =	stream.linear.scatter [tilespmem:s24], [sflag:$0x3], $0x2000, $0x38;
	[tilespmem:$0xA000] =	vst v63  }
.LBB2_7:
0x7b: {  	s1 =	sadd.s32 $0x1, s26  }
0x7c: {  	p1 =	sge.u32 s1, s7  }
0x7d: {  	s1 =	sadd.s32 @!p1 s5, s1  }
0x7e: {  	_ =	swait.ge [sflag:s20], $0x2000;
	s18 =	simm.s32 $0x1;
	s1 =	sshll.u32 @!p1 s1, $0x8  }
0x7f: {  	s31 =	simm.s32 $0x0;
	[sflag:s20] =	ssyncset.done $0x0;
	s1 =	sand.u32 @!p1 $0x1FFFFF00, s1  }
0x80: {  	[sflag:s20] =	ssyncadd.s32 $0xFFFFE000;
	s2 =	simm.s32 @!p1 $0x0;
	s1 =	sadd.s32 @!p1 s0, s1  }
0x81: {  	[tilespmem:s2], [sflag:$0x1] =	stream.linear.gather @!p1 [hbm4b:s1+s2], $0x800, $0x38;
	[tilespmem:$0xA000] =	vst v63  }
0x82: {  	v2 =	vmov s18;
	v4 =	vmov s31;
	s31 =	simm.s32 $0x3;
	s17 =	simm.s32 @!p1 $0xC00;
	s3 =	sadd.s32 @!p1 $0xF4280, s1  }
0x83: {  	v3 =	vshll.u32 v2, $0x3;
	v2 =	vand.u32 $0x7D, v2;
	[tilespmem:s17], [sflag:$0x1] =	stream.linear.gather @!p1 [hbm4b:s3+s2], $0x800, $0x38;
	[tilespmem:$0xA000] =	vst v63  }
0x84: {  	s18 =	simm.s32 @!p1 $0x1800;
	v5 =	vand.u32 $0x7C, v4;
	v6 =	vmov s31;
	s31 =	simm.s32 $0x2;
	v3 =	vand.u32 $0x400, v3;
	s3 =	sadd.s32 @!p1 $0x1E8500, s1  }
0x85: {  	v2 =	vor.u32 v2, v3;
	v3 =	vshll.u32 v4, $0x3;
	v4 =	vshll.u32 v6, $0x3;
	[tilespmem:s18], [sflag:$0x1] =	stream.linear.gather @!p1 [hbm4b:s3+s2], $0x800, $0x38;
	[tilespmem:$0xA000] =	vst v63  }
0x86: {  	v7 =	vmov s31;
	v6 =	vand.u32 $0x7F, v6;
	v4 =	vand.u32 $0x400, v4;
	s1 =	sadd.s32 @!p1 $0x2DC780, s1;
	s17 =	simm.s32 @!p1 $0x2400  }
0x87: {  	v9 =	vshll.u32 v7, $0x3;
	v4 =	vor.u32 v6, v4;
	[tilespmem:s17], [sflag:$0x1] =	stream.linear.gather @!p1 [hbm4b:s1+s2], $0x800, $0x38;
	[tilespmem:$0xA000] =	vst v63  }
0x88: {  	v6 =	vand.u32 $0x7E, v7;
	v7 =	vand.u32 $0x400, v9;
	v9 =	vadd.s32 v0, v4;
	p1 =	slt.u32 s26, $0x2  }
0x89: {  	v8 =	vadd.s32 v0, v2;
	v3 =	vand.u32 $0x400, v3;
	v6 =	vor.u32 v6, v7;
	s18 =	simm.s32 $0x5;
	s2 =	simm.s32 @!p1 $0x4  }
0x8a: {  	s31 =	simm.s32 $0x4;
	v3 =	vor.u32 v5, v3;
	v5 =	vadd.s32 v0, v6;
	v7 =	vmov s18;
	_ =	swait.ge @!p1 [sflag:s2], $0x2000  }
0x8b: {  	v11 =	vmov s31;
	v12 =	vadd.s32 v0, v3;
	v10 =	vshll.u32 v7, $0x3;
	[sflag:s2] =	ssyncset.done @!p1 $0x0  }
0x8c: {  	v13 =	vand.u32 $0x7C, v11;
	v7 =	vand.u32 $0x7D, v7;
	v10 =	vand.u32 $0x400, v10;
	[sflag:s2] =	ssyncadd.s32 @!p1 $0xFFFFE000  }
0x8d: {  	v2 =	vadd.s32 v1, v2;
	v4 =	vadd.s32 v1, v4;
	v7 =	vor.u32 v7, v10;
	s2 =	simm.s32 $0x7;
	v9 =	vld.idx.msk [tilespmem:v9+s21+$0x0], $0xffff  }
0x8e: {  	s3 =	simm.s32 $0x6;
	v10 =	vshll.u32 v11, $0x3;
	v11 =	vadd.s32 v0, v7;
	v14 =	vmov s2;
	v8 =	vld.idx.msk [tilespmem:v8+s21+$0x0], $0xffff  }
0x8f: {  	v6 =	vadd.s32 v1, v6;
	v15 =	vmov s3;
	v5 =	vld.idx.msk [tilespmem:v5+s21+$0x0], $0xffff;
	v16 =	vshll.u32 v14, $0x3  }
0x90: {  	v17 =	vshll.u32 v15, $0x3;
	v12 =	vld.idx.msk [tilespmem:v12+s21+$0x0], $0xffff;
	v14 =	vand.u32 $0x7F, v14;
	v16 =	vand.u32 $0x400, v16  }
0x91: {  	s30 =	simm.s32 $0x8040;
	v15 =	vand.u32 $0x7E, v15;
	v10 =	vand.u32 $0x400, v10;
	v14 =	vor.u32 v14, v16  }
0x92: {  	v10 =	vor.u32 v13, v10;
	v16 =	vand.u32 $0x400, v17;
	v17 =	vadd.s32 v0, v14;
	[tilespmem:s30+$0x20] =	vst v9  }
0x93: {  	s17 =	simm.s32 $0x9;
	v19 =	vld.idx.msk [tilespmem:v11+s21+$0x0], $0xffff;
	v15 =	vor.u32 v15, v16;
	v16 =	vadd.s32 v0, v10;
	[tilespmem:s30+$0xFFFFFFE0] =	vst v8  }
0x94: {  	v3 =	vadd.s32 v1, v3;
	v9 =	vmov s17;
	v13 =	vadd.s32 v0, v15;
	[tilespmem:s30+$0x0] =	vst v5;
	v4 =	vld.idx.msk [tilespmem:v4+s21+$0x0], $0xffff  }
0x95: {  	v7 =	vadd.s32 v1, v7;
	[tilespmem:s30+$0xFFFFFFC0] =	vst v12;
	v12 =	vadd.s32 v1, v14;
	v8 =	vshll.u32 v9, $0x3;
	v18 =	vld.idx.msk [tilespmem:v2+s21+$0x0], $0xffff  }
0x96: {  	s31 =	simm.s32 $0xB;
	s18 =	simm.s32 $0x8;
	v21 =	vadd.s32 v1, v15;
	v2 =	vand.u32 $0x7D, v9;
	v5 =	vand.u32 $0x400, v8;
	v8 =	vld.idx.msk [tilespmem:v6+s21+$0x0], $0xffff  }
0x97: {  	s28 =	simm.s32 $0x60;
	s29 =	simm.s32 $0x80C0;
	v6 =	vmov s31;
	v2 =	vor.u32 v2, v5;
	v5 =	vmov s18;
	v9 =	vld.idx.msk [tilespmem:v17+s21+$0x0], $0xffff  }
0x98: {  	s3 =	simm.s32 $0x20;
	s17 =	sor.u32 $0x70, s28;
	v11 =	vshll.u32 v6, $0x3;
	s18 =	simm.s32 $0xA;
	v6 =	vand.u32 $0x7F, v6;
	[tilespmem:s29+$0xFFFFFFE0] =	vst v19;
	v17 =	vadd.s32 v0, v2;
	v14 =	vld.idx.msk [tilespmem:v16+s21+$0x0], $0xffff  }
0x99: {  	s1 =	sor.u32 $0x30, s3;
	s31 =	simm.s32 $0x40;
	v20 =	vand.u32 $0x7C, v5;
	v11 =	vand.u32 $0x400, v11;
	v13 =	vld.idx.msk [tilespmem:v13+s21+$0x0], $0xffff;
	[tilespmem:s17+$0x8000] =	vst v4;
	v4 =	vmov s18  }
0x9a: {  	v5 =	vshll.u32 v5, $0x3;
	v6 =	vor.u32 v6, v11;
	s18 =	sor.u32 $0x50, s31;
	[tilespmem:s1+$0x8000] =	vst v18;
	v18 =	vld.idx.msk [tilespmem:v3+s21+$0x0], $0xffff;
	v3 =	vshll.u32 v4, $0x3  }
0x9b: {  	v22 =	vadd.s32 v0, v6;
	[tilespmem:s18+$0x8000] =	vst v8;
	v4 =	vand.u32 $0x7E, v4;
	v3 =	vand.u32 $0x400, v3  }
0x9c: {  	v11 =	vadd.s32 v1, v10;
	v10 =	vld.idx.msk [tilespmem:v7+s21+$0x0], $0xffff;
	s31 =	simm.s32 $0xD;
	v8 =	vand.u32 $0x400, v5;
	[tilespmem:s29+$0x20] =	vst v9;
	v4 =	vor.u32 v4, v3  }
0x9d: {  	v5 =	vld.idx.msk [tilespmem:v17+s21+$0x0], $0xffff;
	v9 =	vmov s31;
	v3 =	vor.u32 v20, v8;
	[tilespmem:s29+$0xFFFFFFC0] =	vst v14;
	v15 =	vadd.s32 v0, v4  }
0x9e: {  	s2 =	simm.s32 $0xC;
	v12 =	vld.idx.msk [tilespmem:v12+s21+$0x0], $0xffff;
	v8 =	vshll.u32 v9, $0x3;
	[tilespmem:s29+$0x0] =	vst v13;
	v14 =	vadd.s32 v0, v3  }
0x9f: {  	v16 =	vmov s2;
	v9 =	vand.u32 $0x7D, v9;
	v13 =	vand.u32 $0x400, v8;
	v7 =	vld.idx.msk [tilespmem:v21+s21+$0x0], $0xffff  }
0xa0: {  	s3 =	simm.s32 $0x10;
	s1 =	simm.s32 $0xF;
	v8 =	vand.u32 $0x7C, v16;
	[tilespmem:s30+$0xFFFFFFD0] =	vst v18;
	s30 =	simm.s32 $0x80C0;
	v9 =	vor.u32 v9, v13;
	v13 =	vld.idx.msk [tilespmem:v22+s21+$0x0], $0xffff  }
.LBB2_8:
0xa1: {  	p1 =	slt.u32 s3, $0xFC;
	v16 =	vshll.u32 v16, $0x3;
	v17 =	vadd.s32 v0, v9;
	s2 =	sadd.s32 $0x2, s2;
	v18 =	vmov s1;
	v19 =	vld.idx.msk [tilespmem:v11+s21+$0x0], $0xffff;
	s28 =	sadd.s32 $0x80, s28  }
0xa2: {  	v22 =	vadd.s32 v1, v6;
	v23 =	vmovc v5;
	v11 =	vmov s2;
	v20 =	vshll.u32 v18, $0x3;
	v21 =	vld.idx.msk [tilespmem:v15+s21+$0x0], $0xffff;
	s1 =	sadd.s32 $0xFFFFFFC0, s28;
	s2 =	sadd.s32 $0xFFFFFFE0, s28;
	s17 =	sor.u32 $0x70, s28  }
0xa3: {  	v5 =	vand.u32 $0x7F, v18;
	v6 =	vand.u32 $0x400, v20;
	v18 =	vld.idx.msk [tilespmem:v14+s21+$0x0], $0xffff;
	v20 =	vadd.s32 v1, v2;
	s1 =	sor.u32 $0x30, s1;
	s18 =	sor.u32 $0x50, s2;
	[tilespmem:s17+$0x8000] =	vst v12;
	v2 =	vmovc v9;
	s2 =	smov.u32 s3  }
0xa4: {  	v24 =	vadd.s32 v1, v4;
	v9 =	vshll.u32 v11, $0x3;
	v6 =	vor.u32 v5, v6;
	[tilespmem:s1+$0x8000] =	vst v10  }
0xa5: {  	s29 =	sadd.s32 $0x80, s29;
	v4 =	vand.u32 $0x7E, v11;
	v9 =	vand.u32 $0x400, v9;
	v25 =	vadd.s32 v0, v6;
	[tilespmem:s18+$0x8000] =	vst v7  }
.Ltmp8:
0xa6: {  	v11 =	vadd.s32 v1, v3;
	s1 =	sadd.s32 $0x1, s3;
	v7 =	vand.u32 $0x400, v16;
	v4 =	vor.u32 v4, v9;
	v5 =	vld.idx.msk [tilespmem:v17+s21+$0x0], $0xffff;
	[tilespmem:s29+$0x20] =	vst v13;
	(pc) =	sbr.rel @p1 .LBB2_8-.Ltmp8, $4  }
0xa7: {  	v9 =	vmov s1;
	v3 =	vor.u32 v8, v7;
	v15 =	vadd.s32 v0, v4;
	[tilespmem:s29+$0xFFFFFFE0] =	vst v23;
	v12 =	vld.idx.msk [tilespmem:v22+s21+$0x0], $0xffff  }
0xa8: {  	v7 =	vshll.u32 v9, $0x3;
	v14 =	vadd.s32 v0, v3;
	v10 =	vld.idx.msk [tilespmem:v20+s21+$0x0], $0xffff;
	[tilespmem:s29+$0x0] =	vst v21  }
0xa9: {  	v16 =	vmov s3;
	v9 =	vand.u32 $0x7D, v9;
	v13 =	vand.u32 $0x400, v7;
	[tilespmem:s29+$0xFFFFFFC0] =	vst v18;
	v7 =	vld.idx.msk [tilespmem:v24+s21+$0x0], $0xffff  }
0xaa: {  	s1 =	sadd.s32 $0x3, s2;
	s3 =	sadd.s32 $0x4, s3;
	v8 =	vand.u32 $0x7C, v16;
	v9 =	vor.u32 v9, v13;
	v13 =	vld.idx.msk [tilespmem:v25+s21+$0x0], $0xffff;
	[tilespmem:s30+$0xFFFFFFD0] =	vst v19;
	s30 =	smov.u32 s29  }
0xab: {  	v17 =	vmov s1  }
0xac: {  	s2 =	sadd.s32 $0x2, s2;
	v16 =	vshll.u32 v16, $0x3;
	v6 =	vadd.s32 v1, v6;
	v2 =	vadd.s32 v1, v2  }
0xad: {  	v53 =	vadd.s32 v0, v9;
	v18 =	vmov s2;
	v19 =	vshll.u32 v17, $0x3  }
0xae: {  	s17 =	sadd.s32 $0x80, s28;
	s28 =	sadd.s32 $0x80, s29;
	v17 =	vand.u32 $0x7F, v17;
	v54 =	vand.u32 $0x400, v16;
	v19 =	vand.u32 $0x400, v19  }
0xaf: {  	v15 =	vld.idx.msk [tilespmem:v15+s21+$0x0], $0xffff;
	s18 =	sadd.s32 $0xFFFFFFC0, s17;
	s3 =	sor.u32 $0x70, s17;
	[tilespmem:s28+$0xFFFFFFE0] =	vst v5;
	v20 =	vshll.u32 v18, $0x3;
	v51 =	vand.u32 $0x7E, v18;
	v17 =	vor.u32 v17, v19  }
0xb0: {  	v14 =	vld.idx.msk [tilespmem:v14+s21+$0x0], $0xffff;
	s2 =	sor.u32 $0x30, s18;
	[tilespmem:s3+$0x8000] =	vst v12;
	v8 =	vor.u32 v8, v54;
	v52 =	vand.u32 $0x400, v20;
	v19 =	vadd.s32 v0, v17  }
0xb1: {  	v11 =	vld.idx.msk [tilespmem:v11+s21+$0x0], $0xffff;
	s29 =	sadd.s32 $0xFFFFFFE0, s17;
	[tilespmem:s2+$0x8000] =	vst v10;
	v57 =	vadd.s32 v0, v8;
	v12 =	vor.u32 v51, v52  }
0xb2: {  	s3 =	sor.u32 $0x50, s29;
	[tilespmem:s28+$0x20] =	vst v13;
	v55 =	vadd.s32 v0, v12;
	v2 =	vld.idx.msk [tilespmem:v2+s21+$0x0], $0xffff  }
0xb3: {  	v3 =	vadd.s32 v1, v3;
	[tilespmem:s3+$0x8000] =	vst v7;
	v56 =	vld.idx.msk [tilespmem:v6+s21+$0x0], $0xffff  }
0xb4: {  	v4 =	vadd.s32 v1, v4;
	s1 =	sadd.s32 $0x80, s17;
	[tilespmem:s28+$0x0] =	vst v15;
	v59 =	vld.idx.msk [tilespmem:v53+s21+$0x0], $0xffff  }
0xb5: {  	v61 =	vadd.s32 v1, v9;
	s31 =	sadd.s32 $0xFFFFFFC0, s1;
	[tilespmem:s28+$0xFFFFFFC0] =	vst v14;
	v58 =	vld.idx.msk [tilespmem:v19+s21+$0x0], $0xffff  }
0xb6: {  	s3 =	sor.u32 $0x30, s31;
	v60 =	vadd.s32 v1, v17;
	[tilespmem:s30+$0xFFFFFFD0] =	vst v11;
	v6 =	vld.idx.msk [tilespmem:v57+s21+$0x0], $0xffff  }
0xb7: {  	s17 =	sor.u32 $0x70, s1;
	v10 =	vld.idx.msk [tilespmem:v55+s21+$0x0], $0xffff;
	[tilespmem:s3+$0x8000] =	vst v2;
	v2 =	vadd.s32 v1, v8  }
0xb8: {  	v62 =	vadd.s32 v1, v12;
	v3 =	vld.idx.msk [tilespmem:v3+s21+$0x0], $0xffff;
	[tilespmem:s17+$0x8000] =	vst v56;
	s3 =	sadd.s32 $0x80, s28  }
0xb9: {  	v4 =	vld.idx.msk [tilespmem:v4+s21+$0x0], $0xffff;
	[tilespmem:s3+$0xFFFFFFE0] =	vst v59  }
0xba: {  	v63 =	vld.idx.msk [tilespmem:v61+s21+$0x0], $0xffff;
	[tilespmem:s3+$0x20] =	vst v58  }
0xbb: {  	[tilespmem:s3+$0xFFFFFFC0] =	vst v6;
	v7 =	vld.idx.msk [tilespmem:v60+s21+$0x0], $0xffff  }
0xbc: {  	s18 =	sadd.s32 $0xFFFFFFE0, s1;
	s1 =	sadd.s32 $0x80, s1;
	[tilespmem:s3+$0x0] =	vst v10;
	v2 =	vld.idx.msk [tilespmem:v2+s21+$0x0], $0xffff  }
0xbd: {  	s17 =	sor.u32 $0x50, s18;
	[tilespmem:s28+$0xFFFFFFD0] =	vst v3;
	s28 =	sadd.s32 $0xFFFFFFC0, s1;
	v5 =	vld.idx.msk [tilespmem:v62+s21+$0x0], $0xffff  }
0xbe: {  	[tilespmem:s17+$0x8000] =	vst v4;
	s2 =	sor.u32 $0x30, s28  }
.Ltmp9:
0xbf: {  	s29 =	sor.u32 $0x70, s1;
	[tilespmem:s2+$0x8000] =	vst v63;
	(pc) =	sbr.rel .LBB2_10-.Ltmp9, $4  }
0xc0: {  	s30 =	sadd.s32 s5, s26;
	s1 =	sadd.s32 $0xFFFFFFE0, s1;
	[tilespmem:s29+$0x8000] =	vst v7  }
0xc1: {  	s31 =	sshll.u32 s30, $0xA;
	s1 =	sor.u32 $0x50, s1;
	[tilespmem:s3+$0xFFFFFFD0] =	vst v2  }
0xc2: {  	[tilespmem:s1+$0x8000] =	vst v5;
	s1 =	sadd.s32 s8, s31  }
0xc3: {  	[hbm4b:s1+s4] =	stream.linear.scatter [tilespmem:s22], [sflag:$0x4], $0x2000, $0x38;
	[tilespmem:$0xA000] =	vst v63  }
.LBB2_12:
0xc4: {  	_ =	sfence.sel $0x180000  }
0xc5: {  	[bflag:$0x0] =	sbarrier.arrive $0xFFFF  }
0xc6: {  	_ =	strace $0x90000047  }
0xc7: {  	s0 =	stileid.u32;
	[bflag:$0x2] =	sbarrier.arrive $0xFFFF  }
0xc8: {  	p0 =	sne.s32 s0, $0x0;
	s0 =	rddreg [dreg:$0x3]  }
0xc9: {  	s0 =	sadd.s32 @!p0 $0x100000, s0  }
0xca: {  	[sflag:s0] =	ssyncadd.tile.s32 @!p0 $0x1;
	_ =	shalt  }
.Lfunc_end2:
_tile_overlayer_lowered:
.L_overlay_start_2:
0xcb: {  	(tag) =	ssettag $0x2  }
0xcc: {  	s0 =	rddreg [dreg:$0x0];
	s2 =	stileid.u32  }
0xcd: {  	s1 =	rddreg [dreg:$0x1];
	p0 =	sne.s32 s2, $0x0  }
0xce: {  	s3 =	rddreg [dreg:$0x2];
	[bflag:$0x3] =	sbarrier.arrive $0xFFFF;
	s2 =	simm.s32 @!p0 $0x1C05  }
0xcf: {  	[timem:s3], [sflag:s2] =	dma.local @!p0 [hbm:s0], s1  }
0xd0: {  	s0 =	simm.s32 @!p0 $0x5  }
0xd1: {  	_ =	swait.ge @!p0 [sflag:s0], s1  }
0xd2: {  	s1 =	ssub.s32 @!p0 $0x0, s1;
	[sflag:s0] =	ssyncset.done @!p0 $0x0  }
0xd3: {  	[sflag:s0] =	ssyncadd.s32 @!p0 s1  }
0xd4: {  	[bflag:$0x3] =	sbarrier.arrive $0xFFFF  }
0xd5: {  	_ =	shalt  }

// kernel: kernel.7.cloned.1.call-start
scs
__scs_entry_jumppad:
0x0: {  	(pc) =	sbr.rel $0x88, $3  }
0x1: {  	(tag) =	ssettag $0x0;
	lr =	simm.s32 $0x1  }
0x2: {  	[smem:$0x3F9F] =	sst lr;
	_ =	strace $0xD0000000  }
0x3: {  	_ = 	snop  }
0x4: {  	_ = 	snop  }
0x5: {  	_ = 	snop  }
0x6: {  	_ = 	snop  }
0x7: {  	_ = 	snop  }
__scs_overlays_trampoline_lowered:
0x8: {  	[smem:$0x3FAE] =	sst s0  }
0x9: {  	[smem:$0x3FAF] =	sst s1  }
0xa: {  	[smem:$0x3FB0] =	sst s2  }
0xb: {  	[smem:$0x3FB1] =	sst s3  }
0xc: {  	[smem:$0x3FB2] =	sst s4  }
0xd: {  	[smem:$0x3FB3] =	sst s5  }
0xe: {  	[smem:$0x3FB4] =	sst s6  }
0xf: {  	[smem:$0x3FB5] =	sst s7  }
0x10: {  	[smem:$0x3FB6] =	sst s8  }
0x11: {  	[smem:$0x3FB7] =	sst s9;
	s0 =	simm.s32 @!p0 $0x0  }
0x12: {  	s1 =	sld [smem:$0x3F9D];
	s0 =	simm.s32 @p0 $0x1  }
0x13: {  	[smem:$0x3FB8] =	sst s0;
	s0 =	simm.s32 @!p1 $0x0  }
0x14: {  	s2 =	sld [smem:$0x3F9C];
	s0 =	simm.s32 @p1 $0x1  }
0x15: {  	[smem:$0x3FB9] =	sst s0;
	s0 =	simm.s32 @!p2 $0x0  }
0x16: {  	s3 =	sld [smem:$0x3FDB];
	s0 =	simm.s32 @p2 $0x1  }
0x17: {  	s4 =	simm.s32 $0x1BF5;
	[smem:$0x3FBB] =	sst s0  }
0x18: {  	s0 =	sld [smem:$0x3F9E];
	_ =	swait.ge [sflag:s4], $0x0  }
0x19: {  	s7 =	sld [smem:$0x3F9F]  }
0x1a: {  	s8 =	sadd.s32 $0xFFFFE003, lr  }
0x1b: {  	s9 =	sadd.s32 $0xFFFFFEF7, lr;
	s5 =	simm.s32 $0xFFFFFFFF;
	p2 =	slt.u32 s8, $0xFFFFF086  }
0x1c: {  	p1 =	slt.u32 s9, $0xF7A;
	s5 =	simm.s32 @!p2 $0x0  }
0x1d: {  	s5 =	simm.s32 @p1 $0x1;
	p0 =	seq.s32 s7, s2  }
0x1e: {  	s7 =	smul.u32 @!p0 $0xF7A, s2;
	p2 =	seq.s32 @!p0 s5, $0x0  }
0x1f: {  	s9 =	smul.u32 $0xF7A, s1;
	s8 =	simm.s32 @!p0 $0x1BF5;
	p2 =	por !p2, p0  }
0x20: {  	[sflag:s8] =	ssyncset.s32 @!p0 $0xFFFFF086;
	s6 =	sadd.s32 @!p0 s3, s7;
	s7 =	simm.s32 @!p0 $0x108  }
0x21: {  	s3 =	sadd.s32 s3, s9;
	s6 =	sadd.s32 @!p0 $0x88, s6;
	s7 =	simm.s32 @p2 $0x1082  }
0x22: {  	[simem:s7], [sflag:s8] =	dma.local @!p0 [hbm:s6], $0xF7A  }
0x23: {  	s9 =	sor.u32 $0xD0000000, s2;
	s6 =	simm.s32 $0x108;
	_ =	swait.ge @!p0 [sflag:s8], $0x0  }
0x24: {  	s3 =	sadd.s32 $0x88, s3;
	s6 =	simm.s32 @!p1 $0x1082;
	[sflag:s4] =	ssyncset.s32 $0xFFFFF086  }
0x25: {  	[simem:s6], [sflag:s4] =	dma.local [hbm:s3], $0xF7A  }
0x26: {  	[smem:$0x3F9F] =	sst s1;
	(tag) =	ssettag s2;
	_ =	strace s9  }
0x27: {  	s1 =	sld [smem:$0x3FAF]  }
0x28: {  	s2 =	sld [smem:$0x3FB0]  }
0x29: {  	s4 =	sld [smem:$0x3FB2]  }
0x2a: {  	p0 =	seq.s32 s5, $0x0;
	s5 =	sld [smem:$0x3FB3]  }
0x2b: {  	s6 =	sld [smem:$0x3FB4]  }
0x2c: {  	s7 =	sld [smem:$0x3FB5]  }
0x2d: {  	s3 =	simm.s32 $0x108;
	s8 =	sld [smem:$0x3FB6]  }
0x2e: {  	s3 =	simm.s32 @!p0 $0x1082;
	s9 =	sld [smem:$0x3FB7]  }
0x2f: {  	lr =	sadd.s32 s0, s3;
	s0 =	sld [smem:$0x3FAE]  }
0x30: {  	s3 =	sld [smem:$0x3FB1]  }
0x31: {  	[smem:$0x3FBA] =	sst s10  }
0x32: {  	s10 =	sld [smem:$0x3FB8];
	_ =	sdelay $0x3  }
0x33: {  	p0 =	seq.s32 s10, $0x1;
	s10 =	sld [smem:$0x3FBA];
	_ =	sdelay $0x3  }
0x34: {  	[smem:$0x3FBA] =	sst s10  }
0x35: {  	s10 =	sld [smem:$0x3FB9];
	_ =	sdelay $0x3  }
0x36: {  	p1 =	seq.s32 s10, $0x1;
	s10 =	sld [smem:$0x3FBA];
	_ =	sdelay $0x3  }
0x37: {  	[smem:$0x3FBA] =	sst s10  }
0x38: {  	s10 =	sld [smem:$0x3FBB]  }
0x39: {  	_ = 	snop;
	(pc) =	sbr.ind lr, $3  }
0x3a: {  	_ = 	snop  }
0x3b: {  	_ = 	snop  }
0x3c: {  	p2 =	seq.s32 s10, $0x1;
	s10 =	sld [smem:$0x3FBA]  }
0x3d: {  	_ =	shalt  }
0x3e: {  	_ =	shalt  }
0x3f: {  	_ =	shalt  }
0x40: {  	_ =	shalt  }
0x41: {  	_ =	shalt  }
0x42: {  	_ =	shalt  }
0x43: {  	_ =	shalt  }
0x44: {  	_ =	shalt  }
0x45: {  	_ =	shalt  }
0x46: {  	_ =	shalt  }
0x47: {  	_ =	shalt  }
0x48: {  	_ =	shalt  }
0x49: {  	_ =	shalt  }
0x4a: {  	_ =	shalt  }
0x4b: {  	_ =	shalt  }
0x4c: {  	_ =	shalt  }
0x4d: {  	_ =	shalt  }
0x4e: {  	_ =	shalt  }
0x4f: {  	_ =	shalt  }
0x50: {  	_ =	shalt  }
0x51: {  	_ =	shalt  }
0x52: {  	_ =	shalt  }
0x53: {  	_ =	shalt  }
0x54: {  	_ =	shalt  }
0x55: {  	_ =	shalt  }
0x56: {  	_ =	shalt  }
0x57: {  	_ =	shalt  }
0x58: {  	_ =	shalt  }
0x59: {  	_ =	shalt  }
0x5a: {  	_ =	shalt  }
0x5b: {  	_ =	shalt  }
0x5c: {  	_ =	shalt  }
0x5d: {  	_ =	shalt  }
0x5e: {  	_ =	shalt  }
0x5f: {  	_ =	shalt  }
0x60: {  	_ =	shalt  }
0x61: {  	_ =	shalt  }
0x62: {  	_ =	shalt  }
0x63: {  	_ =	shalt  }
0x64: {  	_ =	shalt  }
0x65: {  	_ =	shalt  }
0x66: {  	_ =	shalt  }
0x67: {  	_ =	shalt  }
0x68: {  	_ =	shalt  }
0x69: {  	_ =	shalt  }
0x6a: {  	_ =	shalt  }
0x6b: {  	_ =	shalt  }
0x6c: {  	_ =	shalt  }
0x6d: {  	_ =	shalt  }
0x6e: {  	_ =	shalt  }
0x6f: {  	_ =	shalt  }
0x70: {  	_ =	shalt  }
0x71: {  	_ =	shalt  }
0x72: {  	_ =	shalt  }
0x73: {  	_ =	shalt  }
0x74: {  	_ =	shalt  }
0x75: {  	_ =	shalt  }
0x76: {  	_ =	shalt  }
0x77: {  	_ =	shalt  }
0x78: {  	_ =	shalt  }
0x79: {  	_ =	shalt  }
0x7a: {  	_ =	shalt  }
0x7b: {  	_ =	shalt  }
0x7c: {  	_ =	shalt  }
0x7d: {  	_ =	shalt  }
0x7e: {  	_ =	shalt  }
0x7f: {  	_ =	shalt  }
0x80: {  	_ =	shalt  }
0x81: {  	_ =	shalt  }
0x82: {  	_ =	shalt  }
0x83: {  	_ =	shalt  }
0x84: {  	_ =	shalt  }
0x85: {  	_ =	shalt  }
0x86: {  	_ =	shalt  }
0x87: {  	_ =	shalt  }
.Lfunc_end0:
.L_simem_size_0:
called_computation.1_lowered:
.L_overlay_start_0:
0x88: {  	s2 =	sld [smem:$0x3FD9]  }
0x89: {  	s3 =	sld [smem:$0x3FFE];
	_ =	sdelay $0x1  }
0x8a: {  	s1 =	srdreg.scid  }
0x8b: {  	s0 =	sand.u32 $0x1, s1  }
0x8c: {  	s17 =	sshll.u32 s0, $0xA;
	s2 =	sadd.s32 s3, s2  }
0x8d: {  	s2 =	sadd.s32 s2, s17  }
0x8e: {  	[smem:$0x3FC6] =	sst s2  }
0x8f: {  	_ = 	snop  }
0x90: {  	s2 =	sld [smem:$0x3FD0];
	(tm) =	ssettm $0x1  }
0x91: {  	s18 =	sld [smem:$0x3FFB];
	_ =	sdelay $0x3  }
0x92: {  	_ =	strace s18  }
0x93: {  	s3 =	sld [smem:$0x3FFC];
	_ =	sdelay $0x3  }
0x94: {  	_ =	strace s3  }
0x95: {  	s3 =	sld [smem:$0x3FFD];
	_ =	sdelay $0x3  }
0x96: {  	_ =	strace s3  }
0x97: {  	_ =	strace $0x8FFFFFFF  }
0x98: {  	s19 =	sld [smem:$0x3FDB];
	_ =	sdelay $0x1  }
0x99: {  	s4 =	simm.s32 $_scs_section_size  }
0x9a: {  	s5 =	simm.s32 $_size__tile_overlayer_lowered;
	s6 =	simm.s32 $_tile_overlayer_lowered  }
0x9b: {  	s22 =	simm.s32 $0x1BFF;
	s21 =	sshll.u32 s6, $0x1;
	s3 =	sadd.s32 s4, s19  }
0x9c: {  	s7 =	simm.s32 $0x0;
	s20 =	sshll.u32 s5, $0x1;
	s5 =	sadd.s32 s21, s3  }
0x9d: {  	[timem:s7], [sflag:s22] =	dma.local [hbm:s5], s20  }
0x9e: {  	_ =	swait.ge [sflag:s22], s20  }
0x9f: {  	s4 =	ssub.s32 $0x0, s20;
	[sflag:s22] =	ssyncset.done $0x0  }
0xa0: {  	[sflag:s22] =	ssyncadd.s32 s4;
	_ =	sdelay $0x1  }
0xa1: {  	s23 =	simm.s32 $0x1B8B  }
0xa2: {  	_ =	swait.ge [sflag:s23], $0x1  }
0xa3: {  	[sflag:s23] =	ssyncset.done $0x0  }
0xa4: {  	s25 =	simm.s32 $0x1B8E;
	s24 =	sld [smem:$0x3FFE];
	[sflag:s23] =	ssyncadd.s32 $0xFFFFFFFF  }
0xa5: {  	s26 =	simm.s32 $execute0_lowered;
	[smem:$0x3FD2] =	sst s25  }
0xa6: {  	s5 =	sshll.u32 s26, $0x1;
	_ =	strace $0x80000049;
	[dreg:$0x1] =	wrdreg $0xFFFFFFFF  }
0xa7: {  	s28 =	simm.s32 $_size_execute0_lowered;
	s3 =	sadd.s32 s3, s5;
	[dreg:$0x0] =	wrdreg $0x0  }
0xa8: {  	s5 =	sshll.u32 s28, $0x1;
	[dreg:$0x2] =	wrdreg s3  }
0xa9: {  	[dreg:$0x3] =	wrdreg s5  }
0xaa: {  	[dreg:$0x4] =	wrdreg $0xC0  }
0xab: {  	_ =	task [dreg:s7], $0x5FFFF  }
0xac: {  	[dreg:$0x1] =	wrdreg $0xFFFFFFFF  }
0xad: {  	[dreg:$0x0] =	wrdreg $0x60  }
0xae: {  	[dreg:$0x2] =	wrdreg s24  }
0xaf: {  	[dreg:$0x3] =	wrdreg s2  }
0xb0: {  	[dreg:$0x4] =	wrdreg $0x9  }
0xb1: {  	_ =	task.clear_ibuf [dreg:s7], $0x5FFFF;
	_ =	strace $0x90000049  }
0xb2: {  	s29 =	simm.s32 $0x9;
	_ =	strace $0x8000004B  }
0xb3: {  	_ =	swait.ge [sflag:s29], $0x1  }
0xb4: {  	[sflag:s29] =	ssyncadd.s32 $0xFFFFFFFF  }
0xb5: {  	_ =	strace $0x9000004B  }
0xb6: {  	_ =	sfence  }
0xb7: {  	s30 =	sld [smem:$0x0];
	_ =	sdelay $0x2  }
0xb8: {  	s31 =	sshll.u32 s1, $0xD;
	s1 =	sshrl.u32 s1, $0x2  }
0xb9: {  	s3 =	sand.u32 $0x4000, s31;
	s1 =	sadd.s32 s1, s30  }
0xba: {  	s0 =	sor.u32 s3, s0;
	s1 =	sshll.u32 s1, $0x11  }
0xbb: {  	s0 =	sor.u32 s1, s0  }
0xbc: {  	s0 =	sadd.s32 $0x8F2B, s0  }
0xbd: {  	[sflag:s0] =	ssyncadd.remote.s32 $0x1  }
0xbe: {  	_ =	sfence.sel $0xFFFF  }
0xbf: {  	[dreg:$0x0] =	wrdreg $0xFFFFFFFF;
	(pc) =	sbr.abs _section_cstart, $3  }
0xc0: {  	[dreg:$0x1] =	wrdreg $0xFFFFFFFF  }
0xc1: {  	_ =	task.clear_ibuf [dreg:s7], $0x2FFFF;
	_ =	strace $0x9FFFFFFF  }
0xc2: {  	(tm) =	ssettm $0x7FFFFFFF  }
0xc3: {  	_ =	shalt  }
tec
execute0_lowered:
.L_overlay_start_1:
0x0: {  	(tag) =	ssettag $0x1  }
0x1: {  	v0 =	vimm.s32 $0x14B8;
	vm13 =	vcmask $0x300  }
0x2: {  	v1 =	vimm.s32 $0x36B8;
	vm14 =	vcmask $0x704;
	vm12 =	vcmask $0xB08  }
0x3: {  	vm11 =	vcmask $0xF0C;
	vm10 =	vcmask $0x1310;
	vm9 =	vcmask $0x1714  }
0x4: {  	vm8 =	vcmask $0x1B18;
	vm7 =	vcmask $0x1F1C;
	vm6 =	vcmask $0x2320  }
0x5: {  	vm5 =	vcmask $0x2724;
	vm4 =	vcmask $0x2B28;
	vm3 =	vcmask $0x2F2C  }
0x6: {  	vm2 =	vcmask $0x3330;
	vm1 =	vcmask $0x3734;
	vm0 =	vcmask $0x3B38  }
0x7: {  	v2 =	vimm.s32 $0x18F8;
	v3 =	vimm.s32 $0x3AF8;
	v4 =	vimm.s32 $0x1D38  }
0x8: {  	v5 =	vimm.s32 $0x3F38;
	v6 =	vimm.s32 $0x2178;
	v7 =	vimm.s32 $0x4378  }
0x9: {  	v0 =	vsel vm13, $0x0, v0;
	v1 =	vsel vm13, $0x2200, v1;
	v2 =	vsel vm13, $0x440, v2  }
0xa: {  	v3 =	vsel vm13, $0x2640, v3;
	v4 =	vsel vm13, $0x880, v4;
	v5 =	vsel vm13, $0x2A80, v5  }
0xb: {  	v6 =	vsel vm13, $0xCC0, v6;
	v7 =	vsel vm13, $0x2EC0, v7;
	v0 =	vsel vm14, $0x88, v0  }
0xc: {  	v1 =	vsel vm14, $0x2288, v1;
	v2 =	vsel vm14, $0x4C8, v2;
	v3 =	vsel vm14, $0x26C8, v3  }
0xd: {  	v4 =	vsel vm14, $0x908, v4;
	v5 =	vsel vm14, $0x2B08, v5;
	v6 =	vsel vm14, $0xD48, v6  }
0xe: {  	v7 =	vsel vm14, $0x2F48, v7;
	v0 =	vsel vm12, $0x110, v0;
	v1 =	vsel vm12, $0x2310, v1  }
0xf: {  	v2 =	vsel vm12, $0x550, v2;
	v3 =	vsel vm12, $0x2750, v3;
	v4 =	vsel vm12, $0x990, v4  }
0x10: {  	v5 =	vsel vm12, $0x2B90, v5;
	v6 =	vsel vm12, $0xDD0, v6;
	v7 =	vsel vm12, $0x2FD0, v7  }
0x11: {  	v0 =	vsel vm11, $0x198, v0;
	v1 =	vsel vm11, $0x2398, v1;
	v2 =	vsel vm11, $0x5D8, v2  }
0x12: {  	v3 =	vsel vm11, $0x27D8, v3;
	v4 =	vsel vm11, $0xA18, v4;
	v5 =	vsel vm11, $0x2C18, v5  }
0x13: {  	v6 =	vsel vm11, $0xE58, v6;
	v7 =	vsel vm11, $0x3058, v7;
	v0 =	vsel vm10, $0x220, v0  }
0x14: {  	v1 =	vsel vm10, $0x2420, v1;
	v2 =	vsel vm10, $0x660, v2;
	v3 =	vsel vm10, $0x2860, v3  }
0x15: {  	v4 =	vsel vm10, $0xAA0, v4;
	v5 =	vsel vm10, $0x2CA0, v5;
	v6 =	vsel vm10, $0xEE0, v6  }
0x16: {  	v7 =	vsel vm10, $0x30E0, v7;
	v0 =	vsel vm9, $0x2A8, v0;
	v1 =	vsel vm9, $0x24A8, v1  }
0x17: {  	v2 =	vsel vm9, $0x6E8, v2;
	v3 =	vsel vm9, $0x28E8, v3;
	v4 =	vsel vm9, $0xB28, v4  }
0x18: {  	v5 =	vsel vm9, $0x2D28, v5;
	v6 =	vsel vm9, $0xF68, v6;
	v7 =	vsel vm9, $0x3168, v7  }
0x19: {  	v0 =	vsel vm8, $0x330, v0;
	v1 =	vsel vm8, $0x2530, v1;
	v2 =	vsel vm8, $0x770, v2  }
0x1a: {  	v3 =	vsel vm8, $0x2970, v3;
	v4 =	vsel vm8, $0xBB0, v4;
	v5 =	vsel vm8, $0x2DB0, v5  }
0x1b: {  	v6 =	vsel vm8, $0xFF0, v6;
	v7 =	vsel vm8, $0x31F0, v7;
	v0 =	vsel vm7, $0x3B8, v0  }
0x1c: {  	v1 =	vsel vm7, $0x25B8, v1;
	v2 =	vsel vm7, $0x7F8, v2;
	v3 =	vsel vm7, $0x29F8, v3  }
0x1d: {  	v4 =	vsel vm7, $0xC38, v4;
	v5 =	vsel vm7, $0x2E38, v5;
	v6 =	vsel vm7, $0x1078, v6  }
0x1e: {  	v7 =	vsel vm7, $0x3278, v7;
	v0 =	vsel vm6, $0x1100, v0;
	v1 =	vsel vm6, $0x3300, v1  }
0x1f: {  	v2 =	vsel vm6, $0x1540, v2;
	v3 =	vsel vm6, $0x3740, v3;
	v4 =	vsel vm6, $0x1980, v4  }
0x20: {  	v5 =	vsel vm6, $0x3B80, v5;
	v6 =	vsel vm6, $0x1DC0, v6;
	v7 =	vsel vm6, $0x3FC0, v7  }
0x21: {  	v0 =	vsel vm5, $0x1188, v0;
	v1 =	vsel vm5, $0x3388, v1;
	v2 =	vsel vm5, $0x15C8, v2  }
0x22: {  	v3 =	vsel vm5, $0x37C8, v3;
	v4 =	vsel vm5, $0x1A08, v4;
	v5 =	vsel vm5, $0x3C08, v5  }
0x23: {  	v6 =	vsel vm5, $0x1E48, v6;
	v7 =	vsel vm5, $0x4048, v7;
	v0 =	vsel vm4, $0x1210, v0  }
0x24: {  	v1 =	vsel vm4, $0x3410, v1;
	v2 =	vsel vm4, $0x1650, v2;
	v3 =	vsel vm4, $0x3850, v3  }
0x25: {  	s0 =	rddreg [dreg:$0x0];
	s1 =	srdreg.scid;
	v4 =	vsel vm4, $0x1A90, v4;
	v5 =	vsel vm4, $0x3C90, v5;
	v6 =	vsel vm4, $0x1ED0, v6  }
0x26: {  	s3 =	stileid.u32;
	s2 =	rddreg [dreg:$0x1];
	v7 =	vsel vm4, $0x40D0, v7;
	v0 =	vsel vm3, $0x1298, v0;
	v1 =	vsel vm3, $0x3498, v1  }
0x27: {  	s11 =	simm.s32 $0x5;
	s12 =	simm.s32 $0x200;
	s13 =	simm.s32 $0x2800;
	v2 =	vsel vm3, $0x16D8, v2;
	v3 =	vsel vm3, $0x38D8, v3;
	v4 =	vsel vm3, $0x1B18, v4  }
0x28: {  	s14 =	simm.s32 $0x2;
	s15 =	simm.s32 $0x4;
	s16 =	simm.s32 $0xEC00;
	v5 =	vsel vm3, $0x3D18, v5;
	v6 =	vsel vm3, $0x1F58, v6;
	v7 =	vsel vm3, $0x4158, v7  }
0x29: {  	s17 =	simm.s32 $0x3;
	s18 =	simm.s32 $0x1;
	s19 =	simm.s32 $0x6800;
	v0 =	vsel vm2, $0x1320, v0;
	v1 =	vsel vm2, $0x3520, v1;
	v2 =	vsel vm2, $0x1760, v2  }
0x2a: {  	s20 =	simm.s32 $0xA800;
	s21 =	simm.s32 $0x0;
	s1 =	sand.u32 $0x1, s1;
	v3 =	vsel vm2, $0x3960, v3;
	v4 =	vsel vm2, $0x1BA0, v4;
	v5 =	vsel vm2, $0x3DA0, v5  }
0x2b: {  	s4 =	sshll.u32 s3, $0x1;
	s3 =	simm.s32 $0x0;
	s7 =	sadd.s32 $0x4000, s2;
	v6 =	vsel vm2, $0x1FE0, v6;
	v7 =	vsel vm2, $0x41E0, v7;
	v0 =	vsel vm1, $0x13A8, v0  }
.Ltmp0:
0x2c: {  	s8 =	sadd.s32 $0x8000, s2;
	s5 =	sor.u32 s1, s4;
	v1 =	vsel vm1, $0x35A8, v1;
	v2 =	vsel vm1, $0x17E8, v2;
	v3 =	vsel vm1, $0x39E8, v3;
	(pc) =	sbr.rel .LBB2_1-.Ltmp0, $4  }
0x2d: {  	[smem:$0x7FF] =	sst s3;
	s1 =	ssub.s32 $0x2, s1;
	s4 =	smul.u32 $0x500, s5;
	v4 =	vsel vm1, $0x1C28, v4;
	v5 =	vsel vm1, $0x3E28, v5;
	v6 =	vsel vm1, $0x2068, v6  }
0x2e: {  	s9 =	sadd.s32 $0xC000, s2;
	_ =	strace $0x8000004A;
	s31 =	sshrl.u32 s1, $0x1;
	v7 =	vsel vm1, $0x4268, v7;
	v0 =	vsel vm0, $0x1430, v0;
	v1 =	vsel vm0, $0x3630, v1  }
0x2f: {  	s6 =	sadd.s32 s4, s0;
	s4 =	sadd.s32 $0xA00, s0;
	s0 =	ssub.s32 s1, s31;
	v2 =	vsel vm0, $0x1870, v2;
	v3 =	vsel vm0, $0x3A70, v3;
	v4 =	vsel vm0, $0x1CB0, v4  }
0x30: {  	s5 =	smul.u32 $0x50, s5;
	s6 =	sadd.s32 $0x3D1400, s6;
	s10 =	smax.u32 s0, $0x1;
	v5 =	vsel vm0, $0x3EB0, v5;
	v6 =	vsel vm0, $0x20F0, v6;
	v7 =	vsel vm0, $0x42F0, v7  }
.LBB2_60:
0x31: {  	_ =	swait.ge [sflag:s15], $0x1000  }
0x32: {  	[sflag:s15] =	ssyncset.done $0x0  }
0x33: {  	[sflag:s15] =	ssyncadd.s32 $0xFFFFF000  }
0x34: {  	_ =	swait.ge [sflag:s15], $0x1000  }
0x35: {  	[sflag:s15] =	ssyncset.done $0x0  }
0x36: {  	[sflag:s15] =	ssyncadd.s32 $0xFFFFF000  }
0x37: {  	_ =	swait.ge [sflag:s15], $0x1000  }
0x38: {  	[sflag:s15] =	ssyncset.done $0x0  }
0x39: {  	[sflag:s15] =	ssyncadd.s32 $0xFFFFF000  }
0x3a: {  	_ =	swait.ge [sflag:s15], $0x1000  }
0x3b: {  	[sflag:s15] =	ssyncset.done $0x0  }
0x3c: {  	[sflag:s15] =	ssyncadd.s32 $0xFFFFF000  }
0x3d: {  	_ =	swait.ge [sflag:s17], $0x1000  }
0x3e: {  	[sflag:s17] =	ssyncset.done $0x0  }
0x3f: {  	[sflag:s17] =	ssyncadd.s32 $0xFFFFF000  }
0x40: {  	_ =	swait.ge [sflag:s17], $0x1000  }
0x41: {  	[sflag:s17] =	ssyncset.done $0x0  }
0x42: {  	s21 =	sadd.s32 $0x1, s21;
	[sflag:s17] =	ssyncadd.s32 $0xFFFFF000  }
0x43: {  	p0 =	sne.s32 s21, s10;
	_ =	swait.ge [sflag:s17], $0x1000  }
.Ltmp1:
0x44: {  	[sflag:s17] =	ssyncset.done $0x0;
	(pc) =	sbr.rel @!p0 .LBB2_61-.Ltmp1, $4  }
0x45: {  	[sflag:s17] =	ssyncadd.s32 $0xFFFFF000  }
0x46: {  	_ =	swait.ge [sflag:s17], $0x1000  }
0x47: {  	[sflag:s17] =	ssyncset.done $0x0  }
0x48: {  	[sflag:s17] =	ssyncadd.s32 $0xFFFFF000  }
.LBB2_1:
0x49: {  	[tilespmem:s3], [sflag:$0x5] =	stream.linear.gather [hbm4b:s6+s3], $0x2800, $0x38;
	[tilespmem:$0x13000] =	vst v63  }
.Ltmp2:
0x4a: {  	_ = 	snop;
	(pc) =	sbr.rel .LBB2_2-.Ltmp2, $4  }
0x4b: {  	_ =	swait.ge [sflag:s11], $0x2800  }
0x4c: {  	[sflag:s11] =	ssyncset.done $0x0  }
0x4d: {  	s22 =	simm.s32 $0x0;
	[sflag:s11] =	ssyncadd.s32 $0xFFFFD800  }
0x4e: {  	[tilespmem:s13], [sflag:$0x1] =	stream.indirect.gather [hbm4b:s4+s12], $0x20, s3, s12, $0xb8;
	[tilespmem:$0x13000] =	vst v63  }
.LBB2_59:
0x4f: {  	s22 =	sadd.s32 $0x1, s22  }
0x50: {  	p0 =	sne.s32 s22, $0x14  }
.Ltmp3:
0x51: {  	_ = 	snop;
	(pc) =	sbr.rel @!p0 .LBB2_60-.Ltmp3, $1  }
0x52: {  	_ =	sdelay $0x3  }
.LBB2_2:
0x53: {  	s23 =	sand.u32 $0x1, s22  }
0x54: {  	p0 =	seq.s32 s23, $0x1  }
.Ltmp4:
0x55: {  	_ = 	snop;
	(pc) =	sbr.rel @p0 .LBB2_31-.Ltmp4, $1  }
0x56: {  	_ =	sdelay $0x3  }
0x57: {  	_ =	swait.ge [sflag:s18], $0x4000;
	s0 =	sshll.u32 s22, $0x9  }
0x58: {  	[sflag:s18] =	ssyncset.done $0x0;
	s0 =	sand.u32 $0x3FFFFE00, s0  }
0x59: {  	p0 =	slt.u32 s22, $0x2;
	[sflag:s18] =	ssyncadd.s32 $0xFFFFC000;
	s0 =	sadd.s32 $0x200, s0  }
0x5a: {  	[tilespmem:s19], [sflag:$0x2] =	stream.indirect.gather [hbm4b:s4+s12], $0x20, s0, s12, $0xb8;
	[tilespmem:$0x13000] =	vst v63  }
0x5b: {  	s0 =	simm.s32 @!p0 $0x3  }
0x5c: {  	_ =	swait.ge @!p0 [sflag:s0], $0x1000  }
0x5d: {  	[sflag:s0] =	ssyncset.done @!p0 $0x0  }
0x5e: {  	[sflag:s0] =	ssyncadd.s32 @!p0 $0xFFFFF000  }
0x5f: {  	_ =	swait.ge @!p0 [sflag:s0], $0x1000  }
0x60: {  	[sflag:s0] =	ssyncset.done @!p0 $0x0  }
0x61: {  	[sflag:s0] =	ssyncadd.s32 @!p0 $0xFFFFF000  }
0x62: {  	_ =	swait.ge @!p0 [sflag:s0], $0x1000  }
0x63: {  	[sflag:s0] =	ssyncset.done @!p0 $0x0  }
0x64: {  	[sflag:s0] =	ssyncadd.s32 @!p0 $0xFFFFF000  }
0x65: {  	s1 =	simm.s32 $0x3;
	_ =	swait.ge @!p0 [sflag:s0], $0x1000  }
0x66: {  	s24 =	simm.s32 $0x0;
	v8 =	vmov s1;
	[sflag:s0] =	ssyncset.done @!p0 $0x0  }
0x67: {  	s1 =	simm.s32 $0x2840;
	v9 =	vmov s24;
	v13 =	vand.u32 $0x7F, v8;
	[sflag:s0] =	ssyncadd.s32 @!p0 $0xFFFFF000  }
0x68: {  	v12 =	vand.u32 $0x7C, v9;
	v9 =	vadd.s32 v0, v13;
	v8 =	vld [tilespmem:s1+$0x20]  }
0x69: {  	s24 =	simm.s32 $0x1;
	v16 =	vadd.s32 v0, v12;
	v15 =	vld [tilespmem:s1+$0xFFFFFFC0]  }
0x6a: {  	s25 =	simm.s32 $0x2;
	v10 =	vmov s24  }
0x6b: {  	v11 =	vand.u32 $0x7D, v10;
	v10 =	vmov s25  }
0x6c: {  	v18 =	vadd.s32 v0, v11;
	v10 =	vand.u32 $0x7E, v10;
	v17 =	vld [tilespmem:s1+$0xFFFFFFE0]  }
0x6d: {  	s26 =	simm.s32 $0x7;
	v21 =	vadd.s32 v0, v10;
	v20 =	vld [tilespmem:s1+$0x0];
	[tilespmem:v9+s20+$0x0] =	vst.idx.msk $0xffff, v8  }
0x6e: {  	s29 =	simm.s32 $0x4;
	v14 =	vmov s26;
	v23 =	vadd.s32 v1, v13;
	[tilespmem:v16+s20+$0x0] =	vst.idx.msk $0xffff, v15;
	v22 =	vld [tilespmem:s1+$0x30]  }
0x6f: {  	s30 =	simm.s32 $0x5;
	v30 =	vadd.s32 v1, v12;
	s25 =	simm.s32 $0x28C0;
	v16 =	vand.u32 $0x7F, v14;
	v15 =	vmov s29;
	v24 =	vld [tilespmem:s1+$0xFFFFFFD0]  }
0x70: {  	s31 =	simm.s32 $0x6;
	v31 =	vld [tilespmem:s25+$0x20];
	v8 =	vmov s30;
	v32 =	vadd.s32 v0, v16;
	v19 =	vand.u32 $0x7C, v15  }
0x71: {  	v27 =	vld [tilespmem:s25+$0xFFFFFFC0];
	[tilespmem:v18+s20+$0x0] =	vst.idx.msk $0xffff, v17;
	v17 =	vmov s31;
	v9 =	vand.u32 $0x7D, v8;
	v29 =	vadd.s32 v0, v19  }
0x72: {  	v26 =	vld [tilespmem:s25+$0xFFFFFFE0];
	[tilespmem:v21+s20+$0x0] =	vst.idx.msk $0xffff, v20;
	v8 =	vand.u32 $0x7E, v17;
	v28 =	vadd.s32 v0, v9  }
0x73: {  	v21 =	vld [tilespmem:s25+$0x0];
	v25 =	vadd.s32 v0, v8;
	[tilespmem:v23+s20+$0x0] =	vst.idx.msk $0xffff, v22  }
0x74: {  	s28 =	simm.s32 $0xC;
	s26 =	simm.s32 $0x28C0;
	v20 =	vld [tilespmem:s1+$0xFFFFFFF0];
	[tilespmem:v30+s20+$0x0] =	vst.idx.msk $0xffff, v24;
	v22 =	vadd.s32 v1, v11  }
0x75: {  	s24 =	simm.s32 $0x8;
	s0 =	simm.s32 $0xB;
	v18 =	vmov v9;
	v17 =	vmov v8;
	[tilespmem:v32+s20+$0x0] =	vst.idx.msk $0xffff, v31;
	v23 =	vld [tilespmem:s1+$0x10];
	v24 =	vadd.s32 v1, v10;
	s1 =	simm.s32 $0x8  }
.LBB2_4:
0x76: {  	p0 =	slt.u32 s28, $0x7C;
	v30 =	vmov s0;
	[tilespmem:v29+s20+$0x0] =	vst.idx.msk $0xffff, v27;
	v31 =	vld [tilespmem:s25+$0x30];
	v32 =	vadd.s32 v1, v16  }
0x77: {  	v27 =	vmov s1;
	s0 =	sadd.s32 $0x1, s1;
	v33 =	vadd.s32 v1, v19;
	s25 =	sadd.s32 $0x80, s25;
	v16 =	vand.u32 $0x7F, v30;
	v30 =	vld [tilespmem:s26+$0xFFFFFFD0];
	[tilespmem:v28+s20+$0x0] =	vst.idx.msk $0xffff, v26  }
0x78: {  	v19 =	vand.u32 $0x7C, v27;
	v26 =	vmov s0;
	s0 =	sadd.s32 $0x2, s1;
	s1 =	smov.u32 s28;
	v34 =	vld [tilespmem:s25+$0x20];
	v35 =	vadd.s32 v0, v16;
	[tilespmem:v25+s20+$0x0] =	vst.idx.msk $0xffff, v21  }
.Ltmp5:
0x79: {  	v29 =	vadd.s32 v0, v19;
	v36 =	vand.u32 $0x7D, v26;
	v21 =	vmov s0;
	v27 =	vld [tilespmem:s25+$0xFFFFFFC0];
	[tilespmem:v22+s20+$0x0] =	vst.idx.msk $0xffff, v20;
	(pc) =	sbr.rel @p0 .LBB2_4-.Ltmp5, $4  }
0x7a: {  	v28 =	vadd.s32 v0, v36;
	v37 =	vand.u32 $0x7E, v21;
	v26 =	vld [tilespmem:s25+$0xFFFFFFE0];
	[tilespmem:v24+s20+$0x0] =	vst.idx.msk $0xffff, v23  }
0x7b: {  	v25 =	vadd.s32 v0, v37;
	v21 =	vld [tilespmem:s25+$0x0];
	[tilespmem:v32+s20+$0x0] =	vst.idx.msk $0xffff, v31  }
0x7c: {  	v22 =	vadd.s32 v1, v18;
	v18 =	vmov v36;
	[tilespmem:v33+s20+$0x0] =	vst.idx.msk $0xffff, v30;
	v20 =	vld [tilespmem:s26+$0xFFFFFFF0]  }
0x7d: {  	s28 =	sadd.s32 $0x4, s28;
	s0 =	sadd.s32 $0x3, s1;
	v24 =	vadd.s32 v1, v17;
	v17 =	vmov v37;
	[tilespmem:v35+s20+$0x0] =	vst.idx.msk $0xffff, v34;
	v23 =	vld [tilespmem:s26+$0x10];
	s26 =	smov.u32 s25  }
0x7e: {  	_ =	sdelay $0x3  }
0x7f: {  	v30 =	vmov s0;
	[tilespmem:v29+s20+$0x0] =	vst.idx.msk $0xffff, v27;
	v53 =	vld [tilespmem:s25+$0x30];
	v16 =	vadd.s32 v1, v16  }
0x80: {  	v54 =	vmov s1;
	s28 =	sadd.s32 $0x1, s1;
	v19 =	vadd.s32 v1, v19;
	s29 =	sadd.s32 $0x80, s25;
	v30 =	vand.u32 $0x7F, v30;
	v31 =	vld [tilespmem:s26+$0xFFFFFFD0];
	[tilespmem:v28+s20+$0x0] =	vst.idx.msk $0xffff, v26  }
0x81: {  	s30 =	sadd.s32 $0x2, s1;
	v55 =	vand.u32 $0x7C, v54;
	v56 =	vmov s28;
	v57 =	vld [tilespmem:s29+$0x20];
	v32 =	vadd.s32 v0, v30;
	[tilespmem:v25+s20+$0x0] =	vst.idx.msk $0xffff, v21  }
0x82: {  	v33 =	vmov s30;
	v21 =	vld [tilespmem:s29+$0xFFFFFFC0];
	v58 =	vadd.s32 v0, v55;
	v28 =	vand.u32 $0x7D, v56;
	[tilespmem:v22+s20+$0x0] =	vst.idx.msk $0xffff, v20  }
0x83: {  	v33 =	vand.u32 $0x7E, v33;
	v20 =	vld [tilespmem:s29+$0xFFFFFFE0];
	v22 =	vadd.s32 v0, v28;
	[tilespmem:v24+s20+$0x0] =	vst.idx.msk $0xffff, v23  }
0x84: {  	v59 =	vadd.s32 v0, v33;
	v23 =	vld [tilespmem:s29+$0x0];
	[tilespmem:v16+s20+$0x0] =	vst.idx.msk $0xffff, v53  }
0x85: {  	v18 =	vadd.s32 v1, v18;
	v16 =	vld [tilespmem:s26+$0xFFFFFFF0];
	[tilespmem:v19+s20+$0x0] =	vst.idx.msk $0xffff, v31  }
0x86: {  	v17 =	vadd.s32 v1, v17;
	v19 =	vld [tilespmem:s26+$0x10];
	[tilespmem:v32+s20+$0x0] =	vst.idx.msk $0xffff, v57  }
0x87: {  	v60 =	vadd.s32 v1, v30;
	[tilespmem:v58+s20+$0x0] =	vst.idx.msk $0xffff, v21;
	v21 =	vld [tilespmem:s29+$0x30]  }
0x88: {  	v26 =	vadd.s32 v1, v55;
	v61 =	vld [tilespmem:s29+$0xFFFFFFD0];
	[tilespmem:v22+s20+$0x0] =	vst.idx.msk $0xffff, v20  }
0x89: {  	v22 =	vadd.s32 v1, v28;
	[tilespmem:v59+s20+$0x0] =	vst.idx.msk $0xffff, v23;
	v20 =	vld [tilespmem:s29+$0xFFFFFFF0]  }
0x8a: {  	[tilespmem:v18+s20+$0x0] =	vst.idx.msk $0xffff, v16;
	v16 =	vld [tilespmem:s29+$0x10];
	v18 =	vadd.s32 v1, v33  }
0x8b: {  	[tilespmem:v17+s20+$0x0] =	vst.idx.msk $0xffff, v19  }
0x8c: {  	[tilespmem:v60+s20+$0x0] =	vst.idx.msk $0xffff, v21  }
0x8d: {  	[tilespmem:v26+s20+$0x0] =	vst.idx.msk $0xffff, v61  }
0x8e: {  	[tilespmem:v22+s20+$0x0] =	vst.idx.msk $0xffff, v20  }
0x8f: {  	s31 =	simm.s32 $0x3870;
	[tilespmem:v18+s20+$0x0] =	vst.idx.msk $0xffff, v16  }
0x90: {  	v17 =	vadd.s32 v2, v13;
	v16 =	vld [tilespmem:s31+$0xFFFFFFF0]  }
0x91: {  	v19 =	vadd.s32 v2, v12;
	v18 =	vld [tilespmem:s31+$0xFFFFFF90];
	_ =	sdelay $0x2  }
0x92: {  	v21 =	vadd.s32 v2, v11;
	v20 =	vld [tilespmem:s31+$0xFFFFFFB0]  }
0x93: {  	v23 =	vadd.s32 v2, v10;
	v22 =	vld [tilespmem:s31+$0xFFFFFFD0];
	[tilespmem:v17+s20+$0x0] =	vst.idx.msk $0xffff, v16  }
0x94: {  	[tilespmem:v19+s20+$0x0] =	vst.idx.msk $0xffff, v18;
	v17 =	vadd.s32 v3, v13;
	v16 =	vld [tilespmem:s31+$0x0]  }
0x95: {  	v62 =	vadd.s32 v3, v12;
	s25 =	simm.s32 $0x38F0;
	v13 =	vand.u32 $0x7F, v14;
	v14 =	vld [tilespmem:s31+$0xFFFFFFA0]  }
0x96: {  	v12 =	vand.u32 $0x7C, v15;
	v25 =	vld [tilespmem:s25+$0xFFFFFFF0];
	v63 =	vadd.s32 v2, v13  }
0x97: {  	[tilespmem:v21+s20+$0x0] =	vst.idx.msk $0xffff, v20;
	v20 =	vld [tilespmem:s25+$0xFFFFFF90];
	v21 =	vadd.s32 v2, v12  }
0x98: {  	[tilespmem:v23+s20+$0x0] =	vst.idx.msk $0xffff, v22;
	v18 =	vld [tilespmem:s25+$0xFFFFFFB0];
	v19 =	vadd.s32 v2, v9  }
0x99: {  	v15 =	vld [tilespmem:s25+$0xFFFFFFD0];
	[tilespmem:v17+s20+$0x0] =	vst.idx.msk $0xffff, v16;
	v17 =	vadd.s32 v2, v8  }
0x9a: {  	v11 =	vadd.s32 v3, v11;
	[tilespmem:v62+s20+$0x0] =	vst.idx.msk $0xffff, v14;
	v14 =	vld [tilespmem:s31+$0xFFFFFFC0]  }
0x9b: {  	s1 =	simm.s32 $0xB;
	s0 =	simm.s32 $0xC;
	s26 =	simm.s32 $0x38F0;
	v10 =	vadd.s32 v3, v10;
	[tilespmem:v63+s20+$0x0] =	vst.idx.msk $0xffff, v25;
	v16 =	vld [tilespmem:s31+$0xFFFFFFE0]  }
.LBB2_6:
0x9c: {  	p0 =	slt.u32 s0, $0x7C;
	v22 =	vmov s1;
	[tilespmem:v21+s20+$0x0] =	vst.idx.msk $0xffff, v20;
	v23 =	vld [tilespmem:s25+$0x0];
	v24 =	vadd.s32 v3, v13  }
0x9d: {  	v20 =	vmov s24;
	s1 =	sadd.s32 $0x1, s24;
	v25 =	vadd.s32 v3, v12;
	s25 =	sadd.s32 $0x80, s25;
	v13 =	vand.u32 $0x7F, v22;
	v22 =	vld [tilespmem:s26+$0xFFFFFFA0];
	[tilespmem:v19+s20+$0x0] =	vst.idx.msk $0xffff, v18  }
0x9e: {  	v12 =	vand.u32 $0x7C, v20;
	v18 =	vmov s1;
	s1 =	sadd.s32 $0x2, s24;
	s24 =	smov.u32 s0;
	v26 =	vld [tilespmem:s25+$0xFFFFFFF0];
	v27 =	vadd.s32 v2, v13;
	[tilespmem:v17+s20+$0x0] =	vst.idx.msk $0xffff, v15  }
.Ltmp6:
0x9f: {  	v21 =	vadd.s32 v2, v12;
	v28 =	vand.u32 $0x7D, v18;
	v15 =	vmov s1;
	v20 =	vld [tilespmem:s25+$0xFFFFFF90];
	[tilespmem:v11+s20+$0x0] =	vst.idx.msk $0xffff, v14;
	(pc) =	sbr.rel @p0 .LBB2_6-.Ltmp6, $4  }
0xa0: {  	v19 =	vadd.s32 v2, v28;
	v29 =	vand.u32 $0x7E, v15;
	v18 =	vld [tilespmem:s25+$0xFFFFFFB0];
	[tilespmem:v10+s20+$0x0] =	vst.idx.msk $0xffff, v16  }
0xa1: {  	v17 =	vadd.s32 v2, v29;
	v15 =	vld [tilespmem:s25+$0xFFFFFFD0];
	[tilespmem:v24+s20+$0x0] =	vst.idx.msk $0xffff, v23  }
0xa2: {  	v11 =	vadd.s32 v3, v9;
	v9 =	vmov v28;
	[tilespmem:v25+s20+$0x0] =	vst.idx.msk $0xffff, v22;
	v14 =	vld [tilespmem:s26+$0xFFFFFFC0]  }
0xa3: {  	s0 =	sadd.s32 $0x4, s0;
	s1 =	sadd.s32 $0x3, s24;
	v10 =	vadd.s32 v3, v8;
	v8 =	vmov v29;
	[tilespmem:v27+s20+$0x0] =	vst.idx.msk $0xffff, v26;
	v16 =	vld [tilespmem:s26+$0xFFFFFFE0];
	s26 =	smov.u32 s25  }
0xa4: {  	_ =	sdelay $0x3  }
0xa5: {  	v22 =	vmov s1;
	[tilespmem:v21+s20+$0x0] =	vst.idx.msk $0xffff, v20;
	v20 =	vld [tilespmem:s25+$0x0];
	v13 =	vadd.s32 v3, v13  }
0xa6: {  	v21 =	vmov s24;
	s0 =	sadd.s32 $0x1, s24;
	v12 =	vadd.s32 v3, v12;
	s1 =	sadd.s32 $0x80, s25;
	v22 =	vand.u32 $0x7F, v22;
	v23 =	vld [tilespmem:s26+$0xFFFFFFA0];
	[tilespmem:v19+s20+$0x0] =	vst.idx.msk $0xffff, v18  }
0xa7: {  	s25 =	sadd.s32 $0x2, s24;
	v18 =	vand.u32 $0x7C, v21;
	v19 =	vmov s0;
	v21 =	vld [tilespmem:s1+$0xFFFFFFF0];
	v24 =	vadd.s32 v2, v22;
	[tilespmem:v17+s20+$0x0] =	vst.idx.msk $0xffff, v15  }
0xa8: {  	v25 =	vmov s25;
	v15 =	vld [tilespmem:s1+$0xFFFFFF90];
	v17 =	vadd.s32 v2, v18;
	v19 =	vand.u32 $0x7D, v19;
	[tilespmem:v11+s20+$0x0] =	vst.idx.msk $0xffff, v14  }
0xa9: {  	v25 =	vand.u32 $0x7E, v25;
	v11 =	vld [tilespmem:s1+$0xFFFFFFB0];
	v14 =	vadd.s32 v2, v19;
	[tilespmem:v10+s20+$0x0] =	vst.idx.msk $0xffff, v16  }
0xaa: {  	v10 =	vld [tilespmem:s1+$0xFFFFFFD0];
	v16 =	vadd.s32 v2, v25;
	[tilespmem:v13+s20+$0x0] =	vst.idx.msk $0xffff, v20  }
0xab: {  	v9 =	vadd.s32 v3, v9;
	[tilespmem:v12+s20+$0x0] =	vst.idx.msk $0xffff, v23;
	v12 =	vld [tilespmem:s26+$0xFFFFFFC0]  }
0xac: {  	v8 =	vadd.s32 v3, v8;
	v13 =	vld [tilespmem:s26+$0xFFFFFFE0];
	[tilespmem:v24+s20+$0x0] =	vst.idx.msk $0xffff, v21  }
0xad: {  	[tilespmem:v17+s20+$0x0] =	vst.idx.msk $0xffff, v15;
	v17 =	vadd.s32 v3, v22;
	v15 =	vld [tilespmem:s1+$0x0]  }
0xae: {  	v18 =	vadd.s32 v3, v18;
	v20 =	vld [tilespmem:s1+$0xFFFFFFA0];
	[tilespmem:v14+s20+$0x0] =	vst.idx.msk $0xffff, v11  }
0xaf: {  	v11 =	vadd.s32 v3, v19;
	[tilespmem:v16+s20+$0x0] =	vst.idx.msk $0xffff, v10;
	v10 =	vld [tilespmem:s1+$0xFFFFFFC0]  }
0xb0: {  	p1 =	por $0x1, $0x1;
	[tilespmem:v9+s20+$0x0] =	vst.idx.msk $0xffff, v12;
	v9 =	vld [tilespmem:s1+$0xFFFFFFE0];
	v12 =	vadd.s32 v3, v25  }
.Ltmp7:
0xb1: {  	[tilespmem:v8+s20+$0x0] =	vst.idx.msk $0xffff, v13;
	(pc) =	sbr.rel @!p1 .LBB2_14-.Ltmp7, $4  }
0xb2: {  	s24 =	simm.s32 $0x0;
	[tilespmem:v17+s20+$0x0] =	vst.idx.msk $0xffff, v15  }
0xb3: {  	s28 =	simm.s32 $0x4870;
	p2 =	por $0x0, $0x0;
	p0 =	por $0x0, $0x0;
	[tilespmem:v18+s20+$0x0] =	vst.idx.msk $0xffff, v20  }
0xb4: {  	s30 =	simm.s32 $0x4870;
	s29 =	simm.s32 $0x0;
	p3 =	por $0x0, $0x0;
	[tilespmem:v11+s20+$0x0] =	vst.idx.msk $0xffff, v10  }
0xb5: {  	s25 =	simm.s32 $0x3;
	s26 =	simm.s32 $0x4;
	s1 =	simm.s32 $0x3;
	[tilespmem:v12+s20+$0x0] =	vst.idx.msk $0xffff, v9  }
0xb6: {  	v8 =	vmov s25  }
0xb7: {  	v8 =	vand.u32 $0x7F, v8  }
0xb8: {  	v17 =	vld [tilespmem:s28+$0xFFFFFFF0];
	p3 =	por $0x1, $0x1;
	v19 =	vadd.s32 v4, v8  }
.Ltmp8:
0xb9: {  	_ = 	snop;
	(pc) =	sbr.rel @!p3 .LBB2_9-.Ltmp8, $4  }
0xba: {  	v9 =	vmov s24;
	s0 =	simm.s32 $0x1;
	s1 =	simm.s32 $0x2  }
0xbb: {  	v13 =	vld [tilespmem:s28+$0xFFFFFF90];
	v9 =	vand.u32 $0x7C, v9;
	v10 =	vmov s0;
	v12 =	vmov s1  }
0xbc: {  	v11 =	vld [tilespmem:s28+$0xFFFFFFB0];
	v15 =	vadd.s32 v4, v9;
	v18 =	vand.u32 $0x7D, v10;
	v16 =	vand.u32 $0x7E, v12  }
0xbd: {  	s29 =	simm.s32 $0x8;
	p2 =	por $0x1, $0x1;
	s1 =	simm.s32 $0x7;
	v10 =	vld [tilespmem:s28+$0xFFFFFFD0];
	v14 =	vadd.s32 v4, v18;
	v12 =	vadd.s32 v4, v16;
	[tilespmem:v19+s20+$0x0] =	vst.idx.msk $0xffff, v17  }
0xbe: {  	_ =	sdelay $0x3  }
0xbf: {  	v17 =	vmov s1;
	v19 =	vld [tilespmem:s28+$0x0];
	v20 =	vadd.s32 v5, v8;
	[tilespmem:v15+s20+$0x0] =	vst.idx.msk $0xffff, v13  }
0xc0: {  	v21 =	vadd.s32 v5, v9;
	s30 =	simm.s32 $0x48F0;
	v9 =	vmov s26;
	s0 =	simm.s32 $0x5;
	v8 =	vand.u32 $0x7F, v17;
	v17 =	vld [tilespmem:s28+$0xFFFFFFA0]  }
0xc1: {  	s1 =	simm.s32 $0x6;
	p4 =	por $0x1, $0x1;
	v24 =	vld [tilespmem:s30+$0xFFFFFFF0];
	v9 =	vand.u32 $0x7C, v9;
	v25 =	vadd.s32 v4, v8;
	[tilespmem:v14+s20+$0x0] =	vst.idx.msk $0xffff, v11;
	v14 =	vmov s0  }
.Ltmp9:
0xc2: {  	v13 =	vld [tilespmem:s30+$0xFFFFFF90];
	v15 =	vadd.s32 v4, v9;
	[tilespmem:v12+s20+$0x0] =	vst.idx.msk $0xffff, v10;
	v10 =	vmov s1;
	v23 =	vand.u32 $0x7D, v14;
	(pc) =	sbr.rel @!p4 .LBB2_11-.Ltmp9, $4  }
0xc3: {  	v11 =	vld [tilespmem:s30+$0xFFFFFFB0];
	v22 =	vand.u32 $0x7E, v10;
	v14 =	vadd.s32 v4, v23  }
0xc4: {  	v10 =	vld [tilespmem:s30+$0xFFFFFFD0];
	[tilespmem:v20+s20+$0x0] =	vst.idx.msk $0xffff, v19;
	v12 =	vadd.s32 v4, v22  }
0xc5: {  	p3 =	por $0x1, $0x1;
	v19 =	vadd.s32 v5, v18;
	[tilespmem:v21+s20+$0x0] =	vst.idx.msk $0xffff, v17;
	v17 =	vld [tilespmem:s28+$0xFFFFFFC0]  }
0xc6: {  	s31 =	simm.s32 $0x48F0;
	s0 =	simm.s32 $0xC;
	s1 =	simm.s32 $0xB;
	v20 =	vld [tilespmem:s28+$0xFFFFFFE0];
	[tilespmem:v25+s20+$0x0] =	vst.idx.msk $0xffff, v24;
	v21 =	vadd.s32 v5, v16  }
.LBB2_12:
0xc7: {  	p4 =	slt.u32 s0, $0x7C;
	v16 =	vmov s1;
	[tilespmem:v15+s20+$0x0] =	vst.idx.msk $0xffff, v13;
	v18 =	vld [tilespmem:s30+$0x0];
	v24 =	vadd.s32 v5, v8  }
0xc8: {  	v13 =	vmov s29;
	s1 =	sadd.s32 $0x1, s29;
	v25 =	vadd.s32 v5, v9;
	s30 =	sadd.s32 $0x80, s30;
	v8 =	vand.u32 $0x7F, v16;
	v16 =	vld [tilespmem:s31+$0xFFFFFFA0];
	[tilespmem:v14+s20+$0x0] =	vst.idx.msk $0xffff, v11  }
0xc9: {  	v9 =	vand.u32 $0x7C, v13;
	v11 =	vmov s1;
	s1 =	sadd.s32 $0x2, s29;
	s29 =	smov.u32 s0;
	v26 =	vld [tilespmem:s30+$0xFFFFFFF0];
	v27 =	vadd.s32 v4, v8;
	[tilespmem:v12+s20+$0x0] =	vst.idx.msk $0xffff, v10  }
.Ltmp10:
0xca: {  	v15 =	vadd.s32 v4, v9;
	v28 =	vand.u32 $0x7D, v11;
	v10 =	vmov s1;
	v13 =	vld [tilespmem:s30+$0xFFFFFF90];
	[tilespmem:v19+s20+$0x0] =	vst.idx.msk $0xffff, v17;
	(pc) =	sbr.rel @p4 .LBB2_12-.Ltmp10, $4  }
0xcb: {  	v14 =	vadd.s32 v4, v28;
	v29 =	vand.u32 $0x7E, v10;
	v11 =	vld [tilespmem:s30+$0xFFFFFFB0];
	[tilespmem:v21+s20+$0x0] =	vst.idx.msk $0xffff, v20  }
0xcc: {  	v12 =	vadd.s32 v4, v29;
	v10 =	vld [tilespmem:s30+$0xFFFFFFD0];
	[tilespmem:v24+s20+$0x0] =	vst.idx.msk $0xffff, v18  }
0xcd: {  	v19 =	vadd.s32 v5, v23;
	v23 =	vmov v28;
	[tilespmem:v25+s20+$0x0] =	vst.idx.msk $0xffff, v16;
	v17 =	vld [tilespmem:s31+$0xFFFFFFC0]  }
0xce: {  	s0 =	sadd.s32 $0x4, s0;
	s1 =	sadd.s32 $0x3, s29;
	v21 =	vadd.s32 v5, v22;
	v22 =	vmov v29;
	[tilespmem:v27+s20+$0x0] =	vst.idx.msk $0xffff, v26;
	v20 =	vld [tilespmem:s31+$0xFFFFFFE0];
	s31 =	smov.u32 s30  }
0xcf: {  	v18 =	vmov v23;
	v16 =	vmov v22  }
.LBB2_14:
0xd0: {  	_ =	sdelay $0x3  }
0xd1: {  	[tilespmem:v15+s20+$0x0] =	vst.idx.msk @p2 $0xffff, v13;
	v13 =	vld @p2 [tilespmem:s30+$0x0];
	s0 =	sadd.s32 @p2 $0x80, s30  }
0xd2: {  	v48 =	vmov s1;
	v8 =	vadd.s32 @p2 v5, v8;
	v22 =	vld @p2 [tilespmem:s31+$0xFFFFFFA0];
	s28 =	smov.u32 @p2 s0  }
0xd3: {  	v23 =	vmov s29;
	s1 =	sadd.s32 $0x1, s29;
	v9 =	vadd.s32 @p2 v5, v9;
	[tilespmem:v14+s20+$0x0] =	vst.idx.msk @p2 $0xffff, v11;
	v15 =	vand.u32 $0x7F, v48;
	v49 =	vld [tilespmem:s28+$0xFFFFFFF0]  }
0xd4: {  	s30 =	sadd.s32 $0x2, s29;
	v50 =	vand.u32 $0x7C, v23;
	v51 =	vmov s1;
	[tilespmem:v12+s20+$0x0] =	vst.idx.msk @p2 $0xffff, v10;
	v24 =	vadd.s32 v4, v15;
	v52 =	vld [tilespmem:s28+$0xFFFFFF90]  }
0xd5: {  	v25 =	vmov s30;
	v53 =	vadd.s32 v4, v50;
	v23 =	vand.u32 $0x7D, v51;
	[tilespmem:v19+s20+$0x0] =	vst.idx.msk @p3 $0xffff, v17;
	v54 =	vld [tilespmem:s28+$0xFFFFFFB0]  }
0xd6: {  	v25 =	vand.u32 $0x7E, v25;
	v56 =	vld [tilespmem:s28+$0xFFFFFFD0];
	v55 =	vadd.s32 v4, v23;
	[tilespmem:v21+s20+$0x0] =	vst.idx.msk @p3 $0xffff, v20  }
0xd7: {  	v57 =	vadd.s32 v4, v25;
	[tilespmem:v8+s20+$0x0] =	vst.idx.msk @p2 $0xffff, v13;
	v8 =	vld @p2 [tilespmem:s31+$0xFFFFFFC0];
	v13 =	vadd.s32 @p2 v5, v18  }
0xd8: {  	v16 =	vadd.s32 @p2 v5, v16;
	[tilespmem:v9+s20+$0x0] =	vst.idx.msk @p2 $0xffff, v22;
	v9 =	vld @p2 [tilespmem:s31+$0xFFFFFFE0];
	v13 =	vpsel p2, v13, v0  }
0xd9: {  	v11 =	vpsel p2, v16, v0;
	[tilespmem:v24+s20+$0x0] =	vst.idx.msk $0xffff, v49  }
0xda: {  	v59 =	vadd.s32 v5, v15;
	[tilespmem:v53+s20+$0x0] =	vst.idx.msk $0xffff, v52;
	v58 =	vld [tilespmem:s28+$0x0]  }
0xdb: {  	v14 =	vadd.s32 v5, v50;
	v60 =	vld [tilespmem:s28+$0xFFFFFFA0];
	[tilespmem:v55+s20+$0x0] =	vst.idx.msk $0xffff, v54  }
0xdc: {  	v62 =	vadd.s32 v5, v23;
	[tilespmem:v57+s20+$0x0] =	vst.idx.msk $0xffff, v56;
	v61 =	vld [tilespmem:s28+$0xFFFFFFC0];
	v8 =	vpsel p2, v8, v0  }
0xdd: {  	v63 =	vadd.s32 v5, v25;
	v9 =	vpsel p2, v9, v0;
	[tilespmem:v13+s20+$0x0] =	vst.idx.msk @p2 $0xffff, v8;
	v8 =	vld [tilespmem:s28+$0xFFFFFFE0]  }
.Ltmp11:
0xde: {  	[tilespmem:v11+s20+$0x0] =	vst.idx.msk @p2 $0xffff, v9;
	(pc) =	sbr.rel @!p1 .LBB2_15-.Ltmp11, $4  }
0xdf: {  	[tilespmem:v59+s20+$0x0] =	vst.idx.msk $0xffff, v58  }
0xe0: {  	[tilespmem:v14+s20+$0x0] =	vst.idx.msk $0xffff, v60  }
0xe1: {  	[tilespmem:v62+s20+$0x0] =	vst.idx.msk $0xffff, v61  }
0xe2: {  	s28 =	simm.s32 $0x5870;
	[tilespmem:v63+s20+$0x0] =	vst.idx.msk $0xffff, v8  }
0xe3: {  	v8 =	vmov s25  }
0xe4: {  	v8 =	vand.u32 $0x7F, v8  }
0xe5: {  	v17 =	vld [tilespmem:s28+$0xFFFFFFF0];
	p2 =	por $0x1, $0x1;
	v19 =	vadd.s32 v6, v8  }
.Ltmp12:
0xe6: {  	_ = 	snop;
	(pc) =	sbr.rel @!p2 .LBB2_17-.Ltmp12, $4  }
0xe7: {  	v9 =	vmov s24;
	s0 =	simm.s32 $0x1;
	s1 =	simm.s32 $0x2  }
0xe8: {  	v13 =	vld [tilespmem:s28+$0xFFFFFF90];
	v9 =	vand.u32 $0x7C, v9;
	v10 =	vmov s0;
	v12 =	vmov s1  }
0xe9: {  	v11 =	vld [tilespmem:s28+$0xFFFFFFB0];
	v15 =	vadd.s32 v6, v9;
	v18 =	vand.u32 $0x7D, v10;
	v16 =	vand.u32 $0x7E, v12  }
0xea: {  	s25 =	simm.s32 $0x7;
	s24 =	simm.s32 $0x8;
	p1 =	por $0x1, $0x1;
	v10 =	vld [tilespmem:s28+$0xFFFFFFD0];
	v14 =	vadd.s32 v6, v18;
	v12 =	vadd.s32 v6, v16;
	[tilespmem:v19+s20+$0x0] =	vst.idx.msk $0xffff, v17  }
0xeb: {  	_ =	sdelay $0x3  }
0xec: {  	v17 =	vmov s25;
	v19 =	vld [tilespmem:s28+$0x0];
	v20 =	vadd.s32 v7, v8;
	[tilespmem:v15+s20+$0x0] =	vst.idx.msk $0xffff, v13  }
0xed: {  	v21 =	vadd.s32 v7, v9;
	s29 =	simm.s32 $0x58F0;
	v9 =	vmov s26;
	s0 =	simm.s32 $0x5;
	v8 =	vand.u32 $0x7F, v17;
	v17 =	vld [tilespmem:s28+$0xFFFFFFA0]  }
0xee: {  	s1 =	simm.s32 $0x6;
	p2 =	por $0x1, $0x1;
	v24 =	vld [tilespmem:s29+$0xFFFFFFF0];
	v9 =	vand.u32 $0x7C, v9;
	v25 =	vadd.s32 v6, v8;
	[tilespmem:v14+s20+$0x0] =	vst.idx.msk $0xffff, v11;
	v14 =	vmov s0  }
.Ltmp13:
0xef: {  	v13 =	vld [tilespmem:s29+$0xFFFFFF90];
	v15 =	vadd.s32 v6, v9;
	[tilespmem:v12+s20+$0x0] =	vst.idx.msk $0xffff, v10;
	v10 =	vmov s1;
	v23 =	vand.u32 $0x7D, v14;
	(pc) =	sbr.rel @!p2 .LBB2_19-.Ltmp13, $4  }
0xf0: {  	v11 =	vld [tilespmem:s29+$0xFFFFFFB0];
	v22 =	vand.u32 $0x7E, v10;
	v14 =	vadd.s32 v6, v23  }
0xf1: {  	v10 =	vld [tilespmem:s29+$0xFFFFFFD0];
	[tilespmem:v20+s20+$0x0] =	vst.idx.msk $0xffff, v19;
	v12 =	vadd.s32 v6, v22  }
0xf2: {  	s25 =	simm.s32 $0xB;
	v19 =	vadd.s32 v7, v18;
	[tilespmem:v21+s20+$0x0] =	vst.idx.msk $0xffff, v17;
	v17 =	vld [tilespmem:s28+$0xFFFFFFC0]  }
0xf3: {  	p0 =	por $0x1, $0x1;
	s26 =	simm.s32 $0x58F0;
	s0 =	simm.s32 $0xC;
	v20 =	vld [tilespmem:s28+$0xFFFFFFE0];
	[tilespmem:v25+s20+$0x0] =	vst.idx.msk $0xffff, v24;
	v21 =	vadd.s32 v7, v16  }
.LBB2_20:
0xf4: {  	p2 =	slt.u32 s0, $0x7C;
	v16 =	vmov s25;
	[tilespmem:v15+s20+$0x0] =	vst.idx.msk $0xffff, v13;
	v18 =	vld [tilespmem:s29+$0x0];
	v24 =	vadd.s32 v7, v8  }
0xf5: {  	v13 =	vmov s24;
	s1 =	sadd.s32 $0x1, s24;
	v25 =	vadd.s32 v7, v9;
	s29 =	sadd.s32 $0x80, s29;
	v8 =	vand.u32 $0x7F, v16;
	v16 =	vld [tilespmem:s26+$0xFFFFFFA0];
	[tilespmem:v14+s20+$0x0] =	vst.idx.msk $0xffff, v11  }
0xf6: {  	v9 =	vand.u32 $0x7C, v13;
	v11 =	vmov s1;
	s1 =	sadd.s32 $0x2, s24;
	s24 =	smov.u32 s0;
	v26 =	vld [tilespmem:s29+$0xFFFFFFF0];
	v27 =	vadd.s32 v6, v8;
	[tilespmem:v12+s20+$0x0] =	vst.idx.msk $0xffff, v10  }
.Ltmp14:
0xf7: {  	v15 =	vadd.s32 v6, v9;
	v28 =	vand.u32 $0x7D, v11;
	v10 =	vmov s1;
	v13 =	vld [tilespmem:s29+$0xFFFFFF90];
	[tilespmem:v19+s20+$0x0] =	vst.idx.msk $0xffff, v17;
	(pc) =	sbr.rel @p2 .LBB2_20-.Ltmp14, $4  }
0xf8: {  	v14 =	vadd.s32 v6, v28;
	v29 =	vand.u32 $0x7E, v10;
	v11 =	vld [tilespmem:s29+$0xFFFFFFB0];
	[tilespmem:v21+s20+$0x0] =	vst.idx.msk $0xffff, v20  }
0xf9: {  	v12 =	vadd.s32 v6, v29;
	v10 =	vld [tilespmem:s29+$0xFFFFFFD0];
	[tilespmem:v24+s20+$0x0] =	vst.idx.msk $0xffff, v18  }
0xfa: {  	v19 =	vadd.s32 v7, v23;
	v23 =	vmov v28;
	[tilespmem:v25+s20+$0x0] =	vst.idx.msk $0xffff, v16;
	v17 =	vld [tilespmem:s26+$0xFFFFFFC0]  }
0xfb: {  	s0 =	sadd.s32 $0x4, s0;
	s25 =	sadd.s32 $0x3, s24;
	v21 =	vadd.s32 v7, v22;
	v22 =	vmov v29;
	[tilespmem:v27+s20+$0x0] =	vst.idx.msk $0xffff, v26;
	v20 =	vld [tilespmem:s26+$0xFFFFFFE0];
	s26 =	smov.u32 s29  }
0xfc: {  	v18 =	vmov v23;
	v16 =	vmov v22  }
.LBB2_22:
0xfd: {  	_ =	sdelay $0x3  }
0xfe: {  	[tilespmem:v15+s20+$0x0] =	vst.idx.msk @p1 $0xffff, v13;
	v13 =	vld @p1 [tilespmem:s29+$0x0];
	s0 =	sadd.s32 @p1 $0x80, s29  }
0xff: {  	v48 =	vmov s25;
	v8 =	vadd.s32 @p1 v7, v8;
	v22 =	vld @p1 [tilespmem:s26+$0xFFFFFFA0];
	s28 =	smov.u32 @p1 s0  }
0x100: {  	v23 =	vmov s24;
	s29 =	sadd.s32 $0x1, s24;
	v9 =	vadd.s32 @p1 v7, v9;
	[tilespmem:v14+s20+$0x0] =	vst.idx.msk @p1 $0xffff, v11;
	v15 =	vand.u32 $0x7F, v48;
	v49 =	vld [tilespmem:s28+$0xFFFFFFF0]  }
0x101: {  	s30 =	sadd.s32 $0x2, s24;
	v50 =	vand.u32 $0x7C, v23;
	v51 =	vmov s29;
	[tilespmem:v12+s20+$0x0] =	vst.idx.msk @p1 $0xffff, v10;
	v24 =	vadd.s32 v6, v15;
	v52 =	vld [tilespmem:s28+$0xFFFFFF90]  }
0x102: {  	v25 =	vmov s30;
	v53 =	vadd.s32 v6, v50;
	v23 =	vand.u32 $0x7D, v51;
	[tilespmem:v19+s20+$0x0] =	vst.idx.msk @p0 $0xffff, v17;
	v54 =	vld [tilespmem:s28+$0xFFFFFFB0]  }
0x103: {  	v25 =	vand.u32 $0x7E, v25;
	v56 =	vld [tilespmem:s28+$0xFFFFFFD0];
	v55 =	vadd.s32 v6, v23;
	[tilespmem:v21+s20+$0x0] =	vst.idx.msk @p0 $0xffff, v20  }
0x104: {  	v57 =	vadd.s32 v6, v25;
	[tilespmem:v8+s20+$0x0] =	vst.idx.msk @p1 $0xffff, v13;
	v8 =	vld @p1 [tilespmem:s26+$0xFFFFFFC0];
	v13 =	vadd.s32 @p1 v7, v18  }
0x105: {  	v16 =	vadd.s32 @p1 v7, v16;
	[tilespmem:v9+s20+$0x0] =	vst.idx.msk @p1 $0xffff, v22;
	v9 =	vld @p1 [tilespmem:s26+$0xFFFFFFE0];
	v13 =	vpsel p1, v13, v0  }
0x106: {  	v11 =	vpsel p1, v16, v0;
	[tilespmem:v24+s20+$0x0] =	vst.idx.msk $0xffff, v49  }
0x107: {  	v59 =	vadd.s32 v7, v15;
	[tilespmem:v53+s20+$0x0] =	vst.idx.msk $0xffff, v52;
	v58 =	vld [tilespmem:s28+$0x0]  }
0x108: {  	s31 =	sshll.u32 s22, $0x2;
	v14 =	vadd.s32 v7, v50;
	v60 =	vld [tilespmem:s28+$0xFFFFFFA0];
	[tilespmem:v55+s20+$0x0] =	vst.idx.msk $0xffff, v54  }
0x109: {  	s0 =	sadd.s32 s5, s31;
	v62 =	vadd.s32 v7, v23;
	[tilespmem:v57+s20+$0x0] =	vst.idx.msk $0xffff, v56;
	v61 =	vld [tilespmem:s28+$0xFFFFFFC0];
	v8 =	vpsel p1, v8, v0  }
0x10a: {  	s1 =	sshll.u32 s0, $0x2;
	v63 =	vadd.s32 v7, v25;
	v9 =	vpsel p1, v9, v0;
	[tilespmem:v13+s20+$0x0] =	vst.idx.msk @p1 $0xffff, v8;
	v8 =	vld [tilespmem:s28+$0xFFFFFFE0]  }
0x10b: {  	s0 =	sand.u32 $0x78, s0;
	s1 =	sand.u32 $0x3FFE00, s1;
	[tilespmem:v11+s20+$0x0] =	vst.idx.msk @p1 $0xffff, v9  }
0x10c: {  	s0 =	sor.u32 s0, s1;
	[tilespmem:v59+s20+$0x0] =	vst.idx.msk $0xffff, v58  }
0x10d: {  	s24 =	sshll.u32 s0, $0x7;
	[tilespmem:v14+s20+$0x0] =	vst.idx.msk $0xffff, v60  }
0x10e: {  	s25 =	simm.s32 $0x10;
	s0 =	sadd.s32 s2, s24;
	[tilespmem:v62+s20+$0x0] =	vst.idx.msk $0xffff, v61  }
0x10f: {  	s1 =	simm.s32 $0xA800;
	s26 =	simm.s32 $0xA888;
	s28 =	sadd.s32 $0x0, s0;
	[tilespmem:v63+s20+$0x0] =	vst.idx.msk $0xffff, v8  }
.LBB2_23:
0x110: {  	[hbm4b:s28+s3] =	stream.linear.scatter [tilespmem:s1], [sflag:$0x3], $0x80, $0x38;
	[tilespmem:$0x13000] =	vst v63  }
0x111: {  	s28 =	smov.u32 s25;
	s1 =	smov.u32 s26;
	p0 =	sne.s32 s25, $0x1F0  }
.Ltmp15:
0x112: {  	s25 =	sadd.s32 $0x10, s25;
	(pc) =	sbr.rel @p0 .LBB2_23-.Ltmp15, $2  }
0x113: {  	_ =	sdelay $0x2  }
0x114: {  	s26 =	sadd.s32 $0x88, s26;
	s28 =	sadd.s32 s28, s0  }
0x115: {  	[hbm4b:s28+s3] =	stream.linear.scatter [tilespmem:s1], [sflag:$0x3], $0x80, $0x38;
	[tilespmem:$0x13000] =	vst v63  }
0x116: {  	s0 =	sadd.s32 s24, s7;
	s1 =	simm.s32 $0xB900  }
0x117: {  	s25 =	simm.s32 $0x10;
	s26 =	simm.s32 $0xB988;
	s28 =	sadd.s32 $0x0, s0  }
.LBB2_25:
0x118: {  	[hbm4b:s28+s3] =	stream.linear.scatter [tilespmem:s1], [sflag:$0x3], $0x80, $0x38;
	[tilespmem:$0x13000] =	vst v63  }
0x119: {  	s28 =	smov.u32 s25;
	s1 =	smov.u32 s26;
	p0 =	sne.s32 s25, $0x1F0  }
.Ltmp16:
0x11a: {  	s25 =	sadd.s32 $0x10, s25;
	(pc) =	sbr.rel @p0 .LBB2_25-.Ltmp16, $2  }
0x11b: {  	_ =	sdelay $0x2  }
0x11c: {  	s26 =	sadd.s32 $0x88, s26;
	s28 =	sadd.s32 s28, s0  }
0x11d: {  	[hbm4b:s28+s3] =	stream.linear.scatter [tilespmem:s1], [sflag:$0x3], $0x80, $0x38;
	[tilespmem:$0x13000] =	vst v63  }
0x11e: {  	s0 =	sadd.s32 s24, s8;
	s1 =	simm.s32 $0xCA00  }
0x11f: {  	s25 =	simm.s32 $0x10;
	s26 =	simm.s32 $0xCA88;
	s28 =	sadd.s32 $0x0, s0  }
.LBB2_27:
0x120: {  	[hbm4b:s28+s3] =	stream.linear.scatter [tilespmem:s1], [sflag:$0x3], $0x80, $0x38;
	[tilespmem:$0x13000] =	vst v63  }
0x121: {  	s28 =	smov.u32 s25;
	s1 =	smov.u32 s26;
	p0 =	sne.s32 s25, $0x1F0  }
.Ltmp17:
0x122: {  	s25 =	sadd.s32 $0x10, s25;
	(pc) =	sbr.rel @p0 .LBB2_27-.Ltmp17, $2  }
0x123: {  	_ =	sdelay $0x2  }
0x124: {  	s26 =	sadd.s32 $0x88, s26;
	s28 =	sadd.s32 s28, s0  }
0x125: {  	[hbm4b:s28+s3] =	stream.linear.scatter [tilespmem:s1], [sflag:$0x3], $0x80, $0x38;
	[tilespmem:$0x13000] =	vst v63  }
0x126: {  	s0 =	sadd.s32 s24, s9;
	s1 =	simm.s32 $0xDB00  }
0x127: {  	s24 =	simm.s32 $0x10;
	s25 =	simm.s32 $0xDB88;
	s26 =	sadd.s32 $0x0, s0  }
.LBB2_29:
0x128: {  	[hbm4b:s26+s3] =	stream.linear.scatter [tilespmem:s1], [sflag:$0x3], $0x80, $0x38;
	[tilespmem:$0x13000] =	vst v63  }
0x129: {  	s26 =	smov.u32 s24;
	s1 =	smov.u32 s25;
	p0 =	sne.s32 s24, $0x1F0  }
.Ltmp18:
0x12a: {  	s24 =	sadd.s32 $0x10, s24;
	(pc) =	sbr.rel @p0 .LBB2_29-.Ltmp18, $2  }
0x12b: {  	_ =	sdelay $0x2  }
0x12c: {  	s25 =	sadd.s32 $0x88, s25;
	s26 =	sadd.s32 s26, s0  }
0x12d: {  	p0 =	seq.s32 s23, $0x0  }
.Ltmp19:
0x12e: {  	_ = 	snop;
	(pc) =	sbr.rel @p0 .LBB2_59-.Ltmp19, $2  }
0x12f: {  	_ =	sdelay $0x2  }
0x130: {  	[hbm4b:s26+s3] =	stream.linear.scatter [tilespmem:s1], [sflag:$0x3], $0x80, $0x38;
	[tilespmem:$0x13000] =	vst v63  }
.LBB2_31:
0x131: {  	_ =	swait.ge [sflag:s14], $0x4000;
	p0 =	seq.s32 s22, $0x13  }
0x132: {  	[sflag:s14] =	ssyncset.done $0x0;
	s0 =	sshll.u32 @!p0 s22, $0x9  }
0x133: {  	s1 =	simm.s32 @!p0 $0x200;
	s23 =	simm.s32 @!p0 $0x2800;
	s0 =	sand.u32 @!p0 $0x3FFFFE00, s0  }
0x134: {  	p1 =	slt.u32 @!p0 s22, $0x2;
	[sflag:s14] =	ssyncadd.s32 $0xFFFFC000;
	s0 =	sadd.s32 @!p0 $0x200, s0  }
0x135: {  	[tilespmem:s23], [sflag:$0x1] =	stream.indirect.gather @!p0 [hbm4b:s4+s1], $0x20, s0, s1, $0xb8;
	[tilespmem:$0x13000] =	vst v63  }
0x136: {  	p0 =	por p0, !p1  }
0x137: {  	_ =	swait.ge @p0 [sflag:s15], $0x1000  }
0x138: {  	[sflag:s15] =	ssyncset.done @p0 $0x0  }
0x139: {  	[sflag:s15] =	ssyncadd.s32 @p0 $0xFFFFF000  }
0x13a: {  	_ =	swait.ge @p0 [sflag:s15], $0x1000  }
0x13b: {  	[sflag:s15] =	ssyncset.done @p0 $0x0  }
0x13c: {  	[sflag:s15] =	ssyncadd.s32 @p0 $0xFFFFF000  }
0x13d: {  	_ =	swait.ge @p0 [sflag:s15], $0x1000  }
0x13e: {  	[sflag:s15] =	ssyncset.done @p0 $0x0  }
0x13f: {  	[sflag:s15] =	ssyncadd.s32 @p0 $0xFFFFF000  }
0x140: {  	s1 =	simm.s32 $0x3;
	_ =	swait.ge @p0 [sflag:s15], $0x1000  }
0x141: {  	s23 =	simm.s32 $0x0;
	v8 =	vmov s1;
	[sflag:s15] =	ssyncset.done @p0 $0x0  }
0x142: {  	s25 =	simm.s32 $0x6840;
	v9 =	vmov s23;
	v13 =	vand.u32 $0x7F, v8;
	[sflag:s15] =	ssyncadd.s32 @p0 $0xFFFFF000  }
0x143: {  	v12 =	vand.u32 $0x7C, v9;
	v9 =	vadd.s32 v0, v13;
	v8 =	vld [tilespmem:s25+$0x20]  }
0x144: {  	s24 =	simm.s32 $0x1;
	v16 =	vadd.s32 v0, v12;
	v15 =	vld [tilespmem:s25+$0xFFFFFFC0]  }
0x145: {  	s26 =	simm.s32 $0x2;
	v10 =	vmov s24  }
0x146: {  	v11 =	vand.u32 $0x7D, v10;
	v10 =	vmov s26  }
0x147: {  	v18 =	vadd.s32 v0, v11;
	v10 =	vand.u32 $0x7E, v10;
	v17 =	vld [tilespmem:s25+$0xFFFFFFE0]  }
0x148: {  	s28 =	simm.s32 $0x7;
	v21 =	vadd.s32 v0, v10;
	v20 =	vld [tilespmem:s25+$0x0];
	[tilespmem:v9+s16+$0x0] =	vst.idx.msk $0xffff, v8  }
0x149: {  	s29 =	simm.s32 $0x4;
	v14 =	vmov s28;
	v23 =	vadd.s32 v1, v13;
	[tilespmem:v16+s16+$0x0] =	vst.idx.msk $0xffff, v15;
	v22 =	vld [tilespmem:s25+$0x30]  }
0x14a: {  	s30 =	simm.s32 $0x5;
	s24 =	simm.s32 $0x68C0;
	v30 =	vadd.s32 v1, v12;
	v16 =	vand.u32 $0x7F, v14;
	v15 =	vmov s29;
	v24 =	vld [tilespmem:s25+$0xFFFFFFD0]  }
0x14b: {  	s31 =	simm.s32 $0x6;
	v31 =	vld [tilespmem:s24+$0x20];
	v8 =	vmov s30;
	v32 =	vadd.s32 v0, v16;
	v19 =	vand.u32 $0x7C, v15  }
0x14c: {  	v27 =	vld [tilespmem:s24+$0xFFFFFFC0];
	[tilespmem:v18+s16+$0x0] =	vst.idx.msk $0xffff, v17;
	v17 =	vmov s31;
	v9 =	vand.u32 $0x7D, v8;
	v29 =	vadd.s32 v0, v19  }
0x14d: {  	v26 =	vld [tilespmem:s24+$0xFFFFFFE0];
	[tilespmem:v21+s16+$0x0] =	vst.idx.msk $0xffff, v20;
	v8 =	vand.u32 $0x7E, v17;
	v28 =	vadd.s32 v0, v9  }
0x14e: {  	v21 =	vld [tilespmem:s24+$0x0];
	v25 =	vadd.s32 v0, v8;
	[tilespmem:v23+s16+$0x0] =	vst.idx.msk $0xffff, v22  }
0x14f: {  	s26 =	simm.s32 $0xC;
	s0 =	simm.s32 $0xB;
	v20 =	vld [tilespmem:s25+$0xFFFFFFF0];
	[tilespmem:v30+s16+$0x0] =	vst.idx.msk $0xffff, v24;
	v22 =	vadd.s32 v1, v11  }
0x150: {  	s23 =	simm.s32 $0x8;
	s1 =	simm.s32 $0x8;
	v18 =	vmov v9;
	v17 =	vmov v8;
	[tilespmem:v32+s16+$0x0] =	vst.idx.msk $0xffff, v31;
	v23 =	vld [tilespmem:s25+$0x10];
	v24 =	vadd.s32 v1, v10;
	s25 =	simm.s32 $0x68C0  }
.LBB2_32:
0x151: {  	p0 =	slt.u32 s26, $0x7C;
	v30 =	vmov s0;
	[tilespmem:v29+s16+$0x0] =	vst.idx.msk $0xffff, v27;
	v31 =	vld [tilespmem:s24+$0x30];
	v32 =	vadd.s32 v1, v16  }
0x152: {  	v27 =	vmov s1;
	s0 =	sadd.s32 $0x1, s1;
	v33 =	vadd.s32 v1, v19;
	s24 =	sadd.s32 $0x80, s24;
	v16 =	vand.u32 $0x7F, v30;
	v30 =	vld [tilespmem:s25+$0xFFFFFFD0];
	[tilespmem:v28+s16+$0x0] =	vst.idx.msk $0xffff, v26  }
0x153: {  	v19 =	vand.u32 $0x7C, v27;
	v26 =	vmov s0;
	s0 =	sadd.s32 $0x2, s1;
	s1 =	smov.u32 s26;
	v34 =	vld [tilespmem:s24+$0x20];
	v35 =	vadd.s32 v0, v16;
	[tilespmem:v25+s16+$0x0] =	vst.idx.msk $0xffff, v21  }
.Ltmp20:
0x154: {  	v29 =	vadd.s32 v0, v19;
	v36 =	vand.u32 $0x7D, v26;
	v21 =	vmov s0;
	v27 =	vld [tilespmem:s24+$0xFFFFFFC0];
	[tilespmem:v22+s16+$0x0] =	vst.idx.msk $0xffff, v20;
	(pc) =	sbr.rel @p0 .LBB2_32-.Ltmp20, $4  }
0x155: {  	v28 =	vadd.s32 v0, v36;
	v37 =	vand.u32 $0x7E, v21;
	v26 =	vld [tilespmem:s24+$0xFFFFFFE0];
	[tilespmem:v24+s16+$0x0] =	vst.idx.msk $0xffff, v23  }
0x156: {  	v25 =	vadd.s32 v0, v37;
	v21 =	vld [tilespmem:s24+$0x0];
	[tilespmem:v32+s16+$0x0] =	vst.idx.msk $0xffff, v31  }
0x157: {  	v22 =	vadd.s32 v1, v18;
	v18 =	vmov v36;
	[tilespmem:v33+s16+$0x0] =	vst.idx.msk $0xffff, v30;
	v20 =	vld [tilespmem:s25+$0xFFFFFFF0]  }
0x158: {  	s26 =	sadd.s32 $0x4, s26;
	s0 =	sadd.s32 $0x3, s1;
	v24 =	vadd.s32 v1, v17;
	v17 =	vmov v37;
	[tilespmem:v35+s16+$0x0] =	vst.idx.msk $0xffff, v34;
	v23 =	vld [tilespmem:s25+$0x10];
	s25 =	smov.u32 s24  }
0x159: {  	_ =	sdelay $0x3  }
0x15a: {  	v30 =	vmov s0;
	[tilespmem:v29+s16+$0x0] =	vst.idx.msk $0xffff, v27;
	v53 =	vld [tilespmem:s24+$0x30];
	v16 =	vadd.s32 v1, v16  }
0x15b: {  	v54 =	vmov s1;
	s28 =	sadd.s32 $0x1, s1;
	v19 =	vadd.s32 v1, v19;
	s29 =	sadd.s32 $0x80, s24;
	v30 =	vand.u32 $0x7F, v30;
	v31 =	vld [tilespmem:s25+$0xFFFFFFD0];
	[tilespmem:v28+s16+$0x0] =	vst.idx.msk $0xffff, v26  }
0x15c: {  	s30 =	sadd.s32 $0x2, s1;
	v55 =	vand.u32 $0x7C, v54;
	v56 =	vmov s28;
	v57 =	vld [tilespmem:s29+$0x20];
	v32 =	vadd.s32 v0, v30;
	[tilespmem:v25+s16+$0x0] =	vst.idx.msk $0xffff, v21  }
0x15d: {  	v33 =	vmov s30;
	v21 =	vld [tilespmem:s29+$0xFFFFFFC0];
	v58 =	vadd.s32 v0, v55;
	v28 =	vand.u32 $0x7D, v56;
	[tilespmem:v22+s16+$0x0] =	vst.idx.msk $0xffff, v20  }
0x15e: {  	v33 =	vand.u32 $0x7E, v33;
	v20 =	vld [tilespmem:s29+$0xFFFFFFE0];
	v22 =	vadd.s32 v0, v28;
	[tilespmem:v24+s16+$0x0] =	vst.idx.msk $0xffff, v23  }
0x15f: {  	v59 =	vadd.s32 v0, v33;
	v23 =	vld [tilespmem:s29+$0x0];
	[tilespmem:v16+s16+$0x0] =	vst.idx.msk $0xffff, v53  }
0x160: {  	v18 =	vadd.s32 v1, v18;
	v16 =	vld [tilespmem:s25+$0xFFFFFFF0];
	[tilespmem:v19+s16+$0x0] =	vst.idx.msk $0xffff, v31  }
0x161: {  	v17 =	vadd.s32 v1, v17;
	v19 =	vld [tilespmem:s25+$0x10];
	[tilespmem:v32+s16+$0x0] =	vst.idx.msk $0xffff, v57  }
0x162: {  	v60 =	vadd.s32 v1, v30;
	[tilespmem:v58+s16+$0x0] =	vst.idx.msk $0xffff, v21;
	v21 =	vld [tilespmem:s29+$0x30]  }
0x163: {  	v26 =	vadd.s32 v1, v55;
	v61 =	vld [tilespmem:s29+$0xFFFFFFD0];
	[tilespmem:v22+s16+$0x0] =	vst.idx.msk $0xffff, v20  }
0x164: {  	v22 =	vadd.s32 v1, v28;
	[tilespmem:v59+s16+$0x0] =	vst.idx.msk $0xffff, v23;
	v20 =	vld [tilespmem:s29+$0xFFFFFFF0]  }
0x165: {  	[tilespmem:v18+s16+$0x0] =	vst.idx.msk $0xffff, v16;
	v16 =	vld [tilespmem:s29+$0x10];
	v18 =	vadd.s32 v1, v33  }
0x166: {  	[tilespmem:v17+s16+$0x0] =	vst.idx.msk $0xffff, v19  }
0x167: {  	[tilespmem:v60+s16+$0x0] =	vst.idx.msk $0xffff, v21  }
0x168: {  	[tilespmem:v26+s16+$0x0] =	vst.idx.msk $0xffff, v61  }
0x169: {  	[tilespmem:v22+s16+$0x0] =	vst.idx.msk $0xffff, v20  }
0x16a: {  	s31 =	simm.s32 $0x7870;
	[tilespmem:v18+s16+$0x0] =	vst.idx.msk $0xffff, v16  }
0x16b: {  	v17 =	vadd.s32 v2, v13;
	v16 =	vld [tilespmem:s31+$0xFFFFFFF0]  }
0x16c: {  	v19 =	vadd.s32 v2, v12;
	v18 =	vld [tilespmem:s31+$0xFFFFFF90];
	_ =	sdelay $0x2  }
0x16d: {  	v21 =	vadd.s32 v2, v11;
	v20 =	vld [tilespmem:s31+$0xFFFFFFB0]  }
0x16e: {  	v23 =	vadd.s32 v2, v10;
	v22 =	vld [tilespmem:s31+$0xFFFFFFD0];
	[tilespmem:v17+s16+$0x0] =	vst.idx.msk $0xffff, v16  }
0x16f: {  	[tilespmem:v19+s16+$0x0] =	vst.idx.msk $0xffff, v18;
	v17 =	vadd.s32 v3, v13;
	v16 =	vld [tilespmem:s31+$0x0]  }
0x170: {  	v62 =	vadd.s32 v3, v12;
	s24 =	simm.s32 $0x78F0;
	v13 =	vand.u32 $0x7F, v14;
	v14 =	vld [tilespmem:s31+$0xFFFFFFA0]  }
0x171: {  	v12 =	vand.u32 $0x7C, v15;
	v25 =	vld [tilespmem:s24+$0xFFFFFFF0];
	v63 =	vadd.s32 v2, v13  }
0x172: {  	[tilespmem:v21+s16+$0x0] =	vst.idx.msk $0xffff, v20;
	v20 =	vld [tilespmem:s24+$0xFFFFFF90];
	v21 =	vadd.s32 v2, v12  }
0x173: {  	[tilespmem:v23+s16+$0x0] =	vst.idx.msk $0xffff, v22;
	v18 =	vld [tilespmem:s24+$0xFFFFFFB0];
	v19 =	vadd.s32 v2, v9  }
0x174: {  	v15 =	vld [tilespmem:s24+$0xFFFFFFD0];
	[tilespmem:v17+s16+$0x0] =	vst.idx.msk $0xffff, v16;
	v17 =	vadd.s32 v2, v8  }
0x175: {  	v11 =	vadd.s32 v3, v11;
	[tilespmem:v62+s16+$0x0] =	vst.idx.msk $0xffff, v14;
	v14 =	vld [tilespmem:s31+$0xFFFFFFC0]  }
0x176: {  	s1 =	simm.s32 $0xB;
	s0 =	simm.s32 $0xC;
	s25 =	simm.s32 $0x78F0;
	v10 =	vadd.s32 v3, v10;
	[tilespmem:v63+s16+$0x0] =	vst.idx.msk $0xffff, v25;
	v16 =	vld [tilespmem:s31+$0xFFFFFFE0]  }
.LBB2_34:
0x177: {  	p0 =	slt.u32 s0, $0x7C;
	v22 =	vmov s1;
	[tilespmem:v21+s16+$0x0] =	vst.idx.msk $0xffff, v20;
	v23 =	vld [tilespmem:s24+$0x0];
	v24 =	vadd.s32 v3, v13  }
0x178: {  	v20 =	vmov s23;
	s1 =	sadd.s32 $0x1, s23;
	v25 =	vadd.s32 v3, v12;
	s24 =	sadd.s32 $0x80, s24;
	v13 =	vand.u32 $0x7F, v22;
	v22 =	vld [tilespmem:s25+$0xFFFFFFA0];
	[tilespmem:v19+s16+$0x0] =	vst.idx.msk $0xffff, v18  }
0x179: {  	v12 =	vand.u32 $0x7C, v20;
	v18 =	vmov s1;
	s1 =	sadd.s32 $0x2, s23;
	s23 =	smov.u32 s0;
	v26 =	vld [tilespmem:s24+$0xFFFFFFF0];
	v27 =	vadd.s32 v2, v13;
	[tilespmem:v17+s16+$0x0] =	vst.idx.msk $0xffff, v15  }
.Ltmp21:
0x17a: {  	v21 =	vadd.s32 v2, v12;
	v28 =	vand.u32 $0x7D, v18;
	v15 =	vmov s1;
	v20 =	vld [tilespmem:s24+$0xFFFFFF90];
	[tilespmem:v11+s16+$0x0] =	vst.idx.msk $0xffff, v14;
	(pc) =	sbr.rel @p0 .LBB2_34-.Ltmp21, $4  }
0x17b: {  	v19 =	vadd.s32 v2, v28;
	v29 =	vand.u32 $0x7E, v15;
	v18 =	vld [tilespmem:s24+$0xFFFFFFB0];
	[tilespmem:v10+s16+$0x0] =	vst.idx.msk $0xffff, v16  }
0x17c: {  	v17 =	vadd.s32 v2, v29;
	v15 =	vld [tilespmem:s24+$0xFFFFFFD0];
	[tilespmem:v24+s16+$0x0] =	vst.idx.msk $0xffff, v23  }
0x17d: {  	v11 =	vadd.s32 v3, v9;
	v9 =	vmov v28;
	[tilespmem:v25+s16+$0x0] =	vst.idx.msk $0xffff, v22;
	v14 =	vld [tilespmem:s25+$0xFFFFFFC0]  }
0x17e: {  	s0 =	sadd.s32 $0x4, s0;
	s1 =	sadd.s32 $0x3, s23;
	v10 =	vadd.s32 v3, v8;
	v8 =	vmov v29;
	[tilespmem:v27+s16+$0x0] =	vst.idx.msk $0xffff, v26;
	v16 =	vld [tilespmem:s25+$0xFFFFFFE0];
	s25 =	smov.u32 s24  }
0x17f: {  	_ =	sdelay $0x3  }
0x180: {  	v22 =	vmov s1;
	[tilespmem:v21+s16+$0x0] =	vst.idx.msk $0xffff, v20;
	v20 =	vld [tilespmem:s24+$0x0];
	v13 =	vadd.s32 v3, v13  }
0x181: {  	v21 =	vmov s23;
	s0 =	sadd.s32 $0x1, s23;
	v12 =	vadd.s32 v3, v12;
	s26 =	sadd.s32 $0x80, s24;
	v22 =	vand.u32 $0x7F, v22;
	v23 =	vld [tilespmem:s25+$0xFFFFFFA0];
	[tilespmem:v19+s16+$0x0] =	vst.idx.msk $0xffff, v18  }
0x182: {  	s31 =	sadd.s32 $0x2, s23;
	v18 =	vand.u32 $0x7C, v21;
	v19 =	vmov s0;
	v21 =	vld [tilespmem:s26+$0xFFFFFFF0];
	v24 =	vadd.s32 v2, v22;
	[tilespmem:v17+s16+$0x0] =	vst.idx.msk $0xffff, v15  }
0x183: {  	v25 =	vmov s31;
	v15 =	vld [tilespmem:s26+$0xFFFFFF90];
	v17 =	vadd.s32 v2, v18;
	v19 =	vand.u32 $0x7D, v19;
	[tilespmem:v11+s16+$0x0] =	vst.idx.msk $0xffff, v14  }
0x184: {  	v25 =	vand.u32 $0x7E, v25;
	v11 =	vld [tilespmem:s26+$0xFFFFFFB0];
	v14 =	vadd.s32 v2, v19;
	[tilespmem:v10+s16+$0x0] =	vst.idx.msk $0xffff, v16  }
0x185: {  	v10 =	vld [tilespmem:s26+$0xFFFFFFD0];
	v16 =	vadd.s32 v2, v25;
	[tilespmem:v13+s16+$0x0] =	vst.idx.msk $0xffff, v20  }
0x186: {  	v9 =	vadd.s32 v3, v9;
	[tilespmem:v12+s16+$0x0] =	vst.idx.msk $0xffff, v23;
	v12 =	vld [tilespmem:s25+$0xFFFFFFC0]  }
0x187: {  	v8 =	vadd.s32 v3, v8;
	v13 =	vld [tilespmem:s25+$0xFFFFFFE0];
	[tilespmem:v24+s16+$0x0] =	vst.idx.msk $0xffff, v21  }
0x188: {  	[tilespmem:v17+s16+$0x0] =	vst.idx.msk $0xffff, v15;
	v17 =	vadd.s32 v3, v22;
	v15 =	vld [tilespmem:s26+$0x0]  }
0x189: {  	v18 =	vadd.s32 v3, v18;
	v20 =	vld [tilespmem:s26+$0xFFFFFFA0];
	[tilespmem:v14+s16+$0x0] =	vst.idx.msk $0xffff, v11  }
0x18a: {  	v11 =	vadd.s32 v3, v19;
	[tilespmem:v16+s16+$0x0] =	vst.idx.msk $0xffff, v10;
	v10 =	vld [tilespmem:s26+$0xFFFFFFC0]  }
0x18b: {  	p1 =	por $0x1, $0x1;
	[tilespmem:v9+s16+$0x0] =	vst.idx.msk $0xffff, v12;
	v9 =	vld [tilespmem:s26+$0xFFFFFFE0];
	v12 =	vadd.s32 v3, v25  }
.Ltmp22:
0x18c: {  	[tilespmem:v8+s16+$0x0] =	vst.idx.msk $0xffff, v13;
	(pc) =	sbr.rel @!p1 .LBB2_42-.Ltmp22, $4  }
0x18d: {  	s23 =	simm.s32 $0x0;
	[tilespmem:v17+s16+$0x0] =	vst.idx.msk $0xffff, v15  }
0x18e: {  	s24 =	simm.s32 $0x3;
	p2 =	por $0x0, $0x0;
	p0 =	por $0x0, $0x0;
	[tilespmem:v18+s16+$0x0] =	vst.idx.msk $0xffff, v20  }
0x18f: {  	s1 =	simm.s32 $0x3;
	s29 =	simm.s32 $0x8870;
	s28 =	simm.s32 $0x0;
	[tilespmem:v11+s16+$0x0] =	vst.idx.msk $0xffff, v10  }
0x190: {  	p3 =	por $0x0, $0x0;
	s25 =	simm.s32 $0x4;
	s26 =	simm.s32 $0x8870;
	[tilespmem:v12+s16+$0x0] =	vst.idx.msk $0xffff, v9  }
0x191: {  	v8 =	vmov s24  }
0x192: {  	v8 =	vand.u32 $0x7F, v8  }
0x193: {  	v17 =	vld [tilespmem:s26+$0xFFFFFFF0];
	p3 =	por $0x1, $0x1;
	v19 =	vadd.s32 v4, v8  }
.Ltmp23:
0x194: {  	_ = 	snop;
	(pc) =	sbr.rel @!p3 .LBB2_37-.Ltmp23, $4  }
0x195: {  	v9 =	vmov s23;
	s0 =	simm.s32 $0x1;
	s1 =	simm.s32 $0x2  }
0x196: {  	v13 =	vld [tilespmem:s26+$0xFFFFFF90];
	v9 =	vand.u32 $0x7C, v9;
	v10 =	vmov s0;
	v12 =	vmov s1  }
0x197: {  	v11 =	vld [tilespmem:s26+$0xFFFFFFB0];
	v15 =	vadd.s32 v4, v9;
	v18 =	vand.u32 $0x7D, v10;
	v16 =	vand.u32 $0x7E, v12  }
0x198: {  	s28 =	simm.s32 $0x8;
	p2 =	por $0x1, $0x1;
	s1 =	simm.s32 $0x7;
	v10 =	vld [tilespmem:s26+$0xFFFFFFD0];
	v14 =	vadd.s32 v4, v18;
	v12 =	vadd.s32 v4, v16;
	[tilespmem:v19+s16+$0x0] =	vst.idx.msk $0xffff, v17  }
0x199: {  	_ =	sdelay $0x3  }
0x19a: {  	v17 =	vmov s1;
	v19 =	vld [tilespmem:s26+$0x0];
	v20 =	vadd.s32 v5, v8;
	[tilespmem:v15+s16+$0x0] =	vst.idx.msk $0xffff, v13  }
0x19b: {  	v21 =	vadd.s32 v5, v9;
	s29 =	simm.s32 $0x88F0;
	v9 =	vmov s25;
	s0 =	simm.s32 $0x5;
	v8 =	vand.u32 $0x7F, v17;
	v17 =	vld [tilespmem:s26+$0xFFFFFFA0]  }
0x19c: {  	s31 =	simm.s32 $0x6;
	p4 =	por $0x1, $0x1;
	v24 =	vld [tilespmem:s29+$0xFFFFFFF0];
	v9 =	vand.u32 $0x7C, v9;
	v25 =	vadd.s32 v4, v8;
	[tilespmem:v14+s16+$0x0] =	vst.idx.msk $0xffff, v11;
	v14 =	vmov s0  }
.Ltmp24:
0x19d: {  	v13 =	vld [tilespmem:s29+$0xFFFFFF90];
	v15 =	vadd.s32 v4, v9;
	[tilespmem:v12+s16+$0x0] =	vst.idx.msk $0xffff, v10;
	v10 =	vmov s31;
	v23 =	vand.u32 $0x7D, v14;
	(pc) =	sbr.rel @!p4 .LBB2_39-.Ltmp24, $4  }
0x19e: {  	v11 =	vld [tilespmem:s29+$0xFFFFFFB0];
	v22 =	vand.u32 $0x7E, v10;
	v14 =	vadd.s32 v4, v23  }
0x19f: {  	v10 =	vld [tilespmem:s29+$0xFFFFFFD0];
	[tilespmem:v20+s16+$0x0] =	vst.idx.msk $0xffff, v19;
	v12 =	vadd.s32 v4, v22  }
0x1a0: {  	s1 =	simm.s32 $0xB;
	v19 =	vadd.s32 v5, v18;
	[tilespmem:v21+s16+$0x0] =	vst.idx.msk $0xffff, v17;
	v17 =	vld [tilespmem:s26+$0xFFFFFFC0]  }
0x1a1: {  	p3 =	por $0x1, $0x1;
	s30 =	simm.s32 $0x88F0;
	s0 =	simm.s32 $0xC;
	v20 =	vld [tilespmem:s26+$0xFFFFFFE0];
	[tilespmem:v25+s16+$0x0] =	vst.idx.msk $0xffff, v24;
	v21 =	vadd.s32 v5, v16  }
.LBB2_40:
0x1a2: {  	p4 =	slt.u32 s0, $0x7C;
	v16 =	vmov s1;
	[tilespmem:v15+s16+$0x0] =	vst.idx.msk $0xffff, v13;
	v18 =	vld [tilespmem:s29+$0x0];
	v24 =	vadd.s32 v5, v8  }
0x1a3: {  	v13 =	vmov s28;
	s1 =	sadd.s32 $0x1, s28;
	v25 =	vadd.s32 v5, v9;
	s29 =	sadd.s32 $0x80, s29;
	v8 =	vand.u32 $0x7F, v16;
	v16 =	vld [tilespmem:s30+$0xFFFFFFA0];
	[tilespmem:v14+s16+$0x0] =	vst.idx.msk $0xffff, v11  }
0x1a4: {  	v9 =	vand.u32 $0x7C, v13;
	v11 =	vmov s1;
	s1 =	sadd.s32 $0x2, s28;
	s28 =	smov.u32 s0;
	v26 =	vld [tilespmem:s29+$0xFFFFFFF0];
	v27 =	vadd.s32 v4, v8;
	[tilespmem:v12+s16+$0x0] =	vst.idx.msk $0xffff, v10  }
.Ltmp25:
0x1a5: {  	v15 =	vadd.s32 v4, v9;
	v28 =	vand.u32 $0x7D, v11;
	v10 =	vmov s1;
	v13 =	vld [tilespmem:s29+$0xFFFFFF90];
	[tilespmem:v19+s16+$0x0] =	vst.idx.msk $0xffff, v17;
	(pc) =	sbr.rel @p4 .LBB2_40-.Ltmp25, $4  }
0x1a6: {  	v14 =	vadd.s32 v4, v28;
	v29 =	vand.u32 $0x7E, v10;
	v11 =	vld [tilespmem:s29+$0xFFFFFFB0];
	[tilespmem:v21+s16+$0x0] =	vst.idx.msk $0xffff, v20  }
0x1a7: {  	v12 =	vadd.s32 v4, v29;
	v10 =	vld [tilespmem:s29+$0xFFFFFFD0];
	[tilespmem:v24+s16+$0x0] =	vst.idx.msk $0xffff, v18  }
0x1a8: {  	v19 =	vadd.s32 v5, v23;
	v23 =	vmov v28;
	[tilespmem:v25+s16+$0x0] =	vst.idx.msk $0xffff, v16;
	v17 =	vld [tilespmem:s30+$0xFFFFFFC0]  }
0x1a9: {  	s0 =	sadd.s32 $0x4, s0;
	s1 =	sadd.s32 $0x3, s28;
	v21 =	vadd.s32 v5, v22;
	v22 =	vmov v29;
	[tilespmem:v27+s16+$0x0] =	vst.idx.msk $0xffff, v26;
	v20 =	vld [tilespmem:s30+$0xFFFFFFE0];
	s30 =	smov.u32 s29  }
0x1aa: {  	v18 =	vmov v23;
	v16 =	vmov v22  }
.LBB2_42:
0x1ab: {  	_ =	sdelay $0x3  }
0x1ac: {  	[tilespmem:v15+s16+$0x0] =	vst.idx.msk @p2 $0xffff, v13;
	v13 =	vld @p2 [tilespmem:s29+$0x0];
	s0 =	sadd.s32 @p2 $0x80, s29  }
0x1ad: {  	v48 =	vmov s1;
	v8 =	vadd.s32 @p2 v5, v8;
	v22 =	vld @p2 [tilespmem:s30+$0xFFFFFFA0];
	s26 =	smov.u32 @p2 s0  }
0x1ae: {  	v23 =	vmov s28;
	s29 =	sadd.s32 $0x1, s28;
	v9 =	vadd.s32 @p2 v5, v9;
	[tilespmem:v14+s16+$0x0] =	vst.idx.msk @p2 $0xffff, v11;
	v15 =	vand.u32 $0x7F, v48;
	v49 =	vld [tilespmem:s26+$0xFFFFFFF0]  }
0x1af: {  	s31 =	sadd.s32 $0x2, s28;
	v50 =	vand.u32 $0x7C, v23;
	v51 =	vmov s29;
	[tilespmem:v12+s16+$0x0] =	vst.idx.msk @p2 $0xffff, v10;
	v24 =	vadd.s32 v4, v15;
	v52 =	vld [tilespmem:s26+$0xFFFFFF90]  }
0x1b0: {  	v25 =	vmov s31;
	v53 =	vadd.s32 v4, v50;
	v23 =	vand.u32 $0x7D, v51;
	[tilespmem:v19+s16+$0x0] =	vst.idx.msk @p3 $0xffff, v17;
	v54 =	vld [tilespmem:s26+$0xFFFFFFB0]  }
0x1b1: {  	v25 =	vand.u32 $0x7E, v25;
	v56 =	vld [tilespmem:s26+$0xFFFFFFD0];
	v55 =	vadd.s32 v4, v23;
	[tilespmem:v21+s16+$0x0] =	vst.idx.msk @p3 $0xffff, v20  }
0x1b2: {  	v57 =	vadd.s32 v4, v25;
	[tilespmem:v8+s16+$0x0] =	vst.idx.msk @p2 $0xffff, v13;
	v8 =	vld @p2 [tilespmem:s30+$0xFFFFFFC0];
	v13 =	vadd.s32 @p2 v5, v18  }
0x1b3: {  	v16 =	vadd.s32 @p2 v5, v16;
	[tilespmem:v9+s16+$0x0] =	vst.idx.msk @p2 $0xffff, v22;
	v9 =	vld @p2 [tilespmem:s30+$0xFFFFFFE0];
	v13 =	vpsel p2, v13, v0  }
0x1b4: {  	v11 =	vpsel p2, v16, v0;
	[tilespmem:v24+s16+$0x0] =	vst.idx.msk $0xffff, v49  }
0x1b5: {  	v59 =	vadd.s32 v5, v15;
	[tilespmem:v53+s16+$0x0] =	vst.idx.msk $0xffff, v52;
	v58 =	vld [tilespmem:s26+$0x0]  }
0x1b6: {  	v14 =	vadd.s32 v5, v50;
	v60 =	vld [tilespmem:s26+$0xFFFFFFA0];
	[tilespmem:v55+s16+$0x0] =	vst.idx.msk $0xffff, v54  }
0x1b7: {  	v62 =	vadd.s32 v5, v23;
	[tilespmem:v57+s16+$0x0] =	vst.idx.msk $0xffff, v56;
	v61 =	vld [tilespmem:s26+$0xFFFFFFC0];
	v8 =	vpsel p2, v8, v0  }
0x1b8: {  	v63 =	vadd.s32 v5, v25;
	v9 =	vpsel p2, v9, v0;
	[tilespmem:v13+s16+$0x0] =	vst.idx.msk @p2 $0xffff, v8;
	v8 =	vld [tilespmem:s26+$0xFFFFFFE0]  }
.Ltmp26:
0x1b9: {  	[tilespmem:v11+s16+$0x0] =	vst.idx.msk @p2 $0xffff, v9;
	(pc) =	sbr.rel @!p1 .LBB2_43-.Ltmp26, $4  }
0x1ba: {  	[tilespmem:v59+s16+$0x0] =	vst.idx.msk $0xffff, v58  }
0x1bb: {  	[tilespmem:v14+s16+$0x0] =	vst.idx.msk $0xffff, v60  }
0x1bc: {  	[tilespmem:v62+s16+$0x0] =	vst.idx.msk $0xffff, v61  }
0x1bd: {  	s26 =	simm.s32 $0x9870;
	[tilespmem:v63+s16+$0x0] =	vst.idx.msk $0xffff, v8  }
0x1be: {  	v8 =	vmov s24  }
0x1bf: {  	v8 =	vand.u32 $0x7F, v8  }
0x1c0: {  	v17 =	vld [tilespmem:s26+$0xFFFFFFF0];
	p2 =	por $0x1, $0x1;
	v19 =	vadd.s32 v6, v8  }
.Ltmp27:
0x1c1: {  	_ = 	snop;
	(pc) =	sbr.rel @!p2 .LBB2_45-.Ltmp27, $4  }
0x1c2: {  	v9 =	vmov s23;
	s0 =	simm.s32 $0x1;
	s1 =	simm.s32 $0x2  }
0x1c3: {  	v13 =	vld [tilespmem:s26+$0xFFFFFF90];
	v9 =	vand.u32 $0x7C, v9;
	v10 =	vmov s0;
	v12 =	vmov s1  }
0x1c4: {  	v11 =	vld [tilespmem:s26+$0xFFFFFFB0];
	v15 =	vadd.s32 v6, v9;
	v18 =	vand.u32 $0x7D, v10;
	v16 =	vand.u32 $0x7E, v12  }
0x1c5: {  	s24 =	simm.s32 $0x7;
	s23 =	simm.s32 $0x8;
	p1 =	por $0x1, $0x1;
	v10 =	vld [tilespmem:s26+$0xFFFFFFD0];
	v14 =	vadd.s32 v6, v18;
	v12 =	vadd.s32 v6, v16;
	[tilespmem:v19+s16+$0x0] =	vst.idx.msk $0xffff, v17  }
0x1c6: {  	_ =	sdelay $0x3  }
0x1c7: {  	v17 =	vmov s24;
	v19 =	vld [tilespmem:s26+$0x0];
	v20 =	vadd.s32 v7, v8;
	[tilespmem:v15+s16+$0x0] =	vst.idx.msk $0xffff, v13  }
0x1c8: {  	v21 =	vadd.s32 v7, v9;
	s28 =	simm.s32 $0x98F0;
	v9 =	vmov s25;
	s0 =	simm.s32 $0x5;
	v8 =	vand.u32 $0x7F, v17;
	v17 =	vld [tilespmem:s26+$0xFFFFFFA0]  }
0x1c9: {  	s1 =	simm.s32 $0x6;
	p2 =	por $0x1, $0x1;
	v24 =	vld [tilespmem:s28+$0xFFFFFFF0];
	v9 =	vand.u32 $0x7C, v9;
	v25 =	vadd.s32 v6, v8;
	[tilespmem:v14+s16+$0x0] =	vst.idx.msk $0xffff, v11;
	v14 =	vmov s0  }
.Ltmp28:
0x1ca: {  	v13 =	vld [tilespmem:s28+$0xFFFFFF90];
	v15 =	vadd.s32 v6, v9;
	[tilespmem:v12+s16+$0x0] =	vst.idx.msk $0xffff, v10;
	v10 =	vmov s1;
	v23 =	vand.u32 $0x7D, v14;
	(pc) =	sbr.rel @!p2 .LBB2_47-.Ltmp28, $4  }
0x1cb: {  	v11 =	vld [tilespmem:s28+$0xFFFFFFB0];
	v22 =	vand.u32 $0x7E, v10;
	v14 =	vadd.s32 v6, v23  }
0x1cc: {  	v10 =	vld [tilespmem:s28+$0xFFFFFFD0];
	[tilespmem:v20+s16+$0x0] =	vst.idx.msk $0xffff, v19;
	v12 =	vadd.s32 v6, v22  }
0x1cd: {  	s24 =	simm.s32 $0xB;
	v19 =	vadd.s32 v7, v18;
	[tilespmem:v21+s16+$0x0] =	vst.idx.msk $0xffff, v17;
	v17 =	vld [tilespmem:s26+$0xFFFFFFC0]  }
0x1ce: {  	p0 =	por $0x1, $0x1;
	s25 =	simm.s32 $0x98F0;
	s0 =	simm.s32 $0xC;
	v20 =	vld [tilespmem:s26+$0xFFFFFFE0];
	[tilespmem:v25+s16+$0x0] =	vst.idx.msk $0xffff, v24;
	v21 =	vadd.s32 v7, v16  }
.LBB2_48:
0x1cf: {  	p2 =	slt.u32 s0, $0x7C;
	v16 =	vmov s24;
	[tilespmem:v15+s16+$0x0] =	vst.idx.msk $0xffff, v13;
	v18 =	vld [tilespmem:s28+$0x0];
	v24 =	vadd.s32 v7, v8  }
0x1d0: {  	v13 =	vmov s23;
	s1 =	sadd.s32 $0x1, s23;
	v25 =	vadd.s32 v7, v9;
	s28 =	sadd.s32 $0x80, s28;
	v8 =	vand.u32 $0x7F, v16;
	v16 =	vld [tilespmem:s25+$0xFFFFFFA0];
	[tilespmem:v14+s16+$0x0] =	vst.idx.msk $0xffff, v11  }
0x1d1: {  	v9 =	vand.u32 $0x7C, v13;
	v11 =	vmov s1;
	s1 =	sadd.s32 $0x2, s23;
	s23 =	smov.u32 s0;
	v26 =	vld [tilespmem:s28+$0xFFFFFFF0];
	v27 =	vadd.s32 v6, v8;
	[tilespmem:v12+s16+$0x0] =	vst.idx.msk $0xffff, v10  }
.Ltmp29:
0x1d2: {  	v15 =	vadd.s32 v6, v9;
	v28 =	vand.u32 $0x7D, v11;
	v10 =	vmov s1;
	v13 =	vld [tilespmem:s28+$0xFFFFFF90];
	[tilespmem:v19+s16+$0x0] =	vst.idx.msk $0xffff, v17;
	(pc) =	sbr.rel @p2 .LBB2_48-.Ltmp29, $4  }
0x1d3: {  	v14 =	vadd.s32 v6, v28;
	v29 =	vand.u32 $0x7E, v10;
	v11 =	vld [tilespmem:s28+$0xFFFFFFB0];
	[tilespmem:v21+s16+$0x0] =	vst.idx.msk $0xffff, v20  }
0x1d4: {  	v12 =	vadd.s32 v6, v29;
	v10 =	vld [tilespmem:s28+$0xFFFFFFD0];
	[tilespmem:v24+s16+$0x0] =	vst.idx.msk $0xffff, v18  }
0x1d5: {  	v19 =	vadd.s32 v7, v23;
	v23 =	vmov v28;
	[tilespmem:v25+s16+$0x0] =	vst.idx.msk $0xffff, v16;
	v17 =	vld [tilespmem:s25+$0xFFFFFFC0]  }
0x1d6: {  	s0 =	sadd.s32 $0x4, s0;
	s24 =	sadd.s32 $0x3, s23;
	v21 =	vadd.s32 v7, v22;
	v22 =	vmov v29;
	[tilespmem:v27+s16+$0x0] =	vst.idx.msk $0xffff, v26;
	v20 =	vld [tilespmem:s25+$0xFFFFFFE0];
	s25 =	smov.u32 s28  }
0x1d7: {  	v18 =	vmov v23;
	v16 =	vmov v22  }
.LBB2_50:
0x1d8: {  	_ =	sdelay $0x3  }
0x1d9: {  	[tilespmem:v15+s16+$0x0] =	vst.idx.msk @p1 $0xffff, v13;
	v13 =	vld @p1 [tilespmem:s28+$0x0];
	s0 =	sadd.s32 @p1 $0x80, s28  }
0x1da: {  	v48 =	vmov s24;
	v8 =	vadd.s32 @p1 v7, v8;
	v22 =	vld @p1 [tilespmem:s25+$0xFFFFFFA0];
	s26 =	smov.u32 @p1 s0  }
0x1db: {  	v23 =	vmov s23;
	s29 =	sadd.s32 $0x1, s23;
	v9 =	vadd.s32 @p1 v7, v9;
	[tilespmem:v14+s16+$0x0] =	vst.idx.msk @p1 $0xffff, v11;
	v15 =	vand.u32 $0x7F, v48;
	v49 =	vld [tilespmem:s26+$0xFFFFFFF0]  }
0x1dc: {  	s30 =	sadd.s32 $0x2, s23;
	v50 =	vand.u32 $0x7C, v23;
	v51 =	vmov s29;
	[tilespmem:v12+s16+$0x0] =	vst.idx.msk @p1 $0xffff, v10;
	v24 =	vadd.s32 v6, v15;
	v52 =	vld [tilespmem:s26+$0xFFFFFF90]  }
0x1dd: {  	v25 =	vmov s30;
	v53 =	vadd.s32 v6, v50;
	v23 =	vand.u32 $0x7D, v51;
	[tilespmem:v19+s16+$0x0] =	vst.idx.msk @p0 $0xffff, v17;
	v54 =	vld [tilespmem:s26+$0xFFFFFFB0]  }
0x1de: {  	v25 =	vand.u32 $0x7E, v25;
	v56 =	vld [tilespmem:s26+$0xFFFFFFD0];
	v55 =	vadd.s32 v6, v23;
	[tilespmem:v21+s16+$0x0] =	vst.idx.msk @p0 $0xffff, v20  }
0x1df: {  	v57 =	vadd.s32 v6, v25;
	[tilespmem:v8+s16+$0x0] =	vst.idx.msk @p1 $0xffff, v13;
	v8 =	vld @p1 [tilespmem:s25+$0xFFFFFFC0];
	v13 =	vadd.s32 @p1 v7, v18  }
0x1e0: {  	v16 =	vadd.s32 @p1 v7, v16;
	[tilespmem:v9+s16+$0x0] =	vst.idx.msk @p1 $0xffff, v22;
	v9 =	vld @p1 [tilespmem:s25+$0xFFFFFFE0];
	v13 =	vpsel p1, v13, v0  }
0x1e1: {  	v11 =	vpsel p1, v16, v0;
	[tilespmem:v24+s16+$0x0] =	vst.idx.msk $0xffff, v49  }
0x1e2: {  	v59 =	vadd.s32 v7, v15;
	[tilespmem:v53+s16+$0x0] =	vst.idx.msk $0xffff, v52;
	v58 =	vld [tilespmem:s26+$0x0]  }
0x1e3: {  	s31 =	sshll.u32 s22, $0x2;
	v14 =	vadd.s32 v7, v50;
	v60 =	vld [tilespmem:s26+$0xFFFFFFA0];
	[tilespmem:v55+s16+$0x0] =	vst.idx.msk $0xffff, v54  }
0x1e4: {  	s0 =	sadd.s32 s5, s31;
	v62 =	vadd.s32 v7, v23;
	[tilespmem:v57+s16+$0x0] =	vst.idx.msk $0xffff, v56;
	v61 =	vld [tilespmem:s26+$0xFFFFFFC0];
	v8 =	vpsel p1, v8, v0  }
0x1e5: {  	s1 =	sshll.u32 s0, $0x2;
	v63 =	vadd.s32 v7, v25;
	v9 =	vpsel p1, v9, v0;
	[tilespmem:v13+s16+$0x0] =	vst.idx.msk @p1 $0xffff, v8;
	v8 =	vld [tilespmem:s26+$0xFFFFFFE0]  }
0x1e6: {  	s0 =	sand.u32 $0x7C, s0;
	s1 =	sand.u32 $0x3FFE00, s1;
	[tilespmem:v11+s16+$0x0] =	vst.idx.msk @p1 $0xffff, v9  }
0x1e7: {  	s0 =	sor.u32 s0, s1;
	[tilespmem:v59+s16+$0x0] =	vst.idx.msk $0xffff, v58  }
0x1e8: {  	s23 =	sshll.u32 s0, $0x7;
	[tilespmem:v14+s16+$0x0] =	vst.idx.msk $0xffff, v60  }
0x1e9: {  	s24 =	simm.s32 $0x10;
	s0 =	sadd.s32 s2, s23;
	[tilespmem:v62+s16+$0x0] =	vst.idx.msk $0xffff, v61  }
0x1ea: {  	s1 =	simm.s32 $0xEC00;
	s25 =	simm.s32 $0xEC88;
	s26 =	sadd.s32 $0x0, s0;
	[tilespmem:v63+s16+$0x0] =	vst.idx.msk $0xffff, v8  }
.LBB2_51:
0x1eb: {  	[hbm4b:s26+s3] =	stream.linear.scatter [tilespmem:s1], [sflag:$0x4], $0x80, $0x38;
	[tilespmem:$0x13000] =	vst v63  }
0x1ec: {  	s26 =	smov.u32 s24;
	s1 =	smov.u32 s25;
	p0 =	sne.s32 s24, $0x1F0  }
.Ltmp30:
0x1ed: {  	s24 =	sadd.s32 $0x10, s24;
	(pc) =	sbr.rel @p0 .LBB2_51-.Ltmp30, $2  }
0x1ee: {  	_ =	sdelay $0x2  }
0x1ef: {  	s25 =	sadd.s32 $0x88, s25;
	s26 =	sadd.s32 s26, s0  }
0x1f0: {  	[hbm4b:s26+s3] =	stream.linear.scatter [tilespmem:s1], [sflag:$0x4], $0x80, $0x38;
	[tilespmem:$0x13000] =	vst v63  }
0x1f1: {  	s0 =	sadd.s32 s23, s7;
	s1 =	simm.s32 $0xFD00  }
0x1f2: {  	s24 =	simm.s32 $0x10;
	s25 =	simm.s32 $0xFD88;
	s26 =	sadd.s32 $0x0, s0  }
.LBB2_53:
0x1f3: {  	[hbm4b:s26+s3] =	stream.linear.scatter [tilespmem:s1], [sflag:$0x4], $0x80, $0x38;
	[tilespmem:$0x13000] =	vst v63  }
0x1f4: {  	s26 =	smov.u32 s24;
	s1 =	smov.u32 s25;
	p0 =	sne.s32 s24, $0x1F0  }
.Ltmp31:
0x1f5: {  	s24 =	sadd.s32 $0x10, s24;
	(pc) =	sbr.rel @p0 .LBB2_53-.Ltmp31, $2  }
0x1f6: {  	_ =	sdelay $0x2  }
0x1f7: {  	s25 =	sadd.s32 $0x88, s25;
	s26 =	sadd.s32 s26, s0  }
0x1f8: {  	[hbm4b:s26+s3] =	stream.linear.scatter [tilespmem:s1], [sflag:$0x4], $0x80, $0x38;
	[tilespmem:$0x13000] =	vst v63  }
0x1f9: {  	s0 =	sadd.s32 s23, s8;
	s1 =	simm.s32 $0x10E00  }
0x1fa: {  	s24 =	simm.s32 $0x10;
	s25 =	simm.s32 $0x10E88;
	s26 =	sadd.s32 $0x0, s0  }
.LBB2_55:
0x1fb: {  	[hbm4b:s26+s3] =	stream.linear.scatter [tilespmem:s1], [sflag:$0x4], $0x80, $0x38;
	[tilespmem:$0x13000] =	vst v63  }
0x1fc: {  	s26 =	smov.u32 s24;
	s1 =	smov.u32 s25;
	p0 =	sne.s32 s24, $0x1F0  }
.Ltmp32:
0x1fd: {  	s24 =	sadd.s32 $0x10, s24;
	(pc) =	sbr.rel @p0 .LBB2_55-.Ltmp32, $2  }
0x1fe: {  	_ =	sdelay $0x2  }
0x1ff: {  	s25 =	sadd.s32 $0x88, s25;
	s26 =	sadd.s32 s26, s0  }
0x200: {  	[hbm4b:s26+s3] =	stream.linear.scatter [tilespmem:s1], [sflag:$0x4], $0x80, $0x38;
	[tilespmem:$0x13000] =	vst v63  }
0x201: {  	s0 =	sadd.s32 s23, s9;
	s1 =	simm.s32 $0x11F00  }
0x202: {  	s23 =	simm.s32 $0x10;
	s24 =	simm.s32 $0x11F88;
	s25 =	sadd.s32 $0x0, s0  }
.LBB2_57:
0x203: {  	[hbm4b:s25+s3] =	stream.linear.scatter [tilespmem:s1], [sflag:$0x4], $0x80, $0x38;
	[tilespmem:$0x13000] =	vst v63  }
0x204: {  	s25 =	smov.u32 s23;
	s1 =	smov.u32 s24;
	p0 =	sne.s32 s23, $0x1F0  }
.Ltmp33:
0x205: {  	s23 =	sadd.s32 $0x10, s23;
	(pc) =	sbr.rel @p0 .LBB2_57-.Ltmp33, $2  }
0x206: {  	_ =	sdelay $0x2  }
0x207: {  	s24 =	sadd.s32 $0x88, s24;
	s25 =	sadd.s32 s25, s0  }
.Ltmp34:
0x208: {  	(pc) =	sbr.rel .LBB2_59-.Ltmp34, $2  }
0x209: {  	_ =	sdelay $0x2  }
0x20a: {  	[hbm4b:s25+s3] =	stream.linear.scatter [tilespmem:s1], [sflag:$0x4], $0x80, $0x38;
	[tilespmem:$0x13000] =	vst v63  }
.LBB2_43:
.Ltmp35:
0x20b: {  	(pc) =	sbr.rel .LBB2_50-.Ltmp35, $2  }
0x20c: {  	_ =	sdelay $0x2  }
0x20d: {  	s28 =	simm.s32 $0x9870;
	p1 =	por $0x0, $0x0  }
.LBB2_37:
.Ltmp36:
0x20e: {  	(pc) =	sbr.rel .LBB2_42-.Ltmp36, $3  }
0x20f: {  	_ =	sdelay $0x1  }
0x210: {  	s29 =	simm.s32 $0x8870  }
0x211: {  	s28 =	simm.s32 $0x4;
	s30 =	simm.s32 $0x8870;
	p3 =	por $0x0, $0x0  }
.LBB2_45:
.Ltmp37:
0x212: {  	(pc) =	sbr.rel .LBB2_50-.Ltmp37, $2  }
0x213: {  	_ =	sdelay $0x2  }
0x214: {  	s28 =	simm.s32 $0x9870;
	s23 =	simm.s32 $0x4;
	s25 =	simm.s32 $0x9870  }
.LBB2_39:
.Ltmp38:
0x215: {  	(pc) =	sbr.rel .LBB2_42-.Ltmp38, $2  }
0x216: {  	_ =	sdelay $0x2  }
0x217: {  	s30 =	simm.s32 $0x88F0;
	v18 =	vmov v23;
	v16 =	vmov v22  }
.LBB2_47:
.Ltmp39:
0x218: {  	(pc) =	sbr.rel .LBB2_50-.Ltmp39, $2  }
0x219: {  	_ =	sdelay $0x2  }
0x21a: {  	s25 =	simm.s32 $0x98F0;
	v18 =	vmov v23;
	v16 =	vmov v22  }
.LBB2_15:
.Ltmp40:
0x21b: {  	(pc) =	sbr.rel .LBB2_22-.Ltmp40, $2  }
0x21c: {  	_ =	sdelay $0x2  }
0x21d: {  	s29 =	simm.s32 $0x5870;
	p1 =	por $0x0, $0x0  }
.LBB2_9:
.Ltmp41:
0x21e: {  	(pc) =	sbr.rel .LBB2_14-.Ltmp41, $3  }
0x21f: {  	_ =	sdelay $0x1  }
0x220: {  	s30 =	simm.s32 $0x4870  }
0x221: {  	s29 =	simm.s32 $0x4;
	s31 =	simm.s32 $0x4870;
	p3 =	por $0x0, $0x0  }
.LBB2_17:
.Ltmp42:
0x222: {  	(pc) =	sbr.rel .LBB2_22-.Ltmp42, $2  }
0x223: {  	_ =	sdelay $0x2  }
0x224: {  	s29 =	simm.s32 $0x5870;
	s24 =	simm.s32 $0x4;
	s26 =	simm.s32 $0x5870  }
.LBB2_11:
.Ltmp43:
0x225: {  	(pc) =	sbr.rel .LBB2_14-.Ltmp43, $2  }
0x226: {  	_ =	sdelay $0x2  }
0x227: {  	s31 =	simm.s32 $0x48F0;
	v18 =	vmov v23;
	v16 =	vmov v22  }
.LBB2_19:
.Ltmp44:
0x228: {  	(pc) =	sbr.rel .LBB2_22-.Ltmp44, $2  }
0x229: {  	_ =	sdelay $0x2  }
0x22a: {  	s26 =	simm.s32 $0x58F0;
	v18 =	vmov v23;
	v16 =	vmov v22  }
.LBB2_61:
0x22b: {  	_ =	sfence.sel $0x180000  }
0x22c: {  	[bflag:$0x0] =	sbarrier.arrive $0xFFFF  }
0x22d: {  	_ =	strace $0x9000004A  }
0x22e: {  	s0 =	stileid.u32;
	[bflag:$0x2] =	sbarrier.arrive $0xFFFF  }
0x22f: {  	p0 =	sne.s32 s0, $0x0;
	s0 =	rddreg [dreg:$0x2]  }
0x230: {  	s0 =	sadd.s32 @!p0 $0x100000, s0  }
0x231: {  	[sflag:s0] =	ssyncadd.tile.s32 @!p0 $0x1;
	_ =	shalt  }
.Lfunc_end2:
_tile_overlayer_lowered:
.L_overlay_start_2:
0x232: {  	(tag) =	ssettag $0x2  }
0x233: {  	s0 =	rddreg [dreg:$0x0];
	s2 =	stileid.u32  }
0x234: {  	s1 =	rddreg [dreg:$0x1];
	p0 =	sne.s32 s2, $0x0  }
0x235: {  	s3 =	rddreg [dreg:$0x2];
	[bflag:$0x3] =	sbarrier.arrive $0xFFFF;
	s2 =	simm.s32 @!p0 $0x1C05  }
0x236: {  	[timem:s3], [sflag:s2] =	dma.local @!p0 [hbm:s0], s1  }
0x237: {  	s0 =	simm.s32 @!p0 $0x5  }
0x238: {  	_ =	swait.ge @!p0 [sflag:s0], s1  }
0x239: {  	s1 =	ssub.s32 @!p0 $0x0, s1;
	[sflag:s0] =	ssyncset.done @!p0 $0x0  }
0x23a: {  	[sflag:s0] =	ssyncadd.s32 @!p0 s1  }
0x23b: {  	[bflag:$0x3] =	sbarrier.arrive $0xFFFF  }
0x23c: {  	_ =	shalt  }

</sc_bundles>
